<compile_context>
chip_gen: v7x
topology: tpu7x:2x2x1
jax: 0.10.2.dev20260603
libtpu: 0.0.44.dev20260713+nightly
codegen_flags: <defaults>
</compile_context>

<pallas_src>
import functools

import jax
import jax.numpy as jnp
from jax import lax
from jax.experimental import pallas as pl
from jax.experimental.pallas import tpu as pltpu
from jax.experimental.pallas import tpu_sc as plsc

_NC = 2
_NS = 16
_NW = _NC * _NS
_L = 16
_K = 64


def _node_tables_body(x_ref, bt_ref, w1d_ref, w1s_ref, u_ref, w1u_ref,
                      b1_ref, a_ref, b_ref):
    n_graphs = u_ref.shape[0]
    cu = jnp.dot(u_ref[...], w1u_ref[...],
                 preferred_element_type=jnp.float32) + b1_ref[...]
    oh = (bt_ref[...] == lax.broadcasted_iota(jnp.int32, (1, n_graphs), 1)
          ).astype(jnp.float32)
    xb = x_ref[...]
    a_ref[...] = (jnp.dot(xb, w1d_ref[...], preferred_element_type=jnp.float32)
                  + jnp.dot(oh, cu, preferred_element_type=jnp.float32))
    b_ref[...] = jnp.dot(xb, w1s_ref[...], preferred_element_type=jnp.float32)


def _make_edge_term_body(n_edges, eblk):
    def _edge_term_body(ea_ref, w1e_ref, e_ref):
        i = pl.program_id(0)
        row = i * eblk + lax.broadcasted_iota(jnp.int32, (eblk, 1), 0)
        pad = jnp.where(row >= n_edges, jnp.float32(-1e30), jnp.float32(0.0))
        e_ref[...] = jnp.dot(ea_ref[...], w1e_ref[...],
                             preferred_element_type=jnp.float32) + pad
    return _edge_term_body


def _final_body(x_ref, agg_ref, bt_ref, w2x_ref, w2m_ref, u_ref, w2u_ref,
                b2_ref, o_ref):
    n_graphs = u_ref.shape[0]
    cu = jnp.dot(u_ref[...], w2u_ref[...],
                 preferred_element_type=jnp.float32) + b2_ref[...]
    oh = (bt_ref[...] == lax.broadcasted_iota(jnp.int32, (1, n_graphs), 1)
          ).astype(jnp.float32)
    agg = agg_ref[0] + agg_ref[1]
    acc = jnp.dot(x_ref[...], w2x_ref[...], preferred_element_type=jnp.float32)
    acc = acc + jnp.dot(agg, w2m_ref[...], preferred_element_type=jnp.float32)
    acc = acc + jnp.dot(oh, cu, preferred_element_type=jnp.float32)
    o_ref[...] = jnp.maximum(acc, 0.0)


def _make_sc_edge_kernel(n_nodes, n_chunks, d):
    assert n_chunks % _NW == 0
    n_iter = n_chunks // _NW
    assert n_iter % 2 == 0
    rpt = (n_nodes // _NS) // 8 * 8
    tail = n_nodes - _NS * rpt
    wchunks = [(o, _K) for o in range(0, rpt - rpt % _K, _K)]
    if rpt % _K:
        wchunks.append((rpt - rpt % _K, rpt % _K))
    nj = d // _L

    mesh = plsc.VectorSubcoreMesh(core_axis_name="c", subcore_axis_name="s",
                                  num_cores=_NC, num_subcores=_NS)

    @functools.partial(
        pl.kernel,
        out_type=jax.ShapeDtypeStruct((_NC, n_nodes, d), jnp.float32),
        mesh=mesh,
        scratch_types=(
            [pltpu.VMEM((2, _K), jnp.int32)] * 2
            + [pltpu.VMEM((_K, d), jnp.float32)] * 6
            + [pltpu.VMEM_SHARED((n_nodes, d), jnp.float32)]
            + [pltpu.SemaphoreType.DMA] * 6
        ),
    )
    def sc_edge_kernel(a_hbm, b_hbm, e_hbm, didx_hbm, out_hbm, *scr):
        di = scr[0:2]
        ba = scr[2:4]
        bb = scr[4:6]
        be = scr[6:8]
        aggs = scr[8]
        sa = scr[9:11]
        sb = scr[11:13]
        se = scr[13:15]
        c = lax.axis_index("c")
        s = lax.axis_index("s")
        wid = s * _NC + c

        def gather_start(i, p):
            base = (i * _NW + wid) * _K
            pltpu.sync_copy(didx_hbm.at[i * _NW + wid], di[p])
            pltpu.make_async_copy(e_hbm.at[pl.ds(base, _K), :], be[p],
                                  se[p]).start()
            pltpu.make_async_copy(b_hbm.at[di[p].at[1]], bb[p], sb[p]).start()
            pltpu.make_async_copy(a_hbm.at[di[p].at[0]], ba[p], sa[p]).start()

        def gather_wait(i, p):
            base = (i * _NW + wid) * _K
            pltpu.make_async_copy(e_hbm.at[pl.ds(base, _K), :], be[p],
                                  se[p]).wait()
            pltpu.make_async_copy(b_hbm.at[di[p].at[1]], bb[p], sb[p]).wait()
            pltpu.make_async_copy(a_hbm.at[di[p].at[0]], ba[p], sa[p]).wait()

        gather_start(0, 0)

        def zero_row(r, carry):
            for j in range(nj):
                bb[1][r, pl.ds(j * _L, _L)] = jnp.zeros((_L,), jnp.float32)
            return carry
        lax.fori_loop(0, _K, zero_row, 0)
        for off, sz in wchunks:
            pltpu.sync_copy(bb[1].at[pl.ds(0, sz), :],
                            aggs.at[pl.ds(s * rpt + off, sz), :])
        if tail:
            @pl.when(s == 0)
            def _zero_tail():
                pltpu.sync_copy(bb[1].at[pl.ds(0, tail), :],
                                aggs.at[pl.ds(_NS * rpt, tail), :])
        plsc.subcore_barrier()

        def sub_iter(i, p):
            @pl.when(i + 1 < n_iter)
            def _():
                gather_start(i + 1, 1 - p)
            gather_wait(i, p)

            def msg_rows(r2, carry2):
                r = r2 * 2
                for rr in range(2):
                    for j in range(nj):
                        sl = pl.ds(j * _L, _L)
                        v = (ba[p][r + rr, sl] + bb[p][r + rr, sl]
                             + be[p][r + rr, sl])
                        ba[p][r + rr, sl] = jnp.maximum(v, 0.0)
                return carry2
            lax.fori_loop(0, _K // 2, msg_rows, 0)

            pltpu.sync_copy(ba[p], aggs.at[di[p].at[0]], add=True)

        def loop_body(i2, carry):
            sub_iter(i2 * 2, 0)
            sub_iter(i2 * 2 + 1, 1)
            return carry
        lax.fori_loop(0, n_iter // 2, loop_body, 0)
        plsc.subcore_barrier()

        for off, sz in wchunks:
            r0 = s * rpt + off
            pltpu.sync_copy(aggs.at[pl.ds(r0, sz), :],
                            bb[1].at[pl.ds(0, sz), :])
            pltpu.sync_copy(bb[1].at[pl.ds(0, sz), :],
                            out_hbm.at[c, pl.ds(r0, sz), :])
        if tail:
            @pl.when(s == 0)
            def _write_tail():
                r0 = _NS * rpt
                pltpu.sync_copy(aggs.at[pl.ds(r0, tail), :],
                                bb[1].at[pl.ds(0, tail), :])
                pltpu.sync_copy(bb[1].at[pl.ds(0, tail), :],
                                out_hbm.at[c, pl.ds(r0, tail), :])

    return sc_edge_kernel


def kernel(x, edge_index, edge_attr, u, batch, W1, b1, W2, b2):
    n_nodes, d = x.shape
    n_edges, d_edge = edge_attr.shape
    n_graphs, d_u = u.shape
    assert n_nodes % _NS == 0

    grp = _NW * _K * 2
    n_pad = -(-n_edges // grp) * grp
    n_chunks = n_pad // _K

    dst = edge_index[1].astype(jnp.int32)
    src = edge_index[0].astype(jnp.int32)
    pad1 = jnp.zeros((n_pad - n_edges,), jnp.int32)
    didx = jnp.stack([
        jnp.concatenate([dst, pad1]).reshape(n_chunks, _K),
        jnp.concatenate([src, pad1]).reshape(n_chunks, _K)], axis=1)
    ea_pad = jnp.concatenate(
        [edge_attr, jnp.zeros((n_pad - n_edges, d_edge), jnp.float32)], axis=0)
    bt2 = batch.astype(jnp.int32).reshape(n_nodes, 1)

    W1d = W1[0:d]
    W1s = W1[d:2 * d]
    W1e = W1[2 * d:2 * d + d_edge]
    W1u = W1[2 * d + d_edge:]
    b1r = b1.reshape(1, d)
    W2x = W2[0:d]
    W2m = W2[d:2 * d]
    W2u = W2[2 * d:]
    b2r = b2.reshape(1, d)

    nblk = 1000
    ngrid = n_nodes // nblk
    a_tab, b_tab = pl.pallas_call(
        _node_tables_body,
        grid=(ngrid,),
        in_specs=[
            pl.BlockSpec((nblk, d), lambda i: (i, 0)),
            pl.BlockSpec((nblk, 1), lambda i: (i, 0)),
            pl.BlockSpec((d, d), lambda i: (0, 0)),
            pl.BlockSpec((d, d), lambda i: (0, 0)),
            pl.BlockSpec((n_graphs, d_u), lambda i: (0, 0)),
            pl.BlockSpec((d_u, d), lambda i: (0, 0)),
            pl.BlockSpec((1, d), lambda i: (0, 0)),
        ],
        out_specs=[
            pl.BlockSpec((nblk, d), lambda i: (i, 0)),
            pl.BlockSpec((nblk, d), lambda i: (i, 0)),
        ],
        out_shape=[
            jax.ShapeDtypeStruct((n_nodes, d), jnp.float32),
            jax.ShapeDtypeStruct((n_nodes, d), jnp.float32),
        ],
    )(x, bt2, W1d, W1s, u, W1u, b1r)

    eblk = 4096
    assert n_pad % eblk == 0
    egrid = n_pad // eblk
    e_term = pl.pallas_call(
        _make_edge_term_body(n_edges, eblk),
        grid=(egrid,),
        in_specs=[
            pl.BlockSpec((eblk, d_edge), lambda i: (i, 0)),
            pl.BlockSpec((d_edge, d), lambda i: (0, 0)),
        ],
        out_specs=pl.BlockSpec((eblk, d), lambda i: (i, 0)),
        out_shape=jax.ShapeDtypeStruct((n_pad, d), jnp.float32),
    )(ea_pad, W1e)

    sc_edge = _make_sc_edge_kernel(n_nodes, n_chunks, d)
    agg_parts = sc_edge(a_tab, b_tab, e_term, didx)

    out = pl.pallas_call(
        _final_body,
        grid=(ngrid,),
        in_specs=[
            pl.BlockSpec((nblk, d), lambda i: (i, 0)),
            pl.BlockSpec((_NC, nblk, d), lambda i: (0, i, 0)),
            pl.BlockSpec((nblk, 1), lambda i: (i, 0)),
            pl.BlockSpec((d, d), lambda i: (0, 0)),
            pl.BlockSpec((d, d), lambda i: (0, 0)),
            pl.BlockSpec((n_graphs, d_u), lambda i: (0, 0)),
            pl.BlockSpec((d_u, d), lambda i: (0, 0)),
            pl.BlockSpec((1, d), lambda i: (0, 0)),
        ],
        out_specs=pl.BlockSpec((nblk, d), lambda i: (i, 0)),
        out_shape=jax.ShapeDtypeStruct((n_nodes, d), jnp.float32),
    )(x, agg_parts, bt2, W2x, W2m, u, W2u, b2r)
    return out

# --- scband reference (transcript-rebuilt; emitter-appended) ---
"""Pipeline reference for scband-node-model-35012573397768 (READ-ONLY COPY).

The authoritative reference and input builder live on the scoring server;
editing this copy changes nothing except your own understanding.
"""

import jax, jax.numpy as jnp
import numpy as np

N_NODES = 10000
N_EDGES = 320000
D_FEAT = 128
D_EDGE = 16
D_U = 64
N_GRAPHS = 16
IN_MLP1 = 2 * D_FEAT + D_EDGE + D_U  # 336
IN_MLP2 = D_FEAT + 128 + D_U         # 320
OUT_DIM = 128


def setup_inputs(seed: int = 0) -> dict:
    key = jax.random.key(seed)
    ks = jax.random.split(key, 10)
    x = jax.random.normal(ks[0], (N_NODES, D_FEAT), dtype=jnp.float32)
    edge_index = jax.random.randint(ks[1], (2, N_EDGES), 0, N_NODES, dtype=jnp.int64 if jax.config.read('jax_enable_x64') else jnp.int32)
    edge_attr = jax.random.normal(ks[2], (N_EDGES, D_EDGE), dtype=jnp.float32)
    u = jax.random.normal(ks[3], (N_GRAPHS, D_U), dtype=jnp.float32)
    batch = jnp.sort(jax.random.randint(ks[4], (N_NODES,), 0, N_GRAPHS, dtype=jnp.int64 if jax.config.read('jax_enable_x64') else jnp.int32))
    # MLP1: Linear(336 -> 128) + ReLU ; MLP2: Linear(320 -> 128) + ReLU
    lim1 = 1.0 / np.sqrt(IN_MLP1)
    W1 = jax.random.uniform(ks[5], (IN_MLP1, OUT_DIM), minval=-lim1, maxval=lim1, dtype=jnp.float32)
    b1 = jax.random.uniform(ks[6], (OUT_DIM,), minval=-lim1, maxval=lim1, dtype=jnp.float32)
    lim2 = 1.0 / np.sqrt(IN_MLP2)
    W2 = jax.random.uniform(ks[7], (IN_MLP2, OUT_DIM), minval=-lim2, maxval=lim2, dtype=jnp.float32)
    b2 = jax.random.uniform(ks[8], (OUT_DIM,), minval=-lim2, maxval=lim2, dtype=jnp.float32)
    return {"x": x, "edge_index": edge_index, "edge_attr": edge_attr, "u": u, "batch": batch,
            "W1": W1, "b1": b1, "W2": W2, "b2": b2}


def reference(x, edge_index, edge_attr, u, batch, W1, b1, W2, b2):
    source_features = jnp.take(x, edge_index[0], axis=0)
    dest_features = jnp.take(x, edge_index[1], axis=0)
    u_edge = jnp.take(u, jnp.take(batch, edge_index[1], axis=0), axis=0)
    edge_input = jnp.concatenate([dest_features, source_features, edge_attr, u_edge], axis=1)
    edge_messages = jax.nn.relu(edge_input @ W1 + b1)
    aggregated_messages = jax.ops.segment_sum(edge_messages, edge_index[1], num_segments=x.shape[0])
    u_expanded = jnp.take(u, batch, axis=0)
    node_input = jnp.concatenate([x, aggregated_messages, u_expanded], axis=1)
    updated_node_features = jax.nn.relu(node_input @ W2 + b2)
    return updated_node_features

if __name__ == "__main__":
    import jax
    _d = setup_inputs()
    print(jax.jit(kernel)(*tuple(_d.values())))

</pallas_src>

<mosaic_0001>
#map = affine_map<(d0, d1) -> (0, 0)>
#map1 = affine_map<(d0, d1) -> (0, 0, 0)>
module attributes {stable_mosaic.version = 14 : i64} {
  func.func @sc_edge_kernel(%arg0: i32, %arg1: i32, %arg2: memref<10000x128xf32, #tpu.memory_space<hbm>>, %arg3: memref<10000x128xf32, #tpu.memory_space<hbm>>, %arg4: memref<323584x128xf32, #tpu.memory_space<hbm>>, %arg5: memref<5056x2x64xi32, #tpu.memory_space<hbm>>, %arg6: memref<2x10000x128xf32, #tpu.memory_space<hbm>>, %arg7: memref<2x64xi32, #tpu.memory_space<vmem>>, %arg8: memref<2x64xi32, #tpu.memory_space<vmem>>, %arg9: memref<64x128xf32, #tpu.memory_space<vmem>>, %arg10: memref<64x128xf32, #tpu.memory_space<vmem>>, %arg11: memref<64x128xf32, #tpu.memory_space<vmem>>, %arg12: memref<64x128xf32, #tpu.memory_space<vmem>>, %arg13: memref<64x128xf32, #tpu.memory_space<vmem>>, %arg14: memref<64x128xf32, #tpu.memory_space<vmem>>, %arg15: memref<10000x128xf32, #tpu.memory_space<vmem_shared>>, %arg16: memref<!tpu.dma_semaphore, #tpu.memory_space<semaphore_mem>>, %arg17: memref<!tpu.dma_semaphore, #tpu.memory_space<semaphore_mem>>, %arg18: memref<!tpu.dma_semaphore, #tpu.memory_space<semaphore_mem>>, %arg19: memref<!tpu.dma_semaphore, #tpu.memory_space<semaphore_mem>>, %arg20: memref<!tpu.dma_semaphore, #tpu.memory_space<semaphore_mem>>, %arg21: memref<!tpu.dma_semaphore, #tpu.memory_space<semaphore_mem>>) attributes {dimension_semantics = [#tpu.dimension_semantics<core_parallel>, #tpu.dimension_semantics<subcore_parallel>], iteration_bounds = array<i64: 2, 16>, scalar_prefetch = 0 : i64, scratch_operands = 15 : i64, tpu.core_type = #tpu.core_type<sc_vector_subcore>, window_params = [{transform_indices = #map}, {transform_indices = #map}, {transform_indices = #map}, {transform_indices = #map1}, {transform_indices = #map1}]} {
    %mul3A = arith.constant 2 : i32
    %mul3A_0 = arith.muli %arg1, %mul3A : i32
    %add3A = arith.addi %mul3A_0, %arg0 : i32
    %add3A_1 = arith.constant 0 : i32
    %add3A_2 = arith.addi %add3A_1, %add3A : i32
    %mul3A_3 = arith.constant 64 : i32
    %mul3A_4 = arith.muli %add3A_2, %mul3A_3 : i32
    %add3A_5 = arith.constant 0 : i32
    %add3A_6 = arith.addi %add3A_5, %add3A : i32
    "tpu.region"() ({
      %run_scoped3A = tpu.sem_alloc : memref<!tpu.dma_semaphore, #tpu.memory_space<semaphore_mem>>
      %dma_start3A_123 = arith.constant 0 : i32
      %dma_start3A_124 = arith.constant 0 : i32
      %dma_start3A_125 = tpu.memref_slice %arg5[%add3A_6, %dma_start3A_123, %dma_start3A_124] : memref<5056x2x64xi32, #tpu.memory_space<hbm>> -> memref<1x2x64xi32, #tpu.memory_space<hbm>>
      %dma_start3A_126 = tpu.memref_squeeze %dma_start3A_125 : memref<1x2x64xi32, #tpu.memory_space<hbm>> -> memref<2x64xi32, #tpu.memory_space<hbm>>
      %dma_start3A_127 = arith.constant 0 : i32
      %dma_start3A_128 = arith.constant 0 : i32
      %dma_start3A_129 = tpu.memref_slice %arg5[%add3A_6, %dma_start3A_127, %dma_start3A_128] : memref<5056x2x64xi32, #tpu.memory_space<hbm>> -> memref<1x2x64xi32, #tpu.memory_space<hbm>>
      %dma_start3A_130 = tpu.memref_squeeze %dma_start3A_129 : memref<1x2x64xi32, #tpu.memory_space<hbm>> -> memref<2x64xi32, #tpu.memory_space<hbm>>
      tpu.enqueue_dma source(%dma_start3A_130 : memref<2x64xi32, #tpu.memory_space<hbm>>) target(%arg7 : memref<2x64xi32, #tpu.memory_space<vmem>>) target_semaphore(%run_scoped3A : memref<!tpu.dma_semaphore, #tpu.memory_space<semaphore_mem>>)
      %dma_wait3A = arith.constant 0 : i32
      %dma_wait3A_131 = arith.constant 0 : i32
      %dma_wait3A_132 = tpu.memref_slice %arg5[%add3A_6, %dma_wait3A, %dma_wait3A_131] : memref<5056x2x64xi32, #tpu.memory_space<hbm>> -> memref<1x2x64xi32, #tpu.memory_space<hbm>>
      %dma_wait3A_133 = tpu.memref_squeeze %dma_wait3A_132 : memref<1x2x64xi32, #tpu.memory_space<hbm>> -> memref<2x64xi32, #tpu.memory_space<hbm>>
      %dma_wait3A_134 = arith.constant 0 : i32
      %dma_wait3A_135 = arith.constant 0 : i32
      %dma_wait3A_136 = tpu.memref_slice %arg5[%add3A_6, %dma_wait3A_134, %dma_wait3A_135] : memref<5056x2x64xi32, #tpu.memory_space<hbm>> -> memref<1x2x64xi32, #tpu.memory_space<hbm>>
      %dma_wait3A_137 = tpu.memref_squeeze %dma_wait3A_136 : memref<1x2x64xi32, #tpu.memory_space<hbm>> -> memref<2x64xi32, #tpu.memory_space<hbm>>
      tpu.wait_dma2 semaphore(%run_scoped3A : memref<!tpu.dma_semaphore, #tpu.memory_space<semaphore_mem>>) src(%dma_wait3A_137 : memref<2x64xi32, #tpu.memory_space<hbm>>) dst(%arg7 : memref<2x64xi32, #tpu.memory_space<vmem>>)
      tpu.yield
    }) : () -> ()
    %dma_start3A = arith.constant 0 : i32
    %dma_start3A_7 = tpu.memref_slice %arg4[%mul3A_4, %dma_start3A] : memref<323584x128xf32, #tpu.memory_space<hbm>> -> memref<64x128xf32, #tpu.memory_space<hbm>>
    %dma_start3A_8 = arith.constant 0 : i32
    %dma_start3A_9 = tpu.memref_slice %arg4[%mul3A_4, %dma_start3A_8] : memref<323584x128xf32, #tpu.memory_space<hbm>> -> memref<64x128xf32, #tpu.memory_space<hbm>>
    tpu.enqueue_dma source(%dma_start3A_9 : memref<64x128xf32, #tpu.memory_space<hbm>>) target(%arg13 : memref<64x128xf32, #tpu.memory_space<vmem>>) target_semaphore(%arg20 : memref<!tpu.dma_semaphore, #tpu.memory_space<semaphore_mem>>)
    %dma_start3A_10 = arith.constant 1 : i32
    %dma_start3A_11 = arith.constant 0 : i32
    %dma_start3A_12 = tpu.memref_slice %arg7[%dma_start3A_10, %dma_start3A_11] : memref<2x64xi32, #tpu.memory_space<vmem>> -> memref<1x64xi32, #tpu.memory_space<vmem>>
    %dma_start3A_13 = tpu.memref_squeeze %dma_start3A_12 : memref<1x64xi32, #tpu.memory_space<vmem>> -> memref<64xi32, #tpu.memory_space<vmem>>
    %dma_start3A_14 = arith.constant 0 : i32
    %dma_start3A_15 = arith.constant 0 : i32
    %dma_start3A_16 = tpu.memref_slice %arg3[%dma_start3A_14, %dma_start3A_15] : memref<10000x128xf32, #tpu.memory_space<hbm>> -> memref<10000x128xf32, #tpu.memory_space<hbm>>
    tpu.enqueue_indirect_dma source(%dma_start3A_16 : memref<10000x128xf32, #tpu.memory_space<hbm>>) target(%arg11 : memref<64x128xf32, #tpu.memory_space<vmem>>) offsets(%dma_start3A_13 : memref<64xi32, #tpu.memory_space<vmem>>) semaphore(%arg18 : memref<!tpu.dma_semaphore, #tpu.memory_space<semaphore_mem>>)
    %dma_start3A_17 = arith.constant 0 : i32
    %dma_start3A_18 = arith.constant 0 : i32
    %dma_start3A_19 = tpu.memref_slice %arg7[%dma_start3A_17, %dma_start3A_18] : memref<2x64xi32, #tpu.memory_space<vmem>> -> memref<1x64xi32, #tpu.memory_space<vmem>>
    %dma_start3A_20 = tpu.memref_squeeze %dma_start3A_19 : memref<1x64xi32, #tpu.memory_space<vmem>> -> memref<64xi32, #tpu.memory_space<vmem>>
    %dma_start3A_21 = arith.constant 0 : i32
    %dma_start3A_22 = arith.constant 0 : i32
    %dma_start3A_23 = tpu.memref_slice %arg2[%dma_start3A_21, %dma_start3A_22] : memref<10000x128xf32, #tpu.memory_space<hbm>> -> memref<10000x128xf32, #tpu.memory_space<hbm>>
    tpu.enqueue_indirect_dma source(%dma_start3A_23 : memref<10000x128xf32, #tpu.memory_space<hbm>>) target(%arg9 : memref<64x128xf32, #tpu.memory_space<vmem>>) offsets(%dma_start3A_20 : memref<64xi32, #tpu.memory_space<vmem>>) semaphore(%arg16 : memref<!tpu.dma_semaphore, #tpu.memory_space<semaphore_mem>>)
    %scan3A = arith.constant 0 : i32
    %scan3A_24 = arith.constant 0 : i32
    %scan3A_25 = arith.constant 64 : i32
    %scan3A_26 = arith.addi %scan3A_24, %scan3A_25 : i32
    %scan3A_27 = arith.constant 1 : i32
    scf.for %scan3A_123 = %scan3A_24 to %scan3A_26 step %scan3A_27  : i32 {
      %broadcast_in_dim3A = arith.constant 0.000000e+00 : f32
      %broadcast_in_dim3A_124 = vector.broadcast %broadcast_in_dim3A : f32 to vector<16xf32>
      %swap3A = arith.index_cast %scan3A_123 : i32 to index
      %swap3A_125 = arith.constant 0 : index
      %swap3A_126 = tpu.vector_load %arg12[%swap3A, %swap3A_125] {strides = array<i32>} : memref<64x128xf32, #tpu.memory_space<vmem>>, vector<1x16xf32>,
      %swap3A_127 = vector.shape_cast %swap3A_126 : vector<1x16xf32> to vector<16xf32>
      %swap3A_128 = vector.shape_cast %broadcast_in_dim3A_124 : vector<16xf32> to vector<1x16xf32>
      tpu.vector_store %arg12[%swap3A, %swap3A_125], %swap3A_128 {strides = array<i32>} : memref<64x128xf32, #tpu.memory_space<vmem>>, vector<1x16xf32>,
      %broadcast_in_dim3A_129 = arith.constant 0.000000e+00 : f32
      %broadcast_in_dim3A_130 = vector.broadcast %broadcast_in_dim3A_129 : f32 to vector<16xf32>
      %swap3A_131 = arith.index_cast %scan3A_123 : i32 to index
      %swap3A_132 = arith.constant 16 : index
      %swap3A_133 = tpu.vector_load %arg12[%swap3A_131, %swap3A_132] {strides = array<i32>} : memref<64x128xf32, #tpu.memory_space<vmem>>, vector<1x16xf32>,
      %swap3A_134 = vector.shape_cast %swap3A_133 : vector<1x16xf32> to vector<16xf32>
      %swap3A_135 = vector.shape_cast %broadcast_in_dim3A_130 : vector<16xf32> to vector<1x16xf32>
      tpu.vector_store %arg12[%swap3A_131, %swap3A_132], %swap3A_135 {strides = array<i32>} : memref<64x128xf32, #tpu.memory_space<vmem>>, vector<1x16xf32>,
      %broadcast_in_dim3A_136 = arith.constant 0.000000e+00 : f32
      %broadcast_in_dim3A_137 = vector.broadcast %broadcast_in_dim3A_136 : f32 to vector<16xf32>
      %swap3A_138 = arith.index_cast %scan3A_123 : i32 to index
      %swap3A_139 = arith.constant 32 : index
      %swap3A_140 = tpu.vector_load %arg12[%swap3A_138, %swap3A_139] {strides = array<i32>} : memref<64x128xf32, #tpu.memory_space<vmem>>, vector<1x16xf32>,
      %swap3A_141 = vector.shape_cast %swap3A_140 : vector<1x16xf32> to vector<16xf32>
      %swap3A_142 = vector.shape_cast %broadcast_in_dim3A_137 : vector<16xf32> to vector<1x16xf32>
      tpu.vector_store %arg12[%swap3A_138, %swap3A_139], %swap3A_142 {strides = array<i32>} : memref<64x128xf32, #tpu.memory_space<vmem>>, vector<1x16xf32>,
      %broadcast_in_dim3A_143 = arith.constant 0.000000e+00 : f32
      %broadcast_in_dim3A_144 = vector.broadcast %broadcast_in_dim3A_143 : f32 to vector<16xf32>
      %swap3A_145 = arith.index_cast %scan3A_123 : i32 to index
      %swap3A_146 = arith.constant 48 : index
      %swap3A_147 = tpu.vector_load %arg12[%swap3A_145, %swap3A_146] {strides = array<i32>} : memref<64x128xf32, #tpu.memory_space<vmem>>, vector<1x16xf32>,
      %swap3A_148 = vector.shape_cast %swap3A_147 : vector<1x16xf32> to vector<16xf32>
      %swap3A_149 = vector.shape_cast %broadcast_in_dim3A_144 : vector<16xf32> to vector<1x16xf32>
      tpu.vector_store %arg12[%swap3A_145, %swap3A_146], %swap3A_149 {strides = array<i32>} : memref<64x128xf32, #tpu.memory_space<vmem>>, vector<1x16xf32>,
      %broadcast_in_dim3A_150 = arith.constant 0.000000e+00 : f32
      %broadcast_in_dim3A_151 = vector.broadcast %broadcast_in_dim3A_150 : f32 to vector<16xf32>
      %swap3A_152 = arith.index_cast %scan3A_123 : i32 to index
      %swap3A_153 = arith.constant 64 : index
      %swap3A_154 = tpu.vector_load %arg12[%swap3A_152, %swap3A_153] {strides = array<i32>} : memref<64x128xf32, #tpu.memory_space<vmem>>, vector<1x16xf32>,
      %swap3A_155 = vector.shape_cast %swap3A_154 : vector<1x16xf32> to vector<16xf32>
      %swap3A_156 = vector.shape_cast %broadcast_in_dim3A_151 : vector<16xf32> to vector<1x16xf32>
      tpu.vector_store %arg12[%swap3A_152, %swap3A_153], %swap3A_156 {strides = array<i32>} : memref<64x128xf32, #tpu.memory_space<vmem>>, vector<1x16xf32>,
      %broadcast_in_dim3A_157 = arith.constant 0.000000e+00 : f32
      %broadcast_in_dim3A_158 = vector.broadcast %broadcast_in_dim3A_157 : f32 to vector<16xf32>
      %swap3A_159 = arith.index_cast %scan3A_123 : i32 to index
      %swap3A_160 = arith.constant 80 : index
      %swap3A_161 = tpu.vector_load %arg12[%swap3A_159, %swap3A_160] {strides = array<i32>} : memref<64x128xf32, #tpu.memory_space<vmem>>, vector<1x16xf32>,
      %swap3A_162 = vector.shape_cast %swap3A_161 : vector<1x16xf32> to vector<16xf32>
      %swap3A_163 = vector.shape_cast %broadcast_in_dim3A_158 : vector<16xf32> to vector<1x16xf32>
      tpu.vector_store %arg12[%swap3A_159, %swap3A_160], %swap3A_163 {strides = array<i32>} : memref<64x128xf32, #tpu.memory_space<vmem>>, vector<1x16xf32>,
      %broadcast_in_dim3A_164 = arith.constant 0.000000e+00 : f32
      %broadcast_in_dim3A_165 = vector.broadcast %broadcast_in_dim3A_164 : f32 to vector<16xf32>
      %swap3A_166 = arith.index_cast %scan3A_123 : i32 to index
      %swap3A_167 = arith.constant 96 : index
      %swap3A_168 = tpu.vector_load %arg12[%swap3A_166, %swap3A_167] {strides = array<i32>} : memref<64x128xf32, #tpu.memory_space<vmem>>, vector<1x16xf32>,
      %swap3A_169 = vector.shape_cast %swap3A_168 : vector<1x16xf32> to vector<16xf32>
      %swap3A_170 = vector.shape_cast %broadcast_in_dim3A_165 : vector<16xf32> to vector<1x16xf32>
      tpu.vector_store %arg12[%swap3A_166, %swap3A_167], %swap3A_170 {strides = array<i32>} : memref<64x128xf32, #tpu.memory_space<vmem>>, vector<1x16xf32>,
      %broadcast_in_dim3A_171 = arith.constant 0.000000e+00 : f32
      %broadcast_in_dim3A_172 = vector.broadcast %broadcast_in_dim3A_171 : f32 to vector<16xf32>
      %swap3A_173 = arith.index_cast %scan3A_123 : i32 to index
      %swap3A_174 = arith.constant 112 : index
      %swap3A_175 = tpu.vector_load %arg12[%swap3A_173, %swap3A_174] {strides = array<i32>} : memref<64x128xf32, #tpu.memory_space<vmem>>, vector<1x16xf32>,
      %swap3A_176 = vector.shape_cast %swap3A_175 : vector<1x16xf32> to vector<16xf32>
      %swap3A_177 = vector.shape_cast %broadcast_in_dim3A_172 : vector<16xf32> to vector<1x16xf32>
      tpu.vector_store %arg12[%swap3A_173, %swap3A_174], %swap3A_177 {strides = array<i32>} : memref<64x128xf32, #tpu.memory_space<vmem>>, vector<1x16xf32>,
    }
    %scan3A_28 = arith.constant 64 : i32
    %mul3A_29 = arith.constant 624 : i32
    %mul3A_30 = arith.muli %arg1, %mul3A_29 : i32
    %add3A_31 = arith.constant 0 : i32
    %add3A_32 = arith.addi %mul3A_30, %add3A_31 : i32
    "tpu.region"() ({
      %run_scoped3A = tpu.sem_alloc : memref<!tpu.dma_semaphore, #tpu.memory_space<semaphore_mem>>
      %dma_start3A_123 = arith.constant 0 : i32
      %dma_start3A_124 = arith.constant 0 : i32
      %dma_start3A_125 = tpu.memref_slice %arg12[%dma_start3A_123, %dma_start3A_124] : memref<64x128xf32, #tpu.memory_space<vmem>> -> memref<64x128xf32, #tpu.memory_space<vmem>>
      %dma_start3A_126 = arith.constant 0 : i32
      %dma_start3A_127 = tpu.memref_slice %arg15[%add3A_32, %dma_start3A_126] : memref<10000x128xf32, #tpu.memory_space<vmem_shared>> -> memref<64x128xf32, #tpu.memory_space<vmem_shared>>
      %dma_start3A_128 = arith.constant 0 : i32
      %dma_start3A_129 = tpu.memref_slice %arg15[%add3A_32, %dma_start3A_128] : memref<10000x128xf32, #tpu.memory_space<vmem_shared>> -> memref<64x128xf32, #tpu.memory_space<vmem_shared>>
      %dma_start3A_130 = arith.constant 0 : i32
      %dma_start3A_131 = arith.constant 0 : i32
      %dma_start3A_132 = tpu.memref_slice %arg12[%dma_start3A_130, %dma_start3A_131] : memref<64x128xf32, #tpu.memory_space<vmem>> -> memref<64x128xf32, #tpu.memory_space<vmem>>
      tpu.enqueue_dma source(%dma_start3A_132 : memref<64x128xf32, #tpu.memory_space<vmem>>) target(%dma_start3A_129 : memref<64x128xf32, #tpu.memory_space<vmem_shared>>) target_semaphore(%run_scoped3A : memref<!tpu.dma_semaphore, #tpu.memory_space<semaphore_mem>>)
      %dma_wait3A = arith.constant 0 : i32
      %dma_wait3A_133 = arith.constant 0 : i32
      %dma_wait3A_134 = tpu.memref_slice %arg12[%dma_wait3A, %dma_wait3A_133] : memref<64x128xf32, #tpu.memory_space<vmem>> -> memref<64x128xf32, #tpu.memory_space<vmem>>
      %dma_wait3A_135 = arith.constant 0 : i32
      %dma_wait3A_136 = tpu.memref_slice %arg15[%add3A_32, %dma_wait3A_135] : memref<10000x128xf32, #tpu.memory_space<vmem_shared>> -> memref<64x128xf32, #tpu.memory_space<vmem_shared>>
      %dma_wait3A_137 = arith.constant 0 : i32
      %dma_wait3A_138 = tpu.memref_slice %arg15[%add3A_32, %dma_wait3A_137] : memref<10000x128xf32, #tpu.memory_space<vmem_shared>> -> memref<64x128xf32, #tpu.memory_space<vmem_shared>>
      %dma_wait3A_139 = arith.constant 0 : i32
      %dma_wait3A_140 = arith.constant 0 : i32
      %dma_wait3A_141 = tpu.memref_slice %arg12[%dma_wait3A_139, %dma_wait3A_140] : memref<64x128xf32, #tpu.memory_space<vmem>> -> memref<64x128xf32, #tpu.memory_space<vmem>>
      tpu.wait_dma2 semaphore(%run_scoped3A : memref<!tpu.dma_semaphore, #tpu.memory_space<semaphore_mem>>) src(%dma_wait3A_141 : memref<64x128xf32, #tpu.memory_space<vmem>>) dst(%dma_wait3A_138 : memref<64x128xf32, #tpu.memory_space<vmem_shared>>)
      tpu.yield
    }) : () -> ()
    %mul3A_33 = arith.constant 624 : i32
    %mul3A_34 = arith.muli %arg1, %mul3A_33 : i32
    %add3A_35 = arith.constant 64 : i32
    %add3A_36 = arith.addi %mul3A_34, %add3A_35 : i32
    "tpu.region"() ({
      %run_scoped3A = tpu.sem_alloc : memref<!tpu.dma_semaphore, #tpu.memory_space<semaphore_mem>>
      %dma_start3A_123 = arith.constant 0 : i32
      %dma_start3A_124 = arith.constant 0 : i32
      %dma_start3A_125 = tpu.memref_slice %arg12[%dma_start3A_123, %dma_start3A_124] : memref<64x128xf32, #tpu.memory_space<vmem>> -> memref<64x128xf32, #tpu.memory_space<vmem>>
      %dma_start3A_126 = arith.constant 0 : i32
      %dma_start3A_127 = tpu.memref_slice %arg15[%add3A_36, %dma_start3A_126] : memref<10000x128xf32, #tpu.memory_space<vmem_shared>> -> memref<64x128xf32, #tpu.memory_space<vmem_shared>>
      %dma_start3A_128 = arith.constant 0 : i32
      %dma_start3A_129 = tpu.memref_slice %arg15[%add3A_36, %dma_start3A_128] : memref<10000x128xf32, #tpu.memory_space<vmem_shared>> -> memref<64x128xf32, #tpu.memory_space<vmem_shared>>
      %dma_start3A_130 = arith.constant 0 : i32
      %dma_start3A_131 = arith.constant 0 : i32
      %dma_start3A_132 = tpu.memref_slice %arg12[%dma_start3A_130, %dma_start3A_131] : memref<64x128xf32, #tpu.memory_space<vmem>> -> memref<64x128xf32, #tpu.memory_space<vmem>>
      tpu.enqueue_dma source(%dma_start3A_132 : memref<64x128xf32, #tpu.memory_space<vmem>>) target(%dma_start3A_129 : memref<64x128xf32, #tpu.memory_space<vmem_shared>>) target_semaphore(%run_scoped3A : memref<!tpu.dma_semaphore, #tpu.memory_space<semaphore_mem>>)
      %dma_wait3A = arith.constant 0 : i32
      %dma_wait3A_133 = arith.constant 0 : i32
      %dma_wait3A_134 = tpu.memref_slice %arg12[%dma_wait3A, %dma_wait3A_133] : memref<64x128xf32, #tpu.memory_space<vmem>> -> memref<64x128xf32, #tpu.memory_space<vmem>>
      %dma_wait3A_135 = arith.constant 0 : i32
      %dma_wait3A_136 = tpu.memref_slice %arg15[%add3A_36, %dma_wait3A_135] : memref<10000x128xf32, #tpu.memory_space<vmem_shared>> -> memref<64x128xf32, #tpu.memory_space<vmem_shared>>
      %dma_wait3A_137 = arith.constant 0 : i32
      %dma_wait3A_138 = tpu.memref_slice %arg15[%add3A_36, %dma_wait3A_137] : memref<10000x128xf32, #tpu.memory_space<vmem_shared>> -> memref<64x128xf32, #tpu.memory_space<vmem_shared>>
      %dma_wait3A_139 = arith.constant 0 : i32
      %dma_wait3A_140 = arith.constant 0 : i32
      %dma_wait3A_141 = tpu.memref_slice %arg12[%dma_wait3A_139, %dma_wait3A_140] : memref<64x128xf32, #tpu.memory_space<vmem>> -> memref<64x128xf32, #tpu.memory_space<vmem>>
      tpu.wait_dma2 semaphore(%run_scoped3A : memref<!tpu.dma_semaphore, #tpu.memory_space<semaphore_mem>>) src(%dma_wait3A_141 : memref<64x128xf32, #tpu.memory_space<vmem>>) dst(%dma_wait3A_138 : memref<64x128xf32, #tpu.memory_space<vmem_shared>>)
      tpu.yield
    }) : () -> ()
    %mul3A_37 = arith.constant 624 : i32
    %mul3A_38 = arith.muli %arg1, %mul3A_37 : i32
    %add3A_39 = arith.constant 128 : i32
    %add3A_40 = arith.addi %mul3A_38, %add3A_39 : i32
    "tpu.region"() ({
      %run_scoped3A = tpu.sem_alloc : memref<!tpu.dma_semaphore, #tpu.memory_space<semaphore_mem>>
      %dma_start3A_123 = arith.constant 0 : i32
      %dma_start3A_124 = arith.constant 0 : i32
      %dma_start3A_125 = tpu.memref_slice %arg12[%dma_start3A_123, %dma_start3A_124] : memref<64x128xf32, #tpu.memory_space<vmem>> -> memref<64x128xf32, #tpu.memory_space<vmem>>
      %dma_start3A_126 = arith.constant 0 : i32
      %dma_start3A_127 = tpu.memref_slice %arg15[%add3A_40, %dma_start3A_126] : memref<10000x128xf32, #tpu.memory_space<vmem_shared>> -> memref<64x128xf32, #tpu.memory_space<vmem_shared>>
      %dma_start3A_128 = arith.constant 0 : i32
      %dma_start3A_129 = tpu.memref_slice %arg15[%add3A_40, %dma_start3A_128] : memref<10000x128xf32, #tpu.memory_space<vmem_shared>> -> memref<64x128xf32, #tpu.memory_space<vmem_shared>>
      %dma_start3A_130 = arith.constant 0 : i32
      %dma_start3A_131 = arith.constant 0 : i32
      %dma_start3A_132 = tpu.memref_slice %arg12[%dma_start3A_130, %dma_start3A_131] : memref<64x128xf32, #tpu.memory_space<vmem>> -> memref<64x128xf32, #tpu.memory_space<vmem>>
      tpu.enqueue_dma source(%dma_start3A_132 : memref<64x128xf32, #tpu.memory_space<vmem>>) target(%dma_start3A_129 : memref<64x128xf32, #tpu.memory_space<vmem_shared>>) target_semaphore(%run_scoped3A : memref<!tpu.dma_semaphore, #tpu.memory_space<semaphore_mem>>)
      %dma_wait3A = arith.constant 0 : i32
      %dma_wait3A_133 = arith.constant 0 : i32
      %dma_wait3A_134 = tpu.memref_slice %arg12[%dma_wait3A, %dma_wait3A_133] : memref<64x128xf32, #tpu.memory_space<vmem>> -> memref<64x128xf32, #tpu.memory_space<vmem>>
      %dma_wait3A_135 = arith.constant 0 : i32
      %dma_wait3A_136 = tpu.memref_slice %arg15[%add3A_40, %dma_wait3A_135] : memref<10000x128xf32, #tpu.memory_space<vmem_shared>> -> memref<64x128xf32, #tpu.memory_space<vmem_shared>>
      %dma_wait3A_137 = arith.constant 0 : i32
      %dma_wait3A_138 = tpu.memref_slice %arg15[%add3A_40, %dma_wait3A_137] : memref<10000x128xf32, #tpu.memory_space<vmem_shared>> -> memref<64x128xf32, #tpu.memory_space<vmem_shared>>
      %dma_wait3A_139 = arith.constant 0 : i32
      %dma_wait3A_140 = arith.constant 0 : i32
      %dma_wait3A_141 = tpu.memref_slice %arg12[%dma_wait3A_139, %dma_wait3A_140] : memref<64x128xf32, #tpu.memory_space<vmem>> -> memref<64x128xf32, #tpu.memory_space<vmem>>
      tpu.wait_dma2 semaphore(%run_scoped3A : memref<!tpu.dma_semaphore, #tpu.memory_space<semaphore_mem>>) src(%dma_wait3A_141 : memref<64x128xf32, #tpu.memory_space<vmem>>) dst(%dma_wait3A_138 : memref<64x128xf32, #tpu.memory_space<vmem_shared>>)
      tpu.yield
    }) : () -> ()
    %mul3A_41 = arith.constant 624 : i32
    %mul3A_42 = arith.muli %arg1, %mul3A_41 : i32
    %add3A_43 = arith.constant 192 : i32
    %add3A_44 = arith.addi %mul3A_42, %add3A_43 : i32
    "tpu.region"() ({
      %run_scoped3A = tpu.sem_alloc : memref<!tpu.dma_semaphore, #tpu.memory_space<semaphore_mem>>
      %dma_start3A_123 = arith.constant 0 : i32
      %dma_start3A_124 = arith.constant 0 : i32
      %dma_start3A_125 = tpu.memref_slice %arg12[%dma_start3A_123, %dma_start3A_124] : memref<64x128xf32, #tpu.memory_space<vmem>> -> memref<64x128xf32, #tpu.memory_space<vmem>>
      %dma_start3A_126 = arith.constant 0 : i32
      %dma_start3A_127 = tpu.memref_slice %arg15[%add3A_44, %dma_start3A_126] : memref<10000x128xf32, #tpu.memory_space<vmem_shared>> -> memref<64x128xf32, #tpu.memory_space<vmem_shared>>
      %dma_start3A_128 = arith.constant 0 : i32
      %dma_start3A_129 = tpu.memref_slice %arg15[%add3A_44, %dma_start3A_128] : memref<10000x128xf32, #tpu.memory_space<vmem_shared>> -> memref<64x128xf32, #tpu.memory_space<vmem_shared>>
      %dma_start3A_130 = arith.constant 0 : i32
      %dma_start3A_131 = arith.constant 0 : i32
      %dma_start3A_132 = tpu.memref_slice %arg12[%dma_start3A_130, %dma_start3A_131] : memref<64x128xf32, #tpu.memory_space<vmem>> -> memref<64x128xf32, #tpu.memory_space<vmem>>
      tpu.enqueue_dma source(%dma_start3A_132 : memref<64x128xf32, #tpu.memory_space<vmem>>) target(%dma_start3A_129 : memref<64x128xf32, #tpu.memory_space<vmem_shared>>) target_semaphore(%run_scoped3A : memref<!tpu.dma_semaphore, #tpu.memory_space<semaphore_mem>>)
      %dma_wait3A = arith.constant 0 : i32
      %dma_wait3A_133 = arith.constant 0 : i32
      %dma_wait3A_134 = tpu.memref_slice %arg12[%dma_wait3A, %dma_wait3A_133] : memref<64x128xf32, #tpu.memory_space<vmem>> -> memref<64x128xf32, #tpu.memory_space<vmem>>
      %dma_wait3A_135 = arith.constant 0 : i32
      %dma_wait3A_136 = tpu.memref_slice %arg15[%add3A_44, %dma_wait3A_135] : memref<10000x128xf32, #tpu.memory_space<vmem_shared>> -> memref<64x128xf32, #tpu.memory_space<vmem_shared>>
      %dma_wait3A_137 = arith.constant 0 : i32
      %dma_wait3A_138 = tpu.memref_slice %arg15[%add3A_44, %dma_wait3A_137] : memref<10000x128xf32, #tpu.memory_space<vmem_shared>> -> memref<64x128xf32, #tpu.memory_space<vmem_shared>>
      %dma_wait3A_139 = arith.constant 0 : i32
      %dma_wait3A_140 = arith.constant 0 : i32
      %dma_wait3A_141 = tpu.memref_slice %arg12[%dma_wait3A_139, %dma_wait3A_140] : memref<64x128xf32, #tpu.memory_space<vmem>> -> memref<64x128xf32, #tpu.memory_space<vmem>>
      tpu.wait_dma2 semaphore(%run_scoped3A : memref<!tpu.dma_semaphore, #tpu.memory_space<semaphore_mem>>) src(%dma_wait3A_141 : memref<64x128xf32, #tpu.memory_space<vmem>>) dst(%dma_wait3A_138 : memref<64x128xf32, #tpu.memory_space<vmem_shared>>)
      tpu.yield
    }) : () -> ()
    %mul3A_45 = arith.constant 624 : i32
    %mul3A_46 = arith.muli %arg1, %mul3A_45 : i32
    %add3A_47 = arith.constant 256 : i32
    %add3A_48 = arith.addi %mul3A_46, %add3A_47 : i32
    "tpu.region"() ({
      %run_scoped3A = tpu.sem_alloc : memref<!tpu.dma_semaphore, #tpu.memory_space<semaphore_mem>>
      %dma_start3A_123 = arith.constant 0 : i32
      %dma_start3A_124 = arith.constant 0 : i32
      %dma_start3A_125 = tpu.memref_slice %arg12[%dma_start3A_123, %dma_start3A_124] : memref<64x128xf32, #tpu.memory_space<vmem>> -> memref<64x128xf32, #tpu.memory_space<vmem>>
      %dma_start3A_126 = arith.constant 0 : i32
      %dma_start3A_127 = tpu.memref_slice %arg15[%add3A_48, %dma_start3A_126] : memref<10000x128xf32, #tpu.memory_space<vmem_shared>> -> memref<64x128xf32, #tpu.memory_space<vmem_shared>>
      %dma_start3A_128 = arith.constant 0 : i32
      %dma_start3A_129 = tpu.memref_slice %arg15[%add3A_48, %dma_start3A_128] : memref<10000x128xf32, #tpu.memory_space<vmem_shared>> -> memref<64x128xf32, #tpu.memory_space<vmem_shared>>
      %dma_start3A_130 = arith.constant 0 : i32
      %dma_start3A_131 = arith.constant 0 : i32
      %dma_start3A_132 = tpu.memref_slice %arg12[%dma_start3A_130, %dma_start3A_131] : memref<64x128xf32, #tpu.memory_space<vmem>> -> memref<64x128xf32, #tpu.memory_space<vmem>>
      tpu.enqueue_dma source(%dma_start3A_132 : memref<64x128xf32, #tpu.memory_space<vmem>>) target(%dma_start3A_129 : memref<64x128xf32, #tpu.memory_space<vmem_shared>>) target_semaphore(%run_scoped3A : memref<!tpu.dma_semaphore, #tpu.memory_space<semaphore_mem>>)
      %dma_wait3A = arith.constant 0 : i32
      %dma_wait3A_133 = arith.constant 0 : i32
      %dma_wait3A_134 = tpu.memref_slice %arg12[%dma_wait3A, %dma_wait3A_133] : memref<64x128xf32, #tpu.memory_space<vmem>> -> memref<64x128xf32, #tpu.memory_space<vmem>>
      %dma_wait3A_135 = arith.constant 0 : i32
      %dma_wait3A_136 = tpu.memref_slice %arg15[%add3A_48, %dma_wait3A_135] : memref<10000x128xf32, #tpu.memory_space<vmem_shared>> -> memref<64x128xf32, #tpu.memory_space<vmem_shared>>
      %dma_wait3A_137 = arith.constant 0 : i32
      %dma_wait3A_138 = tpu.memref_slice %arg15[%add3A_48, %dma_wait3A_137] : memref<10000x128xf32, #tpu.memory_space<vmem_shared>> -> memref<64x128xf32, #tpu.memory_space<vmem_shared>>
      %dma_wait3A_139 = arith.constant 0 : i32
      %dma_wait3A_140 = arith.constant 0 : i32
      %dma_wait3A_141 = tpu.memref_slice %arg12[%dma_wait3A_139, %dma_wait3A_140] : memref<64x128xf32, #tpu.memory_space<vmem>> -> memref<64x128xf32, #tpu.memory_space<vmem>>
      tpu.wait_dma2 semaphore(%run_scoped3A : memref<!tpu.dma_semaphore, #tpu.memory_space<semaphore_mem>>) src(%dma_wait3A_141 : memref<64x128xf32, #tpu.memory_space<vmem>>) dst(%dma_wait3A_138 : memref<64x128xf32, #tpu.memory_space<vmem_shared>>)
      tpu.yield
    }) : () -> ()
    %mul3A_49 = arith.constant 624 : i32
    %mul3A_50 = arith.muli %arg1, %mul3A_49 : i32
    %add3A_51 = arith.constant 320 : i32
    %add3A_52 = arith.addi %mul3A_50, %add3A_51 : i32
    "tpu.region"() ({
      %run_scoped3A = tpu.sem_alloc : memref<!tpu.dma_semaphore, #tpu.memory_space<semaphore_mem>>
      %dma_start3A_123 = arith.constant 0 : i32
      %dma_start3A_124 = arith.constant 0 : i32
      %dma_start3A_125 = tpu.memref_slice %arg12[%dma_start3A_123, %dma_start3A_124] : memref<64x128xf32, #tpu.memory_space<vmem>> -> memref<64x128xf32, #tpu.memory_space<vmem>>
      %dma_start3A_126 = arith.constant 0 : i32
      %dma_start3A_127 = tpu.memref_slice %arg15[%add3A_52, %dma_start3A_126] : memref<10000x128xf32, #tpu.memory_space<vmem_shared>> -> memref<64x128xf32, #tpu.memory_space<vmem_shared>>
      %dma_start3A_128 = arith.constant 0 : i32
      %dma_start3A_129 = tpu.memref_slice %arg15[%add3A_52, %dma_start3A_128] : memref<10000x128xf32, #tpu.memory_space<vmem_shared>> -> memref<64x128xf32, #tpu.memory_space<vmem_shared>>
      %dma_start3A_130 = arith.constant 0 : i32
      %dma_start3A_131 = arith.constant 0 : i32
      %dma_start3A_132 = tpu.memref_slice %arg12[%dma_start3A_130, %dma_start3A_131] : memref<64x128xf32, #tpu.memory_space<vmem>> -> memref<64x128xf32, #tpu.memory_space<vmem>>
      tpu.enqueue_dma source(%dma_start3A_132 : memref<64x128xf32, #tpu.memory_space<vmem>>) target(%dma_start3A_129 : memref<64x128xf32, #tpu.memory_space<vmem_shared>>) target_semaphore(%run_scoped3A : memref<!tpu.dma_semaphore, #tpu.memory_space<semaphore_mem>>)
      %dma_wait3A = arith.constant 0 : i32
      %dma_wait3A_133 = arith.constant 0 : i32
      %dma_wait3A_134 = tpu.memref_slice %arg12[%dma_wait3A, %dma_wait3A_133] : memref<64x128xf32, #tpu.memory_space<vmem>> -> memref<64x128xf32, #tpu.memory_space<vmem>>
      %dma_wait3A_135 = arith.constant 0 : i32
      %dma_wait3A_136 = tpu.memref_slice %arg15[%add3A_52, %dma_wait3A_135] : memref<10000x128xf32, #tpu.memory_space<vmem_shared>> -> memref<64x128xf32, #tpu.memory_space<vmem_shared>>
      %dma_wait3A_137 = arith.constant 0 : i32
      %dma_wait3A_138 = tpu.memref_slice %arg15[%add3A_52, %dma_wait3A_137] : memref<10000x128xf32, #tpu.memory_space<vmem_shared>> -> memref<64x128xf32, #tpu.memory_space<vmem_shared>>
      %dma_wait3A_139 = arith.constant 0 : i32
      %dma_wait3A_140 = arith.constant 0 : i32
      %dma_wait3A_141 = tpu.memref_slice %arg12[%dma_wait3A_139, %dma_wait3A_140] : memref<64x128xf32, #tpu.memory_space<vmem>> -> memref<64x128xf32, #tpu.memory_space<vmem>>
      tpu.wait_dma2 semaphore(%run_scoped3A : memref<!tpu.dma_semaphore, #tpu.memory_space<semaphore_mem>>) src(%dma_wait3A_141 : memref<64x128xf32, #tpu.memory_space<vmem>>) dst(%dma_wait3A_138 : memref<64x128xf32, #tpu.memory_space<vmem_shared>>)
      tpu.yield
    }) : () -> ()
    %mul3A_53 = arith.constant 624 : i32
    %mul3A_54 = arith.muli %arg1, %mul3A_53 : i32
    %add3A_55 = arith.constant 384 : i32
    %add3A_56 = arith.addi %mul3A_54, %add3A_55 : i32
    "tpu.region"() ({
      %run_scoped3A = tpu.sem_alloc : memref<!tpu.dma_semaphore, #tpu.memory_space<semaphore_mem>>
      %dma_start3A_123 = arith.constant 0 : i32
      %dma_start3A_124 = arith.constant 0 : i32
      %dma_start3A_125 = tpu.memref_slice %arg12[%dma_start3A_123, %dma_start3A_124] : memref<64x128xf32, #tpu.memory_space<vmem>> -> memref<64x128xf32, #tpu.memory_space<vmem>>
      %dma_start3A_126 = arith.constant 0 : i32
      %dma_start3A_127 = tpu.memref_slice %arg15[%add3A_56, %dma_start3A_126] : memref<10000x128xf32, #tpu.memory_space<vmem_shared>> -> memref<64x128xf32, #tpu.memory_space<vmem_shared>>
      %dma_start3A_128 = arith.constant 0 : i32
      %dma_start3A_129 = tpu.memref_slice %arg15[%add3A_56, %dma_start3A_128] : memref<10000x128xf32, #tpu.memory_space<vmem_shared>> -> memref<64x128xf32, #tpu.memory_space<vmem_shared>>
      %dma_start3A_130 = arith.constant 0 : i32
      %dma_start3A_131 = arith.constant 0 : i32
      %dma_start3A_132 = tpu.memref_slice %arg12[%dma_start3A_130, %dma_start3A_131] : memref<64x128xf32, #tpu.memory_space<vmem>> -> memref<64x128xf32, #tpu.memory_space<vmem>>
      tpu.enqueue_dma source(%dma_start3A_132 : memref<64x128xf32, #tpu.memory_space<vmem>>) target(%dma_start3A_129 : memref<64x128xf32, #tpu.memory_space<vmem_shared>>) target_semaphore(%run_scoped3A : memref<!tpu.dma_semaphore, #tpu.memory_space<semaphore_mem>>)
      %dma_wait3A = arith.constant 0 : i32
      %dma_wait3A_133 = arith.constant 0 : i32
      %dma_wait3A_134 = tpu.memref_slice %arg12[%dma_wait3A, %dma_wait3A_133] : memref<64x128xf32, #tpu.memory_space<vmem>> -> memref<64x128xf32, #tpu.memory_space<vmem>>
      %dma_wait3A_135 = arith.constant 0 : i32
      %dma_wait3A_136 = tpu.memref_slice %arg15[%add3A_56, %dma_wait3A_135] : memref<10000x128xf32, #tpu.memory_space<vmem_shared>> -> memref<64x128xf32, #tpu.memory_space<vmem_shared>>
      %dma_wait3A_137 = arith.constant 0 : i32
      %dma_wait3A_138 = tpu.memref_slice %arg15[%add3A_56, %dma_wait3A_137] : memref<10000x128xf32, #tpu.memory_space<vmem_shared>> -> memref<64x128xf32, #tpu.memory_space<vmem_shared>>
      %dma_wait3A_139 = arith.constant 0 : i32
      %dma_wait3A_140 = arith.constant 0 : i32
      %dma_wait3A_141 = tpu.memref_slice %arg12[%dma_wait3A_139, %dma_wait3A_140] : memref<64x128xf32, #tpu.memory_space<vmem>> -> memref<64x128xf32, #tpu.memory_space<vmem>>
      tpu.wait_dma2 semaphore(%run_scoped3A : memref<!tpu.dma_semaphore, #tpu.memory_space<semaphore_mem>>) src(%dma_wait3A_141 : memref<64x128xf32, #tpu.memory_space<vmem>>) dst(%dma_wait3A_138 : memref<64x128xf32, #tpu.memory_space<vmem_shared>>)
      tpu.yield
    }) : () -> ()
    %mul3A_57 = arith.constant 624 : i32
    %mul3A_58 = arith.muli %arg1, %mul3A_57 : i32
    %add3A_59 = arith.constant 448 : i32
    %add3A_60 = arith.addi %mul3A_58, %add3A_59 : i32
    "tpu.region"() ({
      %run_scoped3A = tpu.sem_alloc : memref<!tpu.dma_semaphore, #tpu.memory_space<semaphore_mem>>
      %dma_start3A_123 = arith.constant 0 : i32
      %dma_start3A_124 = arith.constant 0 : i32
      %dma_start3A_125 = tpu.memref_slice %arg12[%dma_start3A_123, %dma_start3A_124] : memref<64x128xf32, #tpu.memory_space<vmem>> -> memref<64x128xf32, #tpu.memory_space<vmem>>
      %dma_start3A_126 = arith.constant 0 : i32
      %dma_start3A_127 = tpu.memref_slice %arg15[%add3A_60, %dma_start3A_126] : memref<10000x128xf32, #tpu.memory_space<vmem_shared>> -> memref<64x128xf32, #tpu.memory_space<vmem_shared>>
      %dma_start3A_128 = arith.constant 0 : i32
      %dma_start3A_129 = tpu.memref_slice %arg15[%add3A_60, %dma_start3A_128] : memref<10000x128xf32, #tpu.memory_space<vmem_shared>> -> memref<64x128xf32, #tpu.memory_space<vmem_shared>>
      %dma_start3A_130 = arith.constant 0 : i32
      %dma_start3A_131 = arith.constant 0 : i32
      %dma_start3A_132 = tpu.memref_slice %arg12[%dma_start3A_130, %dma_start3A_131] : memref<64x128xf32, #tpu.memory_space<vmem>> -> memref<64x128xf32, #tpu.memory_space<vmem>>
      tpu.enqueue_dma source(%dma_start3A_132 : memref<64x128xf32, #tpu.memory_space<vmem>>) target(%dma_start3A_129 : memref<64x128xf32, #tpu.memory_space<vmem_shared>>) target_semaphore(%run_scoped3A : memref<!tpu.dma_semaphore, #tpu.memory_space<semaphore_mem>>)
      %dma_wait3A = arith.constant 0 : i32
      %dma_wait3A_133 = arith.constant 0 : i32
      %dma_wait3A_134 = tpu.memref_slice %arg12[%dma_wait3A, %dma_wait3A_133] : memref<64x128xf32, #tpu.memory_space<vmem>> -> memref<64x128xf32, #tpu.memory_space<vmem>>
      %dma_wait3A_135 = arith.constant 0 : i32
      %dma_wait3A_136 = tpu.memref_slice %arg15[%add3A_60, %dma_wait3A_135] : memref<10000x128xf32, #tpu.memory_space<vmem_shared>> -> memref<64x128xf32, #tpu.memory_space<vmem_shared>>
      %dma_wait3A_137 = arith.constant 0 : i32
      %dma_wait3A_138 = tpu.memref_slice %arg15[%add3A_60, %dma_wait3A_137] : memref<10000x128xf32, #tpu.memory_space<vmem_shared>> -> memref<64x128xf32, #tpu.memory_space<vmem_shared>>
      %dma_wait3A_139 = arith.constant 0 : i32
      %dma_wait3A_140 = arith.constant 0 : i32
      %dma_wait3A_141 = tpu.memref_slice %arg12[%dma_wait3A_139, %dma_wait3A_140] : memref<64x128xf32, #tpu.memory_space<vmem>> -> memref<64x128xf32, #tpu.memory_space<vmem>>
      tpu.wait_dma2 semaphore(%run_scoped3A : memref<!tpu.dma_semaphore, #tpu.memory_space<semaphore_mem>>) src(%dma_wait3A_141 : memref<64x128xf32, #tpu.memory_space<vmem>>) dst(%dma_wait3A_138 : memref<64x128xf32, #tpu.memory_space<vmem_shared>>)
      tpu.yield
    }) : () -> ()
    %mul3A_61 = arith.constant 624 : i32
    %mul3A_62 = arith.muli %arg1, %mul3A_61 : i32
    %add3A_63 = arith.constant 512 : i32
    %add3A_64 = arith.addi %mul3A_62, %add3A_63 : i32
    "tpu.region"() ({
      %run_scoped3A = tpu.sem_alloc : memref<!tpu.dma_semaphore, #tpu.memory_space<semaphore_mem>>
      %dma_start3A_123 = arith.constant 0 : i32
      %dma_start3A_124 = arith.constant 0 : i32
      %dma_start3A_125 = tpu.memref_slice %arg12[%dma_start3A_123, %dma_start3A_124] : memref<64x128xf32, #tpu.memory_space<vmem>> -> memref<64x128xf32, #tpu.memory_space<vmem>>
      %dma_start3A_126 = arith.constant 0 : i32
      %dma_start3A_127 = tpu.memref_slice %arg15[%add3A_64, %dma_start3A_126] : memref<10000x128xf32, #tpu.memory_space<vmem_shared>> -> memref<64x128xf32, #tpu.memory_space<vmem_shared>>
      %dma_start3A_128 = arith.constant 0 : i32
      %dma_start3A_129 = tpu.memref_slice %arg15[%add3A_64, %dma_start3A_128] : memref<10000x128xf32, #tpu.memory_space<vmem_shared>> -> memref<64x128xf32, #tpu.memory_space<vmem_shared>>
      %dma_start3A_130 = arith.constant 0 : i32
      %dma_start3A_131 = arith.constant 0 : i32
      %dma_start3A_132 = tpu.memref_slice %arg12[%dma_start3A_130, %dma_start3A_131] : memref<64x128xf32, #tpu.memory_space<vmem>> -> memref<64x128xf32, #tpu.memory_space<vmem>>
      tpu.enqueue_dma source(%dma_start3A_132 : memref<64x128xf32, #tpu.memory_space<vmem>>) target(%dma_start3A_129 : memref<64x128xf32, #tpu.memory_space<vmem_shared>>) target_semaphore(%run_scoped3A : memref<!tpu.dma_semaphore, #tpu.memory_space<semaphore_mem>>)
      %dma_wait3A = arith.constant 0 : i32
      %dma_wait3A_133 = arith.constant 0 : i32
      %dma_wait3A_134 = tpu.memref_slice %arg12[%dma_wait3A, %dma_wait3A_133] : memref<64x128xf32, #tpu.memory_space<vmem>> -> memref<64x128xf32, #tpu.memory_space<vmem>>
      %dma_wait3A_135 = arith.constant 0 : i32
      %dma_wait3A_136 = tpu.memref_slice %arg15[%add3A_64, %dma_wait3A_135] : memref<10000x128xf32, #tpu.memory_space<vmem_shared>> -> memref<64x128xf32, #tpu.memory_space<vmem_shared>>
      %dma_wait3A_137 = arith.constant 0 : i32
      %dma_wait3A_138 = tpu.memref_slice %arg15[%add3A_64, %dma_wait3A_137] : memref<10000x128xf32, #tpu.memory_space<vmem_shared>> -> memref<64x128xf32, #tpu.memory_space<vmem_shared>>
      %dma_wait3A_139 = arith.constant 0 : i32
      %dma_wait3A_140 = arith.constant 0 : i32
      %dma_wait3A_141 = tpu.memref_slice %arg12[%dma_wait3A_139, %dma_wait3A_140] : memref<64x128xf32, #tpu.memory_space<vmem>> -> memref<64x128xf32, #tpu.memory_space<vmem>>
      tpu.wait_dma2 semaphore(%run_scoped3A : memref<!tpu.dma_semaphore, #tpu.memory_space<semaphore_mem>>) src(%dma_wait3A_141 : memref<64x128xf32, #tpu.memory_space<vmem>>) dst(%dma_wait3A_138 : memref<64x128xf32, #tpu.memory_space<vmem_shared>>)
      tpu.yield
    }) : () -> ()
    %mul3A_65 = arith.constant 624 : i32
    %mul3A_66 = arith.muli %arg1, %mul3A_65 : i32
    %add3A_67 = arith.constant 576 : i32
    %add3A_68 = arith.addi %mul3A_66, %add3A_67 : i32
    "tpu.region"() ({
      %run_scoped3A = tpu.sem_alloc : memref<!tpu.dma_semaphore, #tpu.memory_space<semaphore_mem>>
      %dma_start3A_123 = arith.constant 0 : i32
      %dma_start3A_124 = arith.constant 0 : i32
      %dma_start3A_125 = tpu.memref_slice %arg12[%dma_start3A_123, %dma_start3A_124] : memref<64x128xf32, #tpu.memory_space<vmem>> -> memref<48x128xf32, #tpu.memory_space<vmem>>
      %dma_start3A_126 = arith.constant 0 : i32
      %dma_start3A_127 = tpu.memref_slice %arg15[%add3A_68, %dma_start3A_126] : memref<10000x128xf32, #tpu.memory_space<vmem_shared>> -> memref<48x128xf32, #tpu.memory_space<vmem_shared>>
      %dma_start3A_128 = arith.constant 0 : i32
      %dma_start3A_129 = tpu.memref_slice %arg15[%add3A_68, %dma_start3A_128] : memref<10000x128xf32, #tpu.memory_space<vmem_shared>> -> memref<48x128xf32, #tpu.memory_space<vmem_shared>>
      %dma_start3A_130 = arith.constant 0 : i32
      %dma_start3A_131 = arith.constant 0 : i32
      %dma_start3A_132 = tpu.memref_slice %arg12[%dma_start3A_130, %dma_start3A_131] : memref<64x128xf32, #tpu.memory_space<vmem>> -> memref<48x128xf32, #tpu.memory_space<vmem>>
      tpu.enqueue_dma source(%dma_start3A_132 : memref<48x128xf32, #tpu.memory_space<vmem>>) target(%dma_start3A_129 : memref<48x128xf32, #tpu.memory_space<vmem_shared>>) target_semaphore(%run_scoped3A : memref<!tpu.dma_semaphore, #tpu.memory_space<semaphore_mem>>)
      %dma_wait3A = arith.constant 0 : i32
      %dma_wait3A_133 = arith.constant 0 : i32
      %dma_wait3A_134 = tpu.memref_slice %arg12[%dma_wait3A, %dma_wait3A_133] : memref<64x128xf32, #tpu.memory_space<vmem>> -> memref<48x128xf32, #tpu.memory_space<vmem>>
      %dma_wait3A_135 = arith.constant 0 : i32
      %dma_wait3A_136 = tpu.memref_slice %arg15[%add3A_68, %dma_wait3A_135] : memref<10000x128xf32, #tpu.memory_space<vmem_shared>> -> memref<48x128xf32, #tpu.memory_space<vmem_shared>>
      %dma_wait3A_137 = arith.constant 0 : i32
      %dma_wait3A_138 = tpu.memref_slice %arg15[%add3A_68, %dma_wait3A_137] : memref<10000x128xf32, #tpu.memory_space<vmem_shared>> -> memref<48x128xf32, #tpu.memory_space<vmem_shared>>
      %dma_wait3A_139 = arith.constant 0 : i32
      %dma_wait3A_140 = arith.constant 0 : i32
      %dma_wait3A_141 = tpu.memref_slice %arg12[%dma_wait3A_139, %dma_wait3A_140] : memref<64x128xf32, #tpu.memory_space<vmem>> -> memref<48x128xf32, #tpu.memory_space<vmem>>
      tpu.wait_dma2 semaphore(%run_scoped3A : memref<!tpu.dma_semaphore, #tpu.memory_space<semaphore_mem>>) src(%dma_wait3A_141 : memref<48x128xf32, #tpu.memory_space<vmem>>) dst(%dma_wait3A_138 : memref<48x128xf32, #tpu.memory_space<vmem_shared>>)
      tpu.yield
    }) : () -> ()
    %eq3A = arith.constant 0 : i32
    %eq3A_69 = arith.cmpi eq, %arg1, %eq3A : i32
    %convert_element_type3A = arith.extui %eq3A_69 : i1 to i32
    %cond3A = arith.constant 0 : i32
    %cond3A_70 = arith.cmpi ne, %convert_element_type3A, %cond3A : i32
    scf.if %cond3A_70 {
      "tpu.region"() ({
        %run_scoped3A = tpu.sem_alloc : memref<!tpu.dma_semaphore, #tpu.memory_space<semaphore_mem>>
        %dma_start3A_123 = arith.constant 0 : i32
        %dma_start3A_124 = arith.constant 0 : i32
        %dma_start3A_125 = tpu.memref_slice %arg12[%dma_start3A_123, %dma_start3A_124] : memref<64x128xf32, #tpu.memory_space<vmem>> -> memref<16x128xf32, #tpu.memory_space<vmem>>
        %dma_start3A_126 = arith.constant 9984 : i32
        %dma_start3A_127 = arith.constant 0 : i32
        %dma_start3A_128 = tpu.memref_slice %arg15[%dma_start3A_126, %dma_start3A_127] : memref<10000x128xf32, #tpu.memory_space<vmem_shared>> -> memref<16x128xf32, #tpu.memory_space<vmem_shared>>
        %dma_start3A_129 = arith.constant 9984 : i32
        %dma_start3A_130 = arith.constant 0 : i32
        %dma_start3A_131 = tpu.memref_slice %arg15[%dma_start3A_129, %dma_start3A_130] : memref<10000x128xf32, #tpu.memory_space<vmem_shared>> -> memref<16x128xf32, #tpu.memory_space<vmem_shared>>
        %dma_start3A_132 = arith.constant 0 : i32
        %dma_start3A_133 = arith.constant 0 : i32
        %dma_start3A_134 = tpu.memref_slice %arg12[%dma_start3A_132, %dma_start3A_133] : memref<64x128xf32, #tpu.memory_space<vmem>> -> memref<16x128xf32, #tpu.memory_space<vmem>>
        tpu.enqueue_dma source(%dma_start3A_134 : memref<16x128xf32, #tpu.memory_space<vmem>>) target(%dma_start3A_131 : memref<16x128xf32, #tpu.memory_space<vmem_shared>>) target_semaphore(%run_scoped3A : memref<!tpu.dma_semaphore, #tpu.memory_space<semaphore_mem>>)
        %dma_wait3A = arith.constant 0 : i32
        %dma_wait3A_135 = arith.constant 0 : i32
        %dma_wait3A_136 = tpu.memref_slice %arg12[%dma_wait3A, %dma_wait3A_135] : memref<64x128xf32, #tpu.memory_space<vmem>> -> memref<16x128xf32, #tpu.memory_space<vmem>>
        %dma_wait3A_137 = arith.constant 9984 : i32
        %dma_wait3A_138 = arith.constant 0 : i32
        %dma_wait3A_139 = tpu.memref_slice %arg15[%dma_wait3A_137, %dma_wait3A_138] : memref<10000x128xf32, #tpu.memory_space<vmem_shared>> -> memref<16x128xf32, #tpu.memory_space<vmem_shared>>
        %dma_wait3A_140 = arith.constant 9984 : i32
        %dma_wait3A_141 = arith.constant 0 : i32
        %dma_wait3A_142 = tpu.memref_slice %arg15[%dma_wait3A_140, %dma_wait3A_141] : memref<10000x128xf32, #tpu.memory_space<vmem_shared>> -> memref<16x128xf32, #tpu.memory_space<vmem_shared>>
        %dma_wait3A_143 = arith.constant 0 : i32
        %dma_wait3A_144 = arith.constant 0 : i32
        %dma_wait3A_145 = tpu.memref_slice %arg12[%dma_wait3A_143, %dma_wait3A_144] : memref<64x128xf32, #tpu.memory_space<vmem>> -> memref<16x128xf32, #tpu.memory_space<vmem>>
        tpu.wait_dma2 semaphore(%run_scoped3A : memref<!tpu.dma_semaphore, #tpu.memory_space<semaphore_mem>>) src(%dma_wait3A_145 : memref<16x128xf32, #tpu.memory_space<vmem>>) dst(%dma_wait3A_142 : memref<16x128xf32, #tpu.memory_space<vmem_shared>>)
        tpu.yield
      }) : () -> ()
    } else {
    }
    %barrier3A = arith.constant 0 : index
    tpu.barrier barrier_id(%barrier3A)
    %scan3A_71 = arith.constant 0 : i32
    %scan3A_72 = arith.constant 0 : i32
    %scan3A_73 = arith.constant 79 : i32
    %scan3A_74 = arith.addi %scan3A_72, %scan3A_73 : i32
    %scan3A_75 = arith.constant 1 : i32
    scf.for %scan3A_123 = %scan3A_72 to %scan3A_74 step %scan3A_75  : i32 {
      %mul3A_124 = arith.constant 2 : i32
      %mul3A_125 = arith.muli %scan3A_123, %mul3A_124 : i32
      %add3A_126 = arith.constant 1 : i32
      %add3A_127 = arith.addi %mul3A_125, %add3A_126 : i32
      %lt3A = arith.constant 158 : i32
      %lt3A_128 = arith.cmpi slt, %add3A_127, %lt3A : i32
      %convert_element_type3A_129 = arith.extui %lt3A_128 : i1 to i32
      %cond3A_130 = arith.constant 0 : i32
      %cond3A_131 = arith.cmpi ne, %convert_element_type3A_129, %cond3A_130 : i32
      scf.if %cond3A_131 {
        %add3A_201 = arith.constant 1 : i32
        %add3A_202 = arith.addi %mul3A_125, %add3A_201 : i32
        %mul3A_203 = arith.constant 32 : i32
        %mul3A_204 = arith.muli %add3A_202, %mul3A_203 : i32
        %add3A_205 = arith.addi %mul3A_204, %add3A : i32
        %mul3A_206 = arith.constant 64 : i32
        %mul3A_207 = arith.muli %add3A_205, %mul3A_206 : i32
        %mul3A_208 = arith.constant 32 : i32
        %mul3A_209 = arith.muli %add3A_202, %mul3A_208 : i32
        %add3A_210 = arith.addi %mul3A_209, %add3A : i32
        "tpu.region"() ({
          %run_scoped3A_229 = tpu.sem_alloc : memref<!tpu.dma_semaphore, #tpu.memory_space<semaphore_mem>>
          %dma_start3A_230 = arith.constant 0 : i32
          %dma_start3A_231 = arith.constant 0 : i32
          %dma_start3A_232 = tpu.memref_slice %arg5[%add3A_210, %dma_start3A_230, %dma_start3A_231] : memref<5056x2x64xi32, #tpu.memory_space<hbm>> -> memref<1x2x64xi32, #tpu.memory_space<hbm>>
          %dma_start3A_233 = tpu.memref_squeeze %dma_start3A_232 : memref<1x2x64xi32, #tpu.memory_space<hbm>> -> memref<2x64xi32, #tpu.memory_space<hbm>>
          %dma_start3A_234 = arith.constant 0 : i32
          %dma_start3A_235 = arith.constant 0 : i32
          %dma_start3A_236 = tpu.memref_slice %arg5[%add3A_210, %dma_start3A_234, %dma_start3A_235] : memref<5056x2x64xi32, #tpu.memory_space<hbm>> -> memref<1x2x64xi32, #tpu.memory_space<hbm>>
          %dma_start3A_237 = tpu.memref_squeeze %dma_start3A_236 : memref<1x2x64xi32, #tpu.memory_space<hbm>> -> memref<2x64xi32, #tpu.memory_space<hbm>>
          tpu.enqueue_dma source(%dma_start3A_237 : memref<2x64xi32, #tpu.memory_space<hbm>>) target(%arg8 : memref<2x64xi32, #tpu.memory_space<vmem>>) target_semaphore(%run_scoped3A_229 : memref<!tpu.dma_semaphore, #tpu.memory_space<semaphore_mem>>)
          %dma_wait3A_238 = arith.constant 0 : i32
          %dma_wait3A_239 = arith.constant 0 : i32
          %dma_wait3A_240 = tpu.memref_slice %arg5[%add3A_210, %dma_wait3A_238, %dma_wait3A_239] : memref<5056x2x64xi32, #tpu.memory_space<hbm>> -> memref<1x2x64xi32, #tpu.memory_space<hbm>>
          %dma_wait3A_241 = tpu.memref_squeeze %dma_wait3A_240 : memref<1x2x64xi32, #tpu.memory_space<hbm>> -> memref<2x64xi32, #tpu.memory_space<hbm>>
          %dma_wait3A_242 = arith.constant 0 : i32
          %dma_wait3A_243 = arith.constant 0 : i32
          %dma_wait3A_244 = tpu.memref_slice %arg5[%add3A_210, %dma_wait3A_242, %dma_wait3A_243] : memref<5056x2x64xi32, #tpu.memory_space<hbm>> -> memref<1x2x64xi32, #tpu.memory_space<hbm>>
          %dma_wait3A_245 = tpu.memref_squeeze %dma_wait3A_244 : memref<1x2x64xi32, #tpu.memory_space<hbm>> -> memref<2x64xi32, #tpu.memory_space<hbm>>
          tpu.wait_dma2 semaphore(%run_scoped3A_229 : memref<!tpu.dma_semaphore, #tpu.memory_space<semaphore_mem>>) src(%dma_wait3A_245 : memref<2x64xi32, #tpu.memory_space<hbm>>) dst(%arg8 : memref<2x64xi32, #tpu.memory_space<vmem>>)
          tpu.yield
        }) : () -> ()
        %dma_start3A_211 = arith.constant 0 : i32
        %dma_start3A_212 = tpu.memref_slice %arg4[%mul3A_207, %dma_start3A_211] : memref<323584x128xf32, #tpu.memory_space<hbm>> -> memref<64x128xf32, #tpu.memory_space<hbm>>
        %dma_start3A_213 = arith.constant 0 : i32
        %dma_start3A_214 = tpu.memref_slice %arg4[%mul3A_207, %dma_start3A_213] : memref<323584x128xf32, #tpu.memory_space<hbm>> -> memref<64x128xf32, #tpu.memory_space<hbm>>
        tpu.enqueue_dma source(%dma_start3A_214 : memref<64x128xf32, #tpu.memory_space<hbm>>) target(%arg14 : memref<64x128xf32, #tpu.memory_space<vmem>>) target_semaphore(%arg21 : memref<!tpu.dma_semaphore, #tpu.memory_space<semaphore_mem>>)
        %dma_start3A_215 = arith.constant 1 : i32
        %dma_start3A_216 = arith.constant 0 : i32
        %dma_start3A_217 = tpu.memref_slice %arg8[%dma_start3A_215, %dma_start3A_216] : memref<2x64xi32, #tpu.memory_space<vmem>> -> memref<1x64xi32, #tpu.memory_space<vmem>>
        %dma_start3A_218 = tpu.memref_squeeze %dma_start3A_217 : memref<1x64xi32, #tpu.memory_space<vmem>> -> memref<64xi32, #tpu.memory_space<vmem>>
        %dma_start3A_219 = arith.constant 0 : i32
        %dma_start3A_220 = arith.constant 0 : i32
        %dma_start3A_221 = tpu.memref_slice %arg3[%dma_start3A_219, %dma_start3A_220] : memref<10000x128xf32, #tpu.memory_space<hbm>> -> memref<10000x128xf32, #tpu.memory_space<hbm>>
        tpu.enqueue_indirect_dma source(%dma_start3A_221 : memref<10000x128xf32, #tpu.memory_space<hbm>>) target(%arg12 : memref<64x128xf32, #tpu.memory_space<vmem>>) offsets(%dma_start3A_218 : memref<64xi32, #tpu.memory_space<vmem>>) semaphore(%arg19 : memref<!tpu.dma_semaphore, #tpu.memory_space<semaphore_mem>>)
        %dma_start3A_222 = arith.constant 0 : i32
        %dma_start3A_223 = arith.constant 0 : i32
        %dma_start3A_224 = tpu.memref_slice %arg8[%dma_start3A_222, %dma_start3A_223] : memref<2x64xi32, #tpu.memory_space<vmem>> -> memref<1x64xi32, #tpu.memory_space<vmem>>
        %dma_start3A_225 = tpu.memref_squeeze %dma_start3A_224 : memref<1x64xi32, #tpu.memory_space<vmem>> -> memref<64xi32, #tpu.memory_space<vmem>>
        %dma_start3A_226 = arith.constant 0 : i32
        %dma_start3A_227 = arith.constant 0 : i32
        %dma_start3A_228 = tpu.memref_slice %arg2[%dma_start3A_226, %dma_start3A_227] : memref<10000x128xf32, #tpu.memory_space<hbm>> -> memref<10000x128xf32, #tpu.memory_space<hbm>>
        tpu.enqueue_indirect_dma source(%dma_start3A_228 : memref<10000x128xf32, #tpu.memory_space<hbm>>) target(%arg10 : memref<64x128xf32, #tpu.memory_space<vmem>>) offsets(%dma_start3A_225 : memref<64xi32, #tpu.memory_space<vmem>>) semaphore(%arg17 : memref<!tpu.dma_semaphore, #tpu.memory_space<semaphore_mem>>)
      } else {
      }
      %mul3A_132 = arith.constant 32 : i32
      %mul3A_133 = arith.muli %mul3A_125, %mul3A_132 : i32
      %add3A_134 = arith.addi %mul3A_133, %add3A : i32
      %mul3A_135 = arith.constant 64 : i32
      %mul3A_136 = arith.muli %add3A_134, %mul3A_135 : i32
      %dma_wait3A = arith.constant 0 : i32
      %dma_wait3A_137 = tpu.memref_slice %arg4[%mul3A_136, %dma_wait3A] : memref<323584x128xf32, #tpu.memory_space<hbm>> -> memref<64x128xf32, #tpu.memory_space<hbm>>
      %dma_wait3A_138 = arith.constant 0 : i32
      %dma_wait3A_139 = tpu.memref_slice %arg4[%mul3A_136, %dma_wait3A_138] : memref<323584x128xf32, #tpu.memory_space<hbm>> -> memref<64x128xf32, #tpu.memory_space<hbm>>
      tpu.wait_dma2 semaphore(%arg20 : memref<!tpu.dma_semaphore, #tpu.memory_space<semaphore_mem>>) src(%dma_wait3A_139 : memref<64x128xf32, #tpu.memory_space<hbm>>) dst(%arg13 : memref<64x128xf32, #tpu.memory_space<vmem>>)
      %dma_wait3A_140 = arith.constant 1 : i32
      %dma_wait3A_141 = arith.constant 0 : i32
      %dma_wait3A_142 = tpu.memref_slice %arg7[%dma_wait3A_140, %dma_wait3A_141] : memref<2x64xi32, #tpu.memory_space<vmem>> -> memref<1x64xi32, #tpu.memory_space<vmem>>
      %dma_wait3A_143 = tpu.memref_squeeze %dma_wait3A_142 : memref<1x64xi32, #tpu.memory_space<vmem>> -> memref<64xi32, #tpu.memory_space<vmem>>
      %dma_wait3A_144 = arith.constant 0 : i32
      %dma_wait3A_145 = arith.constant 0 : i32
      %dma_wait3A_146 = tpu.memref_slice %arg3[%dma_wait3A_144, %dma_wait3A_145] : memref<10000x128xf32, #tpu.memory_space<hbm>> -> memref<10000x128xf32, #tpu.memory_space<hbm>>
      tpu.wait_indirect_dma semaphore(%arg18 : memref<!tpu.dma_semaphore, #tpu.memory_space<semaphore_mem>>) src(%dma_wait3A_146 : memref<10000x128xf32, #tpu.memory_space<hbm>>) dst(%arg11 : memref<64x128xf32, #tpu.memory_space<vmem>>)
      %dma_wait3A_147 = arith.constant 0 : i32
      %dma_wait3A_148 = arith.constant 0 : i32
      %dma_wait3A_149 = tpu.memref_slice %arg7[%dma_wait3A_147, %dma_wait3A_148] : memref<2x64xi32, #tpu.memory_space<vmem>> -> memref<1x64xi32, #tpu.memory_space<vmem>>
      %dma_wait3A_150 = tpu.memref_squeeze %dma_wait3A_149 : memref<1x64xi32, #tpu.memory_space<vmem>> -> memref<64xi32, #tpu.memory_space<vmem>>
      %dma_wait3A_151 = arith.constant 0 : i32
      %dma_wait3A_152 = arith.constant 0 : i32
      %dma_wait3A_153 = tpu.memref_slice %arg2[%dma_wait3A_151, %dma_wait3A_152] : memref<10000x128xf32, #tpu.memory_space<hbm>> -> memref<10000x128xf32, #tpu.memory_space<hbm>>
      tpu.wait_indirect_dma semaphore(%arg16 : memref<!tpu.dma_semaphore, #tpu.memory_space<semaphore_mem>>) src(%dma_wait3A_153 : memref<10000x128xf32, #tpu.memory_space<hbm>>) dst(%arg9 : memref<64x128xf32, #tpu.memory_space<vmem>>)
      %scan3A_154 = arith.constant 0 : i32
      %scan3A_155 = arith.constant 0 : i32
      %scan3A_156 = arith.constant 32 : i32
      %scan3A_157 = arith.addi %scan3A_155, %scan3A_156 : i32
      %scan3A_158 = arith.constant 1 : i32
      scf.for %scan3A_201 = %scan3A_155 to %scan3A_157 step %scan3A_158  : i32 {
        %mul3A_202 = arith.constant 2 : i32
        %mul3A_203 = arith.muli %scan3A_201, %mul3A_202 : i32
        %add3A_204 = arith.constant 0 : i32
        %add3A_205 = arith.addi %mul3A_203, %add3A_204 : i32
        %get3A = arith.index_cast %add3A_205 : i32 to index
        %get3A_206 = arith.constant 0 : index
        %get3A_207 = tpu.vector_load %arg9[%get3A, %get3A_206] {strides = array<i32>} : memref<64x128xf32, #tpu.memory_space<vmem>>, vector<1x16xf32>,
        %get3A_208 = vector.shape_cast %get3A_207 : vector<1x16xf32> to vector<16xf32>
        %add3A_209 = arith.constant 0 : i32
        %add3A_210 = arith.addi %mul3A_203, %add3A_209 : i32
        %get3A_211 = arith.index_cast %add3A_210 : i32 to index
        %get3A_212 = arith.constant 0 : index
        %get3A_213 = tpu.vector_load %arg11[%get3A_211, %get3A_212] {strides = array<i32>} : memref<64x128xf32, #tpu.memory_space<vmem>>, vector<1x16xf32>,
        %get3A_214 = vector.shape_cast %get3A_213 : vector<1x16xf32> to vector<16xf32>
        %add3A_215 = arith.addf %get3A_208, %get3A_214 : vector<16xf32>
        %add3A_216 = arith.constant 0 : i32
        %add3A_217 = arith.addi %mul3A_203, %add3A_216 : i32
        %get3A_218 = arith.index_cast %add3A_217 : i32 to index
        %get3A_219 = arith.constant 0 : index
        %get3A_220 = tpu.vector_load %arg13[%get3A_218, %get3A_219] {strides = array<i32>} : memref<64x128xf32, #tpu.memory_space<vmem>>, vector<1x16xf32>,
        %get3A_221 = vector.shape_cast %get3A_220 : vector<1x16xf32> to vector<16xf32>
        %add3A_222 = arith.addf %add3A_215, %get3A_221 : vector<16xf32>
        %max3A = arith.constant 0.000000e+00 : f32
        %max3A_223 = vector.broadcast %max3A : f32 to vector<16xf32>
        %max3A_224 = arith.maximumf %add3A_222, %max3A_223 : vector<16xf32>
        %add3A_225 = arith.constant 0 : i32
        %add3A_226 = arith.addi %mul3A_203, %add3A_225 : i32
        %swap3A = arith.index_cast %add3A_226 : i32 to index
        %swap3A_227 = arith.constant 0 : index
        %swap3A_228 = tpu.vector_load %arg9[%swap3A, %swap3A_227] {strides = array<i32>} : memref<64x128xf32, #tpu.memory_space<vmem>>, vector<1x16xf32>,
        %swap3A_229 = vector.shape_cast %swap3A_228 : vector<1x16xf32> to vector<16xf32>
        %swap3A_230 = vector.shape_cast %max3A_224 : vector<16xf32> to vector<1x16xf32>
        tpu.vector_store %arg9[%swap3A, %swap3A_227], %swap3A_230 {strides = array<i32>} : memref<64x128xf32, #tpu.memory_space<vmem>>, vector<1x16xf32>,
        %add3A_231 = arith.constant 0 : i32
        %add3A_232 = arith.addi %mul3A_203, %add3A_231 : i32
        %get3A_233 = arith.index_cast %add3A_232 : i32 to index
        %get3A_234 = arith.constant 16 : index
        %get3A_235 = tpu.vector_load %arg9[%get3A_233, %get3A_234] {strides = array<i32>} : memref<64x128xf32, #tpu.memory_space<vmem>>, vector<1x16xf32>,
        %get3A_236 = vector.shape_cast %get3A_235 : vector<1x16xf32> to vector<16xf32>
        %add3A_237 = arith.constant 0 : i32
        %add3A_238 = arith.addi %mul3A_203, %add3A_237 : i32
        %get3A_239 = arith.index_cast %add3A_238 : i32 to index
        %get3A_240 = arith.constant 16 : index
        %get3A_241 = tpu.vector_load %arg11[%get3A_239, %get3A_240] {strides = array<i32>} : memref<64x128xf32, #tpu.memory_space<vmem>>, vector<1x16xf32>,
        %get3A_242 = vector.shape_cast %get3A_241 : vector<1x16xf32> to vector<16xf32>
        %add3A_243 = arith.addf %get3A_236, %get3A_242 : vector<16xf32>
        %add3A_244 = arith.constant 0 : i32
        %add3A_245 = arith.addi %mul3A_203, %add3A_244 : i32
        %get3A_246 = arith.index_cast %add3A_245 : i32 to index
        %get3A_247 = arith.constant 16 : index
        %get3A_248 = tpu.vector_load %arg13[%get3A_246, %get3A_247] {strides = array<i32>} : memref<64x128xf32, #tpu.memory_space<vmem>>, vector<1x16xf32>,
        %get3A_249 = vector.shape_cast %get3A_248 : vector<1x16xf32> to vector<16xf32>
        %add3A_250 = arith.addf %add3A_243, %get3A_249 : vector<16xf32>
        %max3A_251 = arith.constant 0.000000e+00 : f32
        %max3A_252 = vector.broadcast %max3A_251 : f32 to vector<16xf32>
        %max3A_253 = arith.maximumf %add3A_250, %max3A_252 : vector<16xf32>
        %add3A_254 = arith.constant 0 : i32
        %add3A_255 = arith.addi %mul3A_203, %add3A_254 : i32
        %swap3A_256 = arith.index_cast %add3A_255 : i32 to index
        %swap3A_257 = arith.constant 16 : index
        %swap3A_258 = tpu.vector_load %arg9[%swap3A_256, %swap3A_257] {strides = array<i32>} : memref<64x128xf32, #tpu.memory_space<vmem>>, vector<1x16xf32>,
        %swap3A_259 = vector.shape_cast %swap3A_258 : vector<1x16xf32> to vector<16xf32>
        %swap3A_260 = vector.shape_cast %max3A_253 : vector<16xf32> to vector<1x16xf32>
        tpu.vector_store %arg9[%swap3A_256, %swap3A_257], %swap3A_260 {strides = array<i32>} : memref<64x128xf32, #tpu.memory_space<vmem>>, vector<1x16xf32>,
        %add3A_261 = arith.constant 0 : i32
        %add3A_262 = arith.addi %mul3A_203, %add3A_261 : i32
        %get3A_263 = arith.index_cast %add3A_262 : i32 to index
        %get3A_264 = arith.constant 32 : index
        %get3A_265 = tpu.vector_load %arg9[%get3A_263, %get3A_264] {strides = array<i32>} : memref<64x128xf32, #tpu.memory_space<vmem>>, vector<1x16xf32>,
        %get3A_266 = vector.shape_cast %get3A_265 : vector<1x16xf32> to vector<16xf32>
        %add3A_267 = arith.constant 0 : i32
        %add3A_268 = arith.addi %mul3A_203, %add3A_267 : i32
        %get3A_269 = arith.index_cast %add3A_268 : i32 to index
        %get3A_270 = arith.constant 32 : index
        %get3A_271 = tpu.vector_load %arg11[%get3A_269, %get3A_270] {strides = array<i32>} : memref<64x128xf32, #tpu.memory_space<vmem>>, vector<1x16xf32>,
        %get3A_272 = vector.shape_cast %get3A_271 : vector<1x16xf32> to vector<16xf32>
        %add3A_273 = arith.addf %get3A_266, %get3A_272 : vector<16xf32>
        %add3A_274 = arith.constant 0 : i32
        %add3A_275 = arith.addi %mul3A_203, %add3A_274 : i32
        %get3A_276 = arith.index_cast %add3A_275 : i32 to index
        %get3A_277 = arith.constant 32 : index
        %get3A_278 = tpu.vector_load %arg13[%get3A_276, %get3A_277] {strides = array<i32>} : memref<64x128xf32, #tpu.memory_space<vmem>>, vector<1x16xf32>,
        %get3A_279 = vector.shape_cast %get3A_278 : vector<1x16xf32> to vector<16xf32>
        %add3A_280 = arith.addf %add3A_273, %get3A_279 : vector<16xf32>
        %max3A_281 = arith.constant 0.000000e+00 : f32
        %max3A_282 = vector.broadcast %max3A_281 : f32 to vector<16xf32>
        %max3A_283 = arith.maximumf %add3A_280, %max3A_282 : vector<16xf32>
        %add3A_284 = arith.constant 0 : i32
        %add3A_285 = arith.addi %mul3A_203, %add3A_284 : i32
        %swap3A_286 = arith.index_cast %add3A_285 : i32 to index
        %swap3A_287 = arith.constant 32 : index
        %swap3A_288 = tpu.vector_load %arg9[%swap3A_286, %swap3A_287] {strides = array<i32>} : memref<64x128xf32, #tpu.memory_space<vmem>>, vector<1x16xf32>,
        %swap3A_289 = vector.shape_cast %swap3A_288 : vector<1x16xf32> to vector<16xf32>
        %swap3A_290 = vector.shape_cast %max3A_283 : vector<16xf32> to vector<1x16xf32>
        tpu.vector_store %arg9[%swap3A_286, %swap3A_287], %swap3A_290 {strides = array<i32>} : memref<64x128xf32, #tpu.memory_space<vmem>>, vector<1x16xf32>,
        %add3A_291 = arith.constant 0 : i32
        %add3A_292 = arith.addi %mul3A_203, %add3A_291 : i32
        %get3A_293 = arith.index_cast %add3A_292 : i32 to index
        %get3A_294 = arith.constant 48 : index
        %get3A_295 = tpu.vector_load %arg9[%get3A_293, %get3A_294] {strides = array<i32>} : memref<64x128xf32, #tpu.memory_space<vmem>>, vector<1x16xf32>,
        %get3A_296 = vector.shape_cast %get3A_295 : vector<1x16xf32> to vector<16xf32>
        %add3A_297 = arith.constant 0 : i32
        %add3A_298 = arith.addi %mul3A_203, %add3A_297 : i32
        %get3A_299 = arith.index_cast %add3A_298 : i32 to index
        %get3A_300 = arith.constant 48 : index
        %get3A_301 = tpu.vector_load %arg11[%get3A_299, %get3A_300] {strides = array<i32>} : memref<64x128xf32, #tpu.memory_space<vmem>>, vector<1x16xf32>,
        %get3A_302 = vector.shape_cast %get3A_301 : vector<1x16xf32> to vector<16xf32>
        %add3A_303 = arith.addf %get3A_296, %get3A_302 : vector<16xf32>
        %add3A_304 = arith.constant 0 : i32
        %add3A_305 = arith.addi %mul3A_203, %add3A_304 : i32
        %get3A_306 = arith.index_cast %add3A_305 : i32 to index
        %get3A_307 = arith.constant 48 : index
        %get3A_308 = tpu.vector_load %arg13[%get3A_306, %get3A_307] {strides = array<i32>} : memref<64x128xf32, #tpu.memory_space<vmem>>, vector<1x16xf32>,
        %get3A_309 = vector.shape_cast %get3A_308 : vector<1x16xf32> to vector<16xf32>
        %add3A_310 = arith.addf %add3A_303, %get3A_309 : vector<16xf32>
        %max3A_311 = arith.constant 0.000000e+00 : f32
        %max3A_312 = vector.broadcast %max3A_311 : f32 to vector<16xf32>
        %max3A_313 = arith.maximumf %add3A_310, %max3A_312 : vector<16xf32>
        %add3A_314 = arith.constant 0 : i32
        %add3A_315 = arith.addi %mul3A_203, %add3A_314 : i32
        %swap3A_316 = arith.index_cast %add3A_315 : i32 to index
        %swap3A_317 = arith.constant 48 : index
        %swap3A_318 = tpu.vector_load %arg9[%swap3A_316, %swap3A_317] {strides = array<i32>} : memref<64x128xf32, #tpu.memory_space<vmem>>, vector<1x16xf32>,
        %swap3A_319 = vector.shape_cast %swap3A_318 : vector<1x16xf32> to vector<16xf32>
        %swap3A_320 = vector.shape_cast %max3A_313 : vector<16xf32> to vector<1x16xf32>
        tpu.vector_store %arg9[%swap3A_316, %swap3A_317], %swap3A_320 {strides = array<i32>} : memref<64x128xf32, #tpu.memory_space<vmem>>, vector<1x16xf32>,
        %add3A_321 = arith.constant 0 : i32
        %add3A_322 = arith.addi %mul3A_203, %add3A_321 : i32
        %get3A_323 = arith.index_cast %add3A_322 : i32 to index
        %get3A_324 = arith.constant 64 : index
        %get3A_325 = tpu.vector_load %arg9[%get3A_323, %get3A_324] {strides = array<i32>} : memref<64x128xf32, #tpu.memory_space<vmem>>, vector<1x16xf32>,
        %get3A_326 = vector.shape_cast %get3A_325 : vector<1x16xf32> to vector<16xf32>
        %add3A_327 = arith.constant 0 : i32
        %add3A_328 = arith.addi %mul3A_203, %add3A_327 : i32
        %get3A_329 = arith.index_cast %add3A_328 : i32 to index
        %get3A_330 = arith.constant 64 : index
        %get3A_331 = tpu.vector_load %arg11[%get3A_329, %get3A_330] {strides = array<i32>} : memref<64x128xf32, #tpu.memory_space<vmem>>, vector<1x16xf32>,
        %get3A_332 = vector.shape_cast %get3A_331 : vector<1x16xf32> to vector<16xf32>
        %add3A_333 = arith.addf %get3A_326, %get3A_332 : vector<16xf32>
        %add3A_334 = arith.constant 0 : i32
        %add3A_335 = arith.addi %mul3A_203, %add3A_334 : i32
        %get3A_336 = arith.index_cast %add3A_335 : i32 to index
        %get3A_337 = arith.constant 64 : index
        %get3A_338 = tpu.vector_load %arg13[%get3A_336, %get3A_337] {strides = array<i32>} : memref<64x128xf32, #tpu.memory_space<vmem>>, vector<1x16xf32>,
        %get3A_339 = vector.shape_cast %get3A_338 : vector<1x16xf32> to vector<16xf32>
        %add3A_340 = arith.addf %add3A_333, %get3A_339 : vector<16xf32>
        %max3A_341 = arith.constant 0.000000e+00 : f32
        %max3A_342 = vector.broadcast %max3A_341 : f32 to vector<16xf32>
        %max3A_343 = arith.maximumf %add3A_340, %max3A_342 : vector<16xf32>
        %add3A_344 = arith.constant 0 : i32
        %add3A_345 = arith.addi %mul3A_203, %add3A_344 : i32
        %swap3A_346 = arith.index_cast %add3A_345 : i32 to index
        %swap3A_347 = arith.constant 64 : index
        %swap3A_348 = tpu.vector_load %arg9[%swap3A_346, %swap3A_347] {strides = array<i32>} : memref<64x128xf32, #tpu.memory_space<vmem>>, vector<1x16xf32>,
        %swap3A_349 = vector.shape_cast %swap3A_348 : vector<1x16xf32> to vector<16xf32>
        %swap3A_350 = vector.shape_cast %max3A_343 : vector<16xf32> to vector<1x16xf32>
        tpu.vector_store %arg9[%swap3A_346, %swap3A_347], %swap3A_350 {strides = array<i32>} : memref<64x128xf32, #tpu.memory_space<vmem>>, vector<1x16xf32>,
        %add3A_351 = arith.constant 0 : i32
        %add3A_352 = arith.addi %mul3A_203, %add3A_351 : i32
        %get3A_353 = arith.index_cast %add3A_352 : i32 to index
        %get3A_354 = arith.constant 80 : index
        %get3A_355 = tpu.vector_load %arg9[%get3A_353, %get3A_354] {strides = array<i32>} : memref<64x128xf32, #tpu.memory_space<vmem>>, vector<1x16xf32>,
        %get3A_356 = vector.shape_cast %get3A_355 : vector<1x16xf32> to vector<16xf32>
        %add3A_357 = arith.constant 0 : i32
        %add3A_358 = arith.addi %mul3A_203, %add3A_357 : i32
        %get3A_359 = arith.index_cast %add3A_358 : i32 to index
        %get3A_360 = arith.constant 80 : index
        %get3A_361 = tpu.vector_load %arg11[%get3A_359, %get3A_360] {strides = array<i32>} : memref<64x128xf32, #tpu.memory_space<vmem>>, vector<1x16xf32>,
        %get3A_362 = vector.shape_cast %get3A_361 : vector<1x16xf32> to vector<16xf32>
        %add3A_363 = arith.addf %get3A_356, %get3A_362 : vector<16xf32>
        %add3A_364 = arith.constant 0 : i32
        %add3A_365 = arith.addi %mul3A_203, %add3A_364 : i32
        %get3A_366 = arith.index_cast %add3A_365 : i32 to index
        %get3A_367 = arith.constant 80 : index
        %get3A_368 = tpu.vector_load %arg13[%get3A_366, %get3A_367] {strides = array<i32>} : memref<64x128xf32, #tpu.memory_space<vmem>>, vector<1x16xf32>,
        %get3A_369 = vector.shape_cast %get3A_368 : vector<1x16xf32> to vector<16xf32>
        %add3A_370 = arith.addf %add3A_363, %get3A_369 : vector<16xf32>
        %max3A_371 = arith.constant 0.000000e+00 : f32
        %max3A_372 = vector.broadcast %max3A_371 : f32 to vector<16xf32>
        %max3A_373 = arith.maximumf %add3A_370, %max3A_372 : vector<16xf32>
        %add3A_374 = arith.constant 0 : i32
        %add3A_375 = arith.addi %mul3A_203, %add3A_374 : i32
        %swap3A_376 = arith.index_cast %add3A_375 : i32 to index
        %swap3A_377 = arith.constant 80 : index
        %swap3A_378 = tpu.vector_load %arg9[%swap3A_376, %swap3A_377] {strides = array<i32>} : memref<64x128xf32, #tpu.memory_space<vmem>>, vector<1x16xf32>,
        %swap3A_379 = vector.shape_cast %swap3A_378 : vector<1x16xf32> to vector<16xf32>
        %swap3A_380 = vector.shape_cast %max3A_373 : vector<16xf32> to vector<1x16xf32>
        tpu.vector_store %arg9[%swap3A_376, %swap3A_377], %swap3A_380 {strides = array<i32>} : memref<64x128xf32, #tpu.memory_space<vmem>>, vector<1x16xf32>,
        %add3A_381 = arith.constant 0 : i32
        %add3A_382 = arith.addi %mul3A_203, %add3A_381 : i32
        %get3A_383 = arith.index_cast %add3A_382 : i32 to index
        %get3A_384 = arith.constant 96 : index
        %get3A_385 = tpu.vector_load %arg9[%get3A_383, %get3A_384] {strides = array<i32>} : memref<64x128xf32, #tpu.memory_space<vmem>>, vector<1x16xf32>,
        %get3A_386 = vector.shape_cast %get3A_385 : vector<1x16xf32> to vector<16xf32>
        %add3A_387 = arith.constant 0 : i32
        %add3A_388 = arith.addi %mul3A_203, %add3A_387 : i32
        %get3A_389 = arith.index_cast %add3A_388 : i32 to index
        %get3A_390 = arith.constant 96 : index
        %get3A_391 = tpu.vector_load %arg11[%get3A_389, %get3A_390] {strides = array<i32>} : memref<64x128xf32, #tpu.memory_space<vmem>>, vector<1x16xf32>,
        %get3A_392 = vector.shape_cast %get3A_391 : vector<1x16xf32> to vector<16xf32>
        %add3A_393 = arith.addf %get3A_386, %get3A_392 : vector<16xf32>
        %add3A_394 = arith.constant 0 : i32
        %add3A_395 = arith.addi %mul3A_203, %add3A_394 : i32
        %get3A_396 = arith.index_cast %add3A_395 : i32 to index
        %get3A_397 = arith.constant 96 : index
        %get3A_398 = tpu.vector_load %arg13[%get3A_396, %get3A_397] {strides = array<i32>} : memref<64x128xf32, #tpu.memory_space<vmem>>, vector<1x16xf32>,
        %get3A_399 = vector.shape_cast %get3A_398 : vector<1x16xf32> to vector<16xf32>
        %add3A_400 = arith.addf %add3A_393, %get3A_399 : vector<16xf32>
        %max3A_401 = arith.constant 0.000000e+00 : f32
        %max3A_402 = vector.broadcast %max3A_401 : f32 to vector<16xf32>
        %max3A_403 = arith.maximumf %add3A_400, %max3A_402 : vector<16xf32>
        %add3A_404 = arith.constant 0 : i32
        %add3A_405 = arith.addi %mul3A_203, %add3A_404 : i32
        %swap3A_406 = arith.index_cast %add3A_405 : i32 to index
        %swap3A_407 = arith.constant 96 : index
        %swap3A_408 = tpu.vector_load %arg9[%swap3A_406, %swap3A_407] {strides = array<i32>} : memref<64x128xf32, #tpu.memory_space<vmem>>, vector<1x16xf32>,
        %swap3A_409 = vector.shape_cast %swap3A_408 : vector<1x16xf32> to vector<16xf32>
        %swap3A_410 = vector.shape_cast %max3A_403 : vector<16xf32> to vector<1x16xf32>
        tpu.vector_store %arg9[%swap3A_406, %swap3A_407], %swap3A_410 {strides = array<i32>} : memref<64x128xf32, #tpu.memory_space<vmem>>, vector<1x16xf32>,
        %add3A_411 = arith.constant 0 : i32
        %add3A_412 = arith.addi %mul3A_203, %add3A_411 : i32
        %get3A_413 = arith.index_cast %add3A_412 : i32 to index
        %get3A_414 = arith.constant 112 : index
        %get3A_415 = tpu.vector_load %arg9[%get3A_413, %get3A_414] {strides = array<i32>} : memref<64x128xf32, #tpu.memory_space<vmem>>, vector<1x16xf32>,
        %get3A_416 = vector.shape_cast %get3A_415 : vector<1x16xf32> to vector<16xf32>
        %add3A_417 = arith.constant 0 : i32
        %add3A_418 = arith.addi %mul3A_203, %add3A_417 : i32
        %get3A_419 = arith.index_cast %add3A_418 : i32 to index
        %get3A_420 = arith.constant 112 : index
        %get3A_421 = tpu.vector_load %arg11[%get3A_419, %get3A_420] {strides = array<i32>} : memref<64x128xf32, #tpu.memory_space<vmem>>, vector<1x16xf32>,
        %get3A_422 = vector.shape_cast %get3A_421 : vector<1x16xf32> to vector<16xf32>
        %add3A_423 = arith.addf %get3A_416, %get3A_422 : vector<16xf32>
        %add3A_424 = arith.constant 0 : i32
        %add3A_425 = arith.addi %mul3A_203, %add3A_424 : i32
        %get3A_426 = arith.index_cast %add3A_425 : i32 to index
        %get3A_427 = arith.constant 112 : index
        %get3A_428 = tpu.vector_load %arg13[%get3A_426, %get3A_427] {strides = array<i32>} : memref<64x128xf32, #tpu.memory_space<vmem>>, vector<1x16xf32>,
        %get3A_429 = vector.shape_cast %get3A_428 : vector<1x16xf32> to vector<16xf32>
        %add3A_430 = arith.addf %add3A_423, %get3A_429 : vector<16xf32>
        %max3A_431 = arith.constant 0.000000e+00 : f32
        %max3A_432 = vector.broadcast %max3A_431 : f32 to vector<16xf32>
        %max3A_433 = arith.maximumf %add3A_430, %max3A_432 : vector<16xf32>
        %add3A_434 = arith.constant 0 : i32
        %add3A_435 = arith.addi %mul3A_203, %add3A_434 : i32
        %swap3A_436 = arith.index_cast %add3A_435 : i32 to index
        %swap3A_437 = arith.constant 112 : index
        %swap3A_438 = tpu.vector_load %arg9[%swap3A_436, %swap3A_437] {strides = array<i32>} : memref<64x128xf32, #tpu.memory_space<vmem>>, vector<1x16xf32>,
        %swap3A_439 = vector.shape_cast %swap3A_438 : vector<1x16xf32> to vector<16xf32>
        %swap3A_440 = vector.shape_cast %max3A_433 : vector<16xf32> to vector<1x16xf32>
        tpu.vector_store %arg9[%swap3A_436, %swap3A_437], %swap3A_440 {strides = array<i32>} : memref<64x128xf32, #tpu.memory_space<vmem>>, vector<1x16xf32>,
        %add3A_441 = arith.constant 1 : i32
        %add3A_442 = arith.addi %mul3A_203, %add3A_441 : i32
        %get3A_443 = arith.index_cast %add3A_442 : i32 to index
        %get3A_444 = arith.constant 0 : index
        %get3A_445 = tpu.vector_load %arg9[%get3A_443, %get3A_444] {strides = array<i32>} : memref<64x128xf32, #tpu.memory_space<vmem>>, vector<1x16xf32>,
        %get3A_446 = vector.shape_cast %get3A_445 : vector<1x16xf32> to vector<16xf32>
        %add3A_447 = arith.constant 1 : i32
        %add3A_448 = arith.addi %mul3A_203, %add3A_447 : i32
        %get3A_449 = arith.index_cast %add3A_448 : i32 to index
        %get3A_450 = arith.constant 0 : index
        %get3A_451 = tpu.vector_load %arg11[%get3A_449, %get3A_450] {strides = array<i32>} : memref<64x128xf32, #tpu.memory_space<vmem>>, vector<1x16xf32>,
        %get3A_452 = vector.shape_cast %get3A_451 : vector<1x16xf32> to vector<16xf32>
        %add3A_453 = arith.addf %get3A_446, %get3A_452 : vector<16xf32>
        %add3A_454 = arith.constant 1 : i32
        %add3A_455 = arith.addi %mul3A_203, %add3A_454 : i32
        %get3A_456 = arith.index_cast %add3A_455 : i32 to index
        %get3A_457 = arith.constant 0 : index
        %get3A_458 = tpu.vector_load %arg13[%get3A_456, %get3A_457] {strides = array<i32>} : memref<64x128xf32, #tpu.memory_space<vmem>>, vector<1x16xf32>,
        %get3A_459 = vector.shape_cast %get3A_458 : vector<1x16xf32> to vector<16xf32>
        %add3A_460 = arith.addf %add3A_453, %get3A_459 : vector<16xf32>
        %max3A_461 = arith.constant 0.000000e+00 : f32
        %max3A_462 = vector.broadcast %max3A_461 : f32 to vector<16xf32>
        %max3A_463 = arith.maximumf %add3A_460, %max3A_462 : vector<16xf32>
        %add3A_464 = arith.constant 1 : i32
        %add3A_465 = arith.addi %mul3A_203, %add3A_464 : i32
        %swap3A_466 = arith.index_cast %add3A_465 : i32 to index
        %swap3A_467 = arith.constant 0 : index
        %swap3A_468 = tpu.vector_load %arg9[%swap3A_466, %swap3A_467] {strides = array<i32>} : memref<64x128xf32, #tpu.memory_space<vmem>>, vector<1x16xf32>,
        %swap3A_469 = vector.shape_cast %swap3A_468 : vector<1x16xf32> to vector<16xf32>
        %swap3A_470 = vector.shape_cast %max3A_463 : vector<16xf32> to vector<1x16xf32>
        tpu.vector_store %arg9[%swap3A_466, %swap3A_467], %swap3A_470 {strides = array<i32>} : memref<64x128xf32, #tpu.memory_space<vmem>>, vector<1x16xf32>,
        %add3A_471 = arith.constant 1 : i32
        %add3A_472 = arith.addi %mul3A_203, %add3A_471 : i32
        %get3A_473 = arith.index_cast %add3A_472 : i32 to index
        %get3A_474 = arith.constant 16 : index
        %get3A_475 = tpu.vector_load %arg9[%get3A_473, %get3A_474] {strides = array<i32>} : memref<64x128xf32, #tpu.memory_space<vmem>>, vector<1x16xf32>,
        %get3A_476 = vector.shape_cast %get3A_475 : vector<1x16xf32> to vector<16xf32>
        %add3A_477 = arith.constant 1 : i32
        %add3A_478 = arith.addi %mul3A_203, %add3A_477 : i32
        %get3A_479 = arith.index_cast %add3A_478 : i32 to index
        %get3A_480 = arith.constant 16 : index
        %get3A_481 = tpu.vector_load %arg11[%get3A_479, %get3A_480] {strides = array<i32>} : memref<64x128xf32, #tpu.memory_space<vmem>>, vector<1x16xf32>,
        %get3A_482 = vector.shape_cast %get3A_481 : vector<1x16xf32> to vector<16xf32>
        %add3A_483 = arith.addf %get3A_476, %get3A_482 : vector<16xf32>
        %add3A_484 = arith.constant 1 : i32
        %add3A_485 = arith.addi %mul3A_203, %add3A_484 : i32
        %get3A_486 = arith.index_cast %add3A_485 : i32 to index
        %get3A_487 = arith.constant 16 : index
        %get3A_488 = tpu.vector_load %arg13[%get3A_486, %get3A_487] {strides = array<i32>} : memref<64x128xf32, #tpu.memory_space<vmem>>, vector<1x16xf32>,
        %get3A_489 = vector.shape_cast %get3A_488 : vector<1x16xf32> to vector<16xf32>
        %add3A_490 = arith.addf %add3A_483, %get3A_489 : vector<16xf32>
        %max3A_491 = arith.constant 0.000000e+00 : f32
        %max3A_492 = vector.broadcast %max3A_491 : f32 to vector<16xf32>
        %max3A_493 = arith.maximumf %add3A_490, %max3A_492 : vector<16xf32>
        %add3A_494 = arith.constant 1 : i32
        %add3A_495 = arith.addi %mul3A_203, %add3A_494 : i32
        %swap3A_496 = arith.index_cast %add3A_495 : i32 to index
        %swap3A_497 = arith.constant 16 : index
        %swap3A_498 = tpu.vector_load %arg9[%swap3A_496, %swap3A_497] {strides = array<i32>} : memref<64x128xf32, #tpu.memory_space<vmem>>, vector<1x16xf32>,
        %swap3A_499 = vector.shape_cast %swap3A_498 : vector<1x16xf32> to vector<16xf32>
        %swap3A_500 = vector.shape_cast %max3A_493 : vector<16xf32> to vector<1x16xf32>
        tpu.vector_store %arg9[%swap3A_496, %swap3A_497], %swap3A_500 {strides = array<i32>} : memref<64x128xf32, #tpu.memory_space<vmem>>, vector<1x16xf32>,
        %add3A_501 = arith.constant 1 : i32
        %add3A_502 = arith.addi %mul3A_203, %add3A_501 : i32
        %get3A_503 = arith.index_cast %add3A_502 : i32 to index
        %get3A_504 = arith.constant 32 : index
        %get3A_505 = tpu.vector_load %arg9[%get3A_503, %get3A_504] {strides = array<i32>} : memref<64x128xf32, #tpu.memory_space<vmem>>, vector<1x16xf32>,
        %get3A_506 = vector.shape_cast %get3A_505 : vector<1x16xf32> to vector<16xf32>
        %add3A_507 = arith.constant 1 : i32
        %add3A_508 = arith.addi %mul3A_203, %add3A_507 : i32
        %get3A_509 = arith.index_cast %add3A_508 : i32 to index
        %get3A_510 = arith.constant 32 : index
        %get3A_511 = tpu.vector_load %arg11[%get3A_509, %get3A_510] {strides = array<i32>} : memref<64x128xf32, #tpu.memory_space<vmem>>, vector<1x16xf32>,
        %get3A_512 = vector.shape_cast %get3A_511 : vector<1x16xf32> to vector<16xf32>
        %add3A_513 = arith.addf %get3A_506, %get3A_512 : vector<16xf32>
        %add3A_514 = arith.constant 1 : i32
        %add3A_515 = arith.addi %mul3A_203, %add3A_514 : i32
        %get3A_516 = arith.index_cast %add3A_515 : i32 to index
        %get3A_517 = arith.constant 32 : index
        %get3A_518 = tpu.vector_load %arg13[%get3A_516, %get3A_517] {strides = array<i32>} : memref<64x128xf32, #tpu.memory_space<vmem>>, vector<1x16xf32>,
        %get3A_519 = vector.shape_cast %get3A_518 : vector<1x16xf32> to vector<16xf32>
        %add3A_520 = arith.addf %add3A_513, %get3A_519 : vector<16xf32>
        %max3A_521 = arith.constant 0.000000e+00 : f32
        %max3A_522 = vector.broadcast %max3A_521 : f32 to vector<16xf32>
        %max3A_523 = arith.maximumf %add3A_520, %max3A_522 : vector<16xf32>
        %add3A_524 = arith.constant 1 : i32
        %add3A_525 = arith.addi %mul3A_203, %add3A_524 : i32
        %swap3A_526 = arith.index_cast %add3A_525 : i32 to index
        %swap3A_527 = arith.constant 32 : index
        %swap3A_528 = tpu.vector_load %arg9[%swap3A_526, %swap3A_527] {strides = array<i32>} : memref<64x128xf32, #tpu.memory_space<vmem>>, vector<1x16xf32>,
        %swap3A_529 = vector.shape_cast %swap3A_528 : vector<1x16xf32> to vector<16xf32>
        %swap3A_530 = vector.shape_cast %max3A_523 : vector<16xf32> to vector<1x16xf32>
        tpu.vector_store %arg9[%swap3A_526, %swap3A_527], %swap3A_530 {strides = array<i32>} : memref<64x128xf32, #tpu.memory_space<vmem>>, vector<1x16xf32>,
        %add3A_531 = arith.constant 1 : i32
        %add3A_532 = arith.addi %mul3A_203, %add3A_531 : i32
        %get3A_533 = arith.index_cast %add3A_532 : i32 to index
        %get3A_534 = arith.constant 48 : index
        %get3A_535 = tpu.vector_load %arg9[%get3A_533, %get3A_534] {strides = array<i32>} : memref<64x128xf32, #tpu.memory_space<vmem>>, vector<1x16xf32>,
        %get3A_536 = vector.shape_cast %get3A_535 : vector<1x16xf32> to vector<16xf32>
        %add3A_537 = arith.constant 1 : i32
        %add3A_538 = arith.addi %mul3A_203, %add3A_537 : i32
        %get3A_539 = arith.index_cast %add3A_538 : i32 to index
        %get3A_540 = arith.constant 48 : index
        %get3A_541 = tpu.vector_load %arg11[%get3A_539, %get3A_540] {strides = array<i32>} : memref<64x128xf32, #tpu.memory_space<vmem>>, vector<1x16xf32>,
        %get3A_542 = vector.shape_cast %get3A_541 : vector<1x16xf32> to vector<16xf32>
        %add3A_543 = arith.addf %get3A_536, %get3A_542 : vector<16xf32>
        %add3A_544 = arith.constant 1 : i32
        %add3A_545 = arith.addi %mul3A_203, %add3A_544 : i32
        %get3A_546 = arith.index_cast %add3A_545 : i32 to index
        %get3A_547 = arith.constant 48 : index
        %get3A_548 = tpu.vector_load %arg13[%get3A_546, %get3A_547] {strides = array<i32>} : memref<64x128xf32, #tpu.memory_space<vmem>>, vector<1x16xf32>,
        %get3A_549 = vector.shape_cast %get3A_548 : vector<1x16xf32> to vector<16xf32>
        %add3A_550 = arith.addf %add3A_543, %get3A_549 : vector<16xf32>
        %max3A_551 = arith.constant 0.000000e+00 : f32
        %max3A_552 = vector.broadcast %max3A_551 : f32 to vector<16xf32>
        %max3A_553 = arith.maximumf %add3A_550, %max3A_552 : vector<16xf32>
        %add3A_554 = arith.constant 1 : i32
        %add3A_555 = arith.addi %mul3A_203, %add3A_554 : i32
        %swap3A_556 = arith.index_cast %add3A_555 : i32 to index
        %swap3A_557 = arith.constant 48 : index
        %swap3A_558 = tpu.vector_load %arg9[%swap3A_556, %swap3A_557] {strides = array<i32>} : memref<64x128xf32, #tpu.memory_space<vmem>>, vector<1x16xf32>,
        %swap3A_559 = vector.shape_cast %swap3A_558 : vector<1x16xf32> to vector<16xf32>
        %swap3A_560 = vector.shape_cast %max3A_553 : vector<16xf32> to vector<1x16xf32>
        tpu.vector_store %arg9[%swap3A_556, %swap3A_557], %swap3A_560 {strides = array<i32>} : memref<64x128xf32, #tpu.memory_space<vmem>>, vector<1x16xf32>,
        %add3A_561 = arith.constant 1 : i32
        %add3A_562 = arith.addi %mul3A_203, %add3A_561 : i32
        %get3A_563 = arith.index_cast %add3A_562 : i32 to index
        %get3A_564 = arith.constant 64 : index
        %get3A_565 = tpu.vector_load %arg9[%get3A_563, %get3A_564] {strides = array<i32>} : memref<64x128xf32, #tpu.memory_space<vmem>>, vector<1x16xf32>,
        %get3A_566 = vector.shape_cast %get3A_565 : vector<1x16xf32> to vector<16xf32>
        %add3A_567 = arith.constant 1 : i32
        %add3A_568 = arith.addi %mul3A_203, %add3A_567 : i32
        %get3A_569 = arith.index_cast %add3A_568 : i32 to index
        %get3A_570 = arith.constant 64 : index
        %get3A_571 = tpu.vector_load %arg11[%get3A_569, %get3A_570] {strides = array<i32>} : memref<64x128xf32, #tpu.memory_space<vmem>>, vector<1x16xf32>,
        %get3A_572 = vector.shape_cast %get3A_571 : vector<1x16xf32> to vector<16xf32>
        %add3A_573 = arith.addf %get3A_566, %get3A_572 : vector<16xf32>
        %add3A_574 = arith.constant 1 : i32
        %add3A_575 = arith.addi %mul3A_203, %add3A_574 : i32
        %get3A_576 = arith.index_cast %add3A_575 : i32 to index
        %get3A_577 = arith.constant 64 : index
        %get3A_578 = tpu.vector_load %arg13[%get3A_576, %get3A_577] {strides = array<i32>} : memref<64x128xf32, #tpu.memory_space<vmem>>, vector<1x16xf32>,
        %get3A_579 = vector.shape_cast %get3A_578 : vector<1x16xf32> to vector<16xf32>
        %add3A_580 = arith.addf %add3A_573, %get3A_579 : vector<16xf32>
        %max3A_581 = arith.constant 0.000000e+00 : f32
        %max3A_582 = vector.broadcast %max3A_581 : f32 to vector<16xf32>
        %max3A_583 = arith.maximumf %add3A_580, %max3A_582 : vector<16xf32>
        %add3A_584 = arith.constant 1 : i32
        %add3A_585 = arith.addi %mul3A_203, %add3A_584 : i32
        %swap3A_586 = arith.index_cast %add3A_585 : i32 to index
        %swap3A_587 = arith.constant 64 : index
        %swap3A_588 = tpu.vector_load %arg9[%swap3A_586, %swap3A_587] {strides = array<i32>} : memref<64x128xf32, #tpu.memory_space<vmem>>, vector<1x16xf32>,
        %swap3A_589 = vector.shape_cast %swap3A_588 : vector<1x16xf32> to vector<16xf32>
        %swap3A_590 = vector.shape_cast %max3A_583 : vector<16xf32> to vector<1x16xf32>
        tpu.vector_store %arg9[%swap3A_586, %swap3A_587], %swap3A_590 {strides = array<i32>} : memref<64x128xf32, #tpu.memory_space<vmem>>, vector<1x16xf32>,
        %add3A_591 = arith.constant 1 : i32
        %add3A_592 = arith.addi %mul3A_203, %add3A_591 : i32
        %get3A_593 = arith.index_cast %add3A_592 : i32 to index
        %get3A_594 = arith.constant 80 : index
        %get3A_595 = tpu.vector_load %arg9[%get3A_593, %get3A_594] {strides = array<i32>} : memref<64x128xf32, #tpu.memory_space<vmem>>, vector<1x16xf32>,
        %get3A_596 = vector.shape_cast %get3A_595 : vector<1x16xf32> to vector<16xf32>
        %add3A_597 = arith.constant 1 : i32
        %add3A_598 = arith.addi %mul3A_203, %add3A_597 : i32
        %get3A_599 = arith.index_cast %add3A_598 : i32 to index
        %get3A_600 = arith.constant 80 : index
        %get3A_601 = tpu.vector_load %arg11[%get3A_599, %get3A_600] {strides = array<i32>} : memref<64x128xf32, #tpu.memory_space<vmem>>, vector<1x16xf32>,
        %get3A_602 = vector.shape_cast %get3A_601 : vector<1x16xf32> to vector<16xf32>
        %add3A_603 = arith.addf %get3A_596, %get3A_602 : vector<16xf32>
        %add3A_604 = arith.constant 1 : i32
        %add3A_605 = arith.addi %mul3A_203, %add3A_604 : i32
        %get3A_606 = arith.index_cast %add3A_605 : i32 to index
        %get3A_607 = arith.constant 80 : index
        %get3A_608 = tpu.vector_load %arg13[%get3A_606, %get3A_607] {strides = array<i32>} : memref<64x128xf32, #tpu.memory_space<vmem>>, vector<1x16xf32>,
        %get3A_609 = vector.shape_cast %get3A_608 : vector<1x16xf32> to vector<16xf32>
        %add3A_610 = arith.addf %add3A_603, %get3A_609 : vector<16xf32>
        %max3A_611 = arith.constant 0.000000e+00 : f32
        %max3A_612 = vector.broadcast %max3A_611 : f32 to vector<16xf32>
        %max3A_613 = arith.maximumf %add3A_610, %max3A_612 : vector<16xf32>
        %add3A_614 = arith.constant 1 : i32
        %add3A_615 = arith.addi %mul3A_203, %add3A_614 : i32
        %swap3A_616 = arith.index_cast %add3A_615 : i32 to index
        %swap3A_617 = arith.constant 80 : index
        %swap3A_618 = tpu.vector_load %arg9[%swap3A_616, %swap3A_617] {strides = array<i32>} : memref<64x128xf32, #tpu.memory_space<vmem>>, vector<1x16xf32>,
        %swap3A_619 = vector.shape_cast %swap3A_618 : vector<1x16xf32> to vector<16xf32>
        %swap3A_620 = vector.shape_cast %max3A_613 : vector<16xf32> to vector<1x16xf32>
        tpu.vector_store %arg9[%swap3A_616, %swap3A_617], %swap3A_620 {strides = array<i32>} : memref<64x128xf32, #tpu.memory_space<vmem>>, vector<1x16xf32>,
        %add3A_621 = arith.constant 1 : i32
        %add3A_622 = arith.addi %mul3A_203, %add3A_621 : i32
        %get3A_623 = arith.index_cast %add3A_622 : i32 to index
        %get3A_624 = arith.constant 96 : index
        %get3A_625 = tpu.vector_load %arg9[%get3A_623, %get3A_624] {strides = array<i32>} : memref<64x128xf32, #tpu.memory_space<vmem>>, vector<1x16xf32>,
        %get3A_626 = vector.shape_cast %get3A_625 : vector<1x16xf32> to vector<16xf32>
        %add3A_627 = arith.constant 1 : i32
        %add3A_628 = arith.addi %mul3A_203, %add3A_627 : i32
        %get3A_629 = arith.index_cast %add3A_628 : i32 to index
        %get3A_630 = arith.constant 96 : index
        %get3A_631 = tpu.vector_load %arg11[%get3A_629, %get3A_630] {strides = array<i32>} : memref<64x128xf32, #tpu.memory_space<vmem>>, vector<1x16xf32>,
        %get3A_632 = vector.shape_cast %get3A_631 : vector<1x16xf32> to vector<16xf32>
        %add3A_633 = arith.addf %get3A_626, %get3A_632 : vector<16xf32>
        %add3A_634 = arith.constant 1 : i32
        %add3A_635 = arith.addi %mul3A_203, %add3A_634 : i32
        %get3A_636 = arith.index_cast %add3A_635 : i32 to index
        %get3A_637 = arith.constant 96 : index
        %get3A_638 = tpu.vector_load %arg13[%get3A_636, %get3A_637] {strides = array<i32>} : memref<64x128xf32, #tpu.memory_space<vmem>>, vector<1x16xf32>,
        %get3A_639 = vector.shape_cast %get3A_638 : vector<1x16xf32> to vector<16xf32>
        %add3A_640 = arith.addf %add3A_633, %get3A_639 : vector<16xf32>
        %max3A_641 = arith.constant 0.000000e+00 : f32
        %max3A_642 = vector.broadcast %max3A_641 : f32 to vector<16xf32>
        %max3A_643 = arith.maximumf %add3A_640, %max3A_642 : vector<16xf32>
        %add3A_644 = arith.constant 1 : i32
        %add3A_645 = arith.addi %mul3A_203, %add3A_644 : i32
        %swap3A_646 = arith.index_cast %add3A_645 : i32 to index
        %swap3A_647 = arith.constant 96 : index
        %swap3A_648 = tpu.vector_load %arg9[%swap3A_646, %swap3A_647] {strides = array<i32>} : memref<64x128xf32, #tpu.memory_space<vmem>>, vector<1x16xf32>,
        %swap3A_649 = vector.shape_cast %swap3A_648 : vector<1x16xf32> to vector<16xf32>
        %swap3A_650 = vector.shape_cast %max3A_643 : vector<16xf32> to vector<1x16xf32>
        tpu.vector_store %arg9[%swap3A_646, %swap3A_647], %swap3A_650 {strides = array<i32>} : memref<64x128xf32, #tpu.memory_space<vmem>>, vector<1x16xf32>,
        %add3A_651 = arith.constant 1 : i32
        %add3A_652 = arith.addi %mul3A_203, %add3A_651 : i32
        %get3A_653 = arith.index_cast %add3A_652 : i32 to index
        %get3A_654 = arith.constant 112 : index
        %get3A_655 = tpu.vector_load %arg9[%get3A_653, %get3A_654] {strides = array<i32>} : memref<64x128xf32, #tpu.memory_space<vmem>>, vector<1x16xf32>,
        %get3A_656 = vector.shape_cast %get3A_655 : vector<1x16xf32> to vector<16xf32>
        %add3A_657 = arith.constant 1 : i32
        %add3A_658 = arith.addi %mul3A_203, %add3A_657 : i32
        %get3A_659 = arith.index_cast %add3A_658 : i32 to index
        %get3A_660 = arith.constant 112 : index
        %get3A_661 = tpu.vector_load %arg11[%get3A_659, %get3A_660] {strides = array<i32>} : memref<64x128xf32, #tpu.memory_space<vmem>>, vector<1x16xf32>,
        %get3A_662 = vector.shape_cast %get3A_661 : vector<1x16xf32> to vector<16xf32>
        %add3A_663 = arith.addf %get3A_656, %get3A_662 : vector<16xf32>
        %add3A_664 = arith.constant 1 : i32
        %add3A_665 = arith.addi %mul3A_203, %add3A_664 : i32
        %get3A_666 = arith.index_cast %add3A_665 : i32 to index
        %get3A_667 = arith.constant 112 : index
        %get3A_668 = tpu.vector_load %arg13[%get3A_666, %get3A_667] {strides = array<i32>} : memref<64x128xf32, #tpu.memory_space<vmem>>, vector<1x16xf32>,
        %get3A_669 = vector.shape_cast %get3A_668 : vector<1x16xf32> to vector<16xf32>
        %add3A_670 = arith.addf %add3A_663, %get3A_669 : vector<16xf32>
        %max3A_671 = arith.constant 0.000000e+00 : f32
        %max3A_672 = vector.broadcast %max3A_671 : f32 to vector<16xf32>
        %max3A_673 = arith.maximumf %add3A_670, %max3A_672 : vector<16xf32>
        %add3A_674 = arith.constant 1 : i32
        %add3A_675 = arith.addi %mul3A_203, %add3A_674 : i32
        %swap3A_676 = arith.index_cast %add3A_675 : i32 to index
        %swap3A_677 = arith.constant 112 : index
        %swap3A_678 = tpu.vector_load %arg9[%swap3A_676, %swap3A_677] {strides = array<i32>} : memref<64x128xf32, #tpu.memory_space<vmem>>, vector<1x16xf32>,
        %swap3A_679 = vector.shape_cast %swap3A_678 : vector<1x16xf32> to vector<16xf32>
        %swap3A_680 = vector.shape_cast %max3A_673 : vector<16xf32> to vector<1x16xf32>
        tpu.vector_store %arg9[%swap3A_676, %swap3A_677], %swap3A_680 {strides = array<i32>} : memref<64x128xf32, #tpu.memory_space<vmem>>, vector<1x16xf32>,
      }
      %scan3A_159 = arith.constant 32 : i32
      %run_scoped3A = arith.constant 0 : i32
      "tpu.region"() ({
        %run_scoped3A_201 = tpu.sem_alloc : memref<!tpu.dma_semaphore, #tpu.memory_space<semaphore_mem>>
        %dma_start3A_202 = arith.constant 0 : i32
        %dma_start3A_203 = tpu.memref_slice %arg7[%run_scoped3A, %dma_start3A_202] : memref<2x64xi32, #tpu.memory_space<vmem>> -> memref<1x64xi32, #tpu.memory_space<vmem>>
        %dma_start3A_204 = tpu.memref_squeeze %dma_start3A_203 : memref<1x64xi32, #tpu.memory_space<vmem>> -> memref<64xi32, #tpu.memory_space<vmem>>
        %dma_start3A_205 = arith.constant 0 : i32
        %dma_start3A_206 = arith.constant 0 : i32
        %dma_start3A_207 = tpu.memref_slice %arg15[%dma_start3A_205, %dma_start3A_206] : memref<10000x128xf32, #tpu.memory_space<vmem_shared>> -> memref<10000x128xf32, #tpu.memory_space<vmem_shared>>
        tpu.enqueue_indirect_dma source(%arg9 : memref<64x128xf32, #tpu.memory_space<vmem>>) target(%dma_start3A_207 : memref<10000x128xf32, #tpu.memory_space<vmem_shared>>) offsets(%dma_start3A_204 : memref<64xi32, #tpu.memory_space<vmem>>) semaphore(%run_scoped3A_201 : memref<!tpu.dma_semaphore, #tpu.memory_space<semaphore_mem>>) {add = true}
        %dma_wait3A_208 = arith.constant 0 : i32
        %dma_wait3A_209 = tpu.memref_slice %arg7[%run_scoped3A, %dma_wait3A_208] : memref<2x64xi32, #tpu.memory_space<vmem>> -> memref<1x64xi32, #tpu.memory_space<vmem>>
        %dma_wait3A_210 = tpu.memref_squeeze %dma_wait3A_209 : memref<1x64xi32, #tpu.memory_space<vmem>> -> memref<64xi32, #tpu.memory_space<vmem>>
        %dma_wait3A_211 = arith.constant 0 : i32
        %dma_wait3A_212 = arith.constant 0 : i32
        %dma_wait3A_213 = tpu.memref_slice %arg15[%dma_wait3A_211, %dma_wait3A_212] : memref<10000x128xf32, #tpu.memory_space<vmem_shared>> -> memref<10000x128xf32, #tpu.memory_space<vmem_shared>>
        tpu.wait_indirect_dma semaphore(%run_scoped3A_201 : memref<!tpu.dma_semaphore, #tpu.memory_space<semaphore_mem>>) src(%arg9 : memref<64x128xf32, #tpu.memory_space<vmem>>) dst(%dma_wait3A_213 : memref<10000x128xf32, #tpu.memory_space<vmem_shared>>)
        tpu.yield
      }) : () -> ()
      %mul3A_160 = arith.constant 2 : i32
      %mul3A_161 = arith.muli %scan3A_123, %mul3A_160 : i32
      %add3A_162 = arith.constant 1 : i32
      %add3A_163 = arith.addi %mul3A_161, %add3A_162 : i32
      %add3A_164 = arith.constant 1 : i32
      %add3A_165 = arith.addi %add3A_163, %add3A_164 : i32
      %lt3A_166 = arith.constant 158 : i32
      %lt3A_167 = arith.cmpi slt, %add3A_165, %lt3A_166 : i32
      %convert_element_type3A_168 = arith.extui %lt3A_167 : i1 to i32
      %cond3A_169 = arith.constant 0 : i32
      %cond3A_170 = arith.cmpi ne, %convert_element_type3A_168, %cond3A_169 : i32
      scf.if %cond3A_170 {
        %add3A_201 = arith.constant 1 : i32
        %add3A_202 = arith.addi %add3A_163, %add3A_201 : i32
        %mul3A_203 = arith.constant 32 : i32
        %mul3A_204 = arith.muli %add3A_202, %mul3A_203 : i32
        %add3A_205 = arith.addi %mul3A_204, %add3A : i32
        %mul3A_206 = arith.constant 64 : i32
        %mul3A_207 = arith.muli %add3A_205, %mul3A_206 : i32
        %mul3A_208 = arith.constant 32 : i32
        %mul3A_209 = arith.muli %add3A_202, %mul3A_208 : i32
        %add3A_210 = arith.addi %mul3A_209, %add3A : i32
        "tpu.region"() ({
          %run_scoped3A_229 = tpu.sem_alloc : memref<!tpu.dma_semaphore, #tpu.memory_space<semaphore_mem>>
          %dma_start3A_230 = arith.constant 0 : i32
          %dma_start3A_231 = arith.constant 0 : i32
          %dma_start3A_232 = tpu.memref_slice %arg5[%add3A_210, %dma_start3A_230, %dma_start3A_231] : memref<5056x2x64xi32, #tpu.memory_space<hbm>> -> memref<1x2x64xi32, #tpu.memory_space<hbm>>
          %dma_start3A_233 = tpu.memref_squeeze %dma_start3A_232 : memref<1x2x64xi32, #tpu.memory_space<hbm>> -> memref<2x64xi32, #tpu.memory_space<hbm>>
          %dma_start3A_234 = arith.constant 0 : i32
          %dma_start3A_235 = arith.constant 0 : i32
          %dma_start3A_236 = tpu.memref_slice %arg5[%add3A_210, %dma_start3A_234, %dma_start3A_235] : memref<5056x2x64xi32, #tpu.memory_space<hbm>> -> memref<1x2x64xi32, #tpu.memory_space<hbm>>
          %dma_start3A_237 = tpu.memref_squeeze %dma_start3A_236 : memref<1x2x64xi32, #tpu.memory_space<hbm>> -> memref<2x64xi32, #tpu.memory_space<hbm>>
          tpu.enqueue_dma source(%dma_start3A_237 : memref<2x64xi32, #tpu.memory_space<hbm>>) target(%arg7 : memref<2x64xi32, #tpu.memory_space<vmem>>) target_semaphore(%run_scoped3A_229 : memref<!tpu.dma_semaphore, #tpu.memory_space<semaphore_mem>>)
          %dma_wait3A_238 = arith.constant 0 : i32
          %dma_wait3A_239 = arith.constant 0 : i32
          %dma_wait3A_240 = tpu.memref_slice %arg5[%add3A_210, %dma_wait3A_238, %dma_wait3A_239] : memref<5056x2x64xi32, #tpu.memory_space<hbm>> -> memref<1x2x64xi32, #tpu.memory_space<hbm>>
          %dma_wait3A_241 = tpu.memref_squeeze %dma_wait3A_240 : memref<1x2x64xi32, #tpu.memory_space<hbm>> -> memref<2x64xi32, #tpu.memory_space<hbm>>
          %dma_wait3A_242 = arith.constant 0 : i32
          %dma_wait3A_243 = arith.constant 0 : i32
          %dma_wait3A_244 = tpu.memref_slice %arg5[%add3A_210, %dma_wait3A_242, %dma_wait3A_243] : memref<5056x2x64xi32, #tpu.memory_space<hbm>> -> memref<1x2x64xi32, #tpu.memory_space<hbm>>
          %dma_wait3A_245 = tpu.memref_squeeze %dma_wait3A_244 : memref<1x2x64xi32, #tpu.memory_space<hbm>> -> memref<2x64xi32, #tpu.memory_space<hbm>>
          tpu.wait_dma2 semaphore(%run_scoped3A_229 : memref<!tpu.dma_semaphore, #tpu.memory_space<semaphore_mem>>) src(%dma_wait3A_245 : memref<2x64xi32, #tpu.memory_space<hbm>>) dst(%arg7 : memref<2x64xi32, #tpu.memory_space<vmem>>)
          tpu.yield
        }) : () -> ()
        %dma_start3A_211 = arith.constant 0 : i32
        %dma_start3A_212 = tpu.memref_slice %arg4[%mul3A_207, %dma_start3A_211] : memref<323584x128xf32, #tpu.memory_space<hbm>> -> memref<64x128xf32, #tpu.memory_space<hbm>>
        %dma_start3A_213 = arith.constant 0 : i32
        %dma_start3A_214 = tpu.memref_slice %arg4[%mul3A_207, %dma_start3A_213] : memref<323584x128xf32, #tpu.memory_space<hbm>> -> memref<64x128xf32, #tpu.memory_space<hbm>>
        tpu.enqueue_dma source(%dma_start3A_214 : memref<64x128xf32, #tpu.memory_space<hbm>>) target(%arg13 : memref<64x128xf32, #tpu.memory_space<vmem>>) target_semaphore(%arg20 : memref<!tpu.dma_semaphore, #tpu.memory_space<semaphore_mem>>)
        %dma_start3A_215 = arith.constant 1 : i32
        %dma_start3A_216 = arith.constant 0 : i32
        %dma_start3A_217 = tpu.memref_slice %arg7[%dma_start3A_215, %dma_start3A_216] : memref<2x64xi32, #tpu.memory_space<vmem>> -> memref<1x64xi32, #tpu.memory_space<vmem>>
        %dma_start3A_218 = tpu.memref_squeeze %dma_start3A_217 : memref<1x64xi32, #tpu.memory_space<vmem>> -> memref<64xi32, #tpu.memory_space<vmem>>
        %dma_start3A_219 = arith.constant 0 : i32
        %dma_start3A_220 = arith.constant 0 : i32
        %dma_start3A_221 = tpu.memref_slice %arg3[%dma_start3A_219, %dma_start3A_220] : memref<10000x128xf32, #tpu.memory_space<hbm>> -> memref<10000x128xf32, #tpu.memory_space<hbm>>
        tpu.enqueue_indirect_dma source(%dma_start3A_221 : memref<10000x128xf32, #tpu.memory_space<hbm>>) target(%arg11 : memref<64x128xf32, #tpu.memory_space<vmem>>) offsets(%dma_start3A_218 : memref<64xi32, #tpu.memory_space<vmem>>) semaphore(%arg18 : memref<!tpu.dma_semaphore, #tpu.memory_space<semaphore_mem>>)
        %dma_start3A_222 = arith.constant 0 : i32
        %dma_start3A_223 = arith.constant 0 : i32
        %dma_start3A_224 = tpu.memref_slice %arg7[%dma_start3A_222, %dma_start3A_223] : memref<2x64xi32, #tpu.memory_space<vmem>> -> memref<1x64xi32, #tpu.memory_space<vmem>>
        %dma_start3A_225 = tpu.memref_squeeze %dma_start3A_224 : memref<1x64xi32, #tpu.memory_space<vmem>> -> memref<64xi32, #tpu.memory_space<vmem>>
        %dma_start3A_226 = arith.constant 0 : i32
        %dma_start3A_227 = arith.constant 0 : i32
        %dma_start3A_228 = tpu.memref_slice %arg2[%dma_start3A_226, %dma_start3A_227] : memref<10000x128xf32, #tpu.memory_space<hbm>> -> memref<10000x128xf32, #tpu.memory_space<hbm>>
        tpu.enqueue_indirect_dma source(%dma_start3A_228 : memref<10000x128xf32, #tpu.memory_space<hbm>>) target(%arg9 : memref<64x128xf32, #tpu.memory_space<vmem>>) offsets(%dma_start3A_225 : memref<64xi32, #tpu.memory_space<vmem>>) semaphore(%arg16 : memref<!tpu.dma_semaphore, #tpu.memory_space<semaphore_mem>>)
      } else {
      }
      %mul3A_171 = arith.constant 32 : i32
      %mul3A_172 = arith.muli %add3A_163, %mul3A_171 : i32
      %add3A_173 = arith.addi %mul3A_172, %add3A : i32
      %mul3A_174 = arith.constant 64 : i32
      %mul3A_175 = arith.muli %add3A_173, %mul3A_174 : i32
      %dma_wait3A_176 = arith.constant 0 : i32
      %dma_wait3A_177 = tpu.memref_slice %arg4[%mul3A_175, %dma_wait3A_176] : memref<323584x128xf32, #tpu.memory_space<hbm>> -> memref<64x128xf32, #tpu.memory_space<hbm>>
      %dma_wait3A_178 = arith.constant 0 : i32
      %dma_wait3A_179 = tpu.memref_slice %arg4[%mul3A_175, %dma_wait3A_178] : memref<323584x128xf32, #tpu.memory_space<hbm>> -> memref<64x128xf32, #tpu.memory_space<hbm>>
      tpu.wait_dma2 semaphore(%arg21 : memref<!tpu.dma_semaphore, #tpu.memory_space<semaphore_mem>>) src(%dma_wait3A_179 : memref<64x128xf32, #tpu.memory_space<hbm>>) dst(%arg14 : memref<64x128xf32, #tpu.memory_space<vmem>>)
      %dma_wait3A_180 = arith.constant 1 : i32
      %dma_wait3A_181 = arith.constant 0 : i32
      %dma_wait3A_182 = tpu.memref_slice %arg8[%dma_wait3A_180, %dma_wait3A_181] : memref<2x64xi32, #tpu.memory_space<vmem>> -> memref<1x64xi32, #tpu.memory_space<vmem>>
      %dma_wait3A_183 = tpu.memref_squeeze %dma_wait3A_182 : memref<1x64xi32, #tpu.memory_space<vmem>> -> memref<64xi32, #tpu.memory_space<vmem>>
      %dma_wait3A_184 = arith.constant 0 : i32
      %dma_wait3A_185 = arith.constant 0 : i32
      %dma_wait3A_186 = tpu.memref_slice %arg3[%dma_wait3A_184, %dma_wait3A_185] : memref<10000x128xf32, #tpu.memory_space<hbm>> -> memref<10000x128xf32, #tpu.memory_space<hbm>>
      tpu.wait_indirect_dma semaphore(%arg19 : memref<!tpu.dma_semaphore, #tpu.memory_space<semaphore_mem>>) src(%dma_wait3A_186 : memref<10000x128xf32, #tpu.memory_space<hbm>>) dst(%arg12 : memref<64x128xf32, #tpu.memory_space<vmem>>)
      %dma_wait3A_187 = arith.constant 0 : i32
      %dma_wait3A_188 = arith.constant 0 : i32
      %dma_wait3A_189 = tpu.memref_slice %arg8[%dma_wait3A_187, %dma_wait3A_188] : memref<2x64xi32, #tpu.memory_space<vmem>> -> memref<1x64xi32, #tpu.memory_space<vmem>>
      %dma_wait3A_190 = tpu.memref_squeeze %dma_wait3A_189 : memref<1x64xi32, #tpu.memory_space<vmem>> -> memref<64xi32, #tpu.memory_space<vmem>>
      %dma_wait3A_191 = arith.constant 0 : i32
      %dma_wait3A_192 = arith.constant 0 : i32
      %dma_wait3A_193 = tpu.memref_slice %arg2[%dma_wait3A_191, %dma_wait3A_192] : memref<10000x128xf32, #tpu.memory_space<hbm>> -> memref<10000x128xf32, #tpu.memory_space<hbm>>
      tpu.wait_indirect_dma semaphore(%arg17 : memref<!tpu.dma_semaphore, #tpu.memory_space<semaphore_mem>>) src(%dma_wait3A_193 : memref<10000x128xf32, #tpu.memory_space<hbm>>) dst(%arg10 : memref<64x128xf32, #tpu.memory_space<vmem>>)
      %scan3A_194 = arith.constant 0 : i32
      %scan3A_195 = arith.constant 0 : i32
      %scan3A_196 = arith.constant 32 : i32
      %scan3A_197 = arith.addi %scan3A_195, %scan3A_196 : i32
      %scan3A_198 = arith.constant 1 : i32
      scf.for %scan3A_201 = %scan3A_195 to %scan3A_197 step %scan3A_198  : i32 {
        %mul3A_202 = arith.constant 2 : i32
        %mul3A_203 = arith.muli %scan3A_201, %mul3A_202 : i32
        %add3A_204 = arith.constant 0 : i32
        %add3A_205 = arith.addi %mul3A_203, %add3A_204 : i32
        %get3A = arith.index_cast %add3A_205 : i32 to index
        %get3A_206 = arith.constant 0 : index
        %get3A_207 = tpu.vector_load %arg10[%get3A, %get3A_206] {strides = array<i32>} : memref<64x128xf32, #tpu.memory_space<vmem>>, vector<1x16xf32>,
        %get3A_208 = vector.shape_cast %get3A_207 : vector<1x16xf32> to vector<16xf32>
        %add3A_209 = arith.constant 0 : i32
        %add3A_210 = arith.addi %mul3A_203, %add3A_209 : i32
        %get3A_211 = arith.index_cast %add3A_210 : i32 to index
        %get3A_212 = arith.constant 0 : index
        %get3A_213 = tpu.vector_load %arg12[%get3A_211, %get3A_212] {strides = array<i32>} : memref<64x128xf32, #tpu.memory_space<vmem>>, vector<1x16xf32>,
        %get3A_214 = vector.shape_cast %get3A_213 : vector<1x16xf32> to vector<16xf32>
        %add3A_215 = arith.addf %get3A_208, %get3A_214 : vector<16xf32>
        %add3A_216 = arith.constant 0 : i32
        %add3A_217 = arith.addi %mul3A_203, %add3A_216 : i32
        %get3A_218 = arith.index_cast %add3A_217 : i32 to index
        %get3A_219 = arith.constant 0 : index
        %get3A_220 = tpu.vector_load %arg14[%get3A_218, %get3A_219] {strides = array<i32>} : memref<64x128xf32, #tpu.memory_space<vmem>>, vector<1x16xf32>,
        %get3A_221 = vector.shape_cast %get3A_220 : vector<1x16xf32> to vector<16xf32>
        %add3A_222 = arith.addf %add3A_215, %get3A_221 : vector<16xf32>
        %max3A = arith.constant 0.000000e+00 : f32
        %max3A_223 = vector.broadcast %max3A : f32 to vector<16xf32>
        %max3A_224 = arith.maximumf %add3A_222, %max3A_223 : vector<16xf32>
        %add3A_225 = arith.constant 0 : i32
        %add3A_226 = arith.addi %mul3A_203, %add3A_225 : i32
        %swap3A = arith.index_cast %add3A_226 : i32 to index
        %swap3A_227 = arith.constant 0 : index
        %swap3A_228 = tpu.vector_load %arg10[%swap3A, %swap3A_227] {strides = array<i32>} : memref<64x128xf32, #tpu.memory_space<vmem>>, vector<1x16xf32>,
        %swap3A_229 = vector.shape_cast %swap3A_228 : vector<1x16xf32> to vector<16xf32>
        %swap3A_230 = vector.shape_cast %max3A_224 : vector<16xf32> to vector<1x16xf32>
        tpu.vector_store %arg10[%swap3A, %swap3A_227], %swap3A_230 {strides = array<i32>} : memref<64x128xf32, #tpu.memory_space<vmem>>, vector<1x16xf32>,
        %add3A_231 = arith.constant 0 : i32
        %add3A_232 = arith.addi %mul3A_203, %add3A_231 : i32
        %get3A_233 = arith.index_cast %add3A_232 : i32 to index
        %get3A_234 = arith.constant 16 : index
        %get3A_235 = tpu.vector_load %arg10[%get3A_233, %get3A_234] {strides = array<i32>} : memref<64x128xf32, #tpu.memory_space<vmem>>, vector<1x16xf32>,
        %get3A_236 = vector.shape_cast %get3A_235 : vector<1x16xf32> to vector<16xf32>
        %add3A_237 = arith.constant 0 : i32
        %add3A_238 = arith.addi %mul3A_203, %add3A_237 : i32
        %get3A_239 = arith.index_cast %add3A_238 : i32 to index
        %get3A_240 = arith.constant 16 : index
        %get3A_241 = tpu.vector_load %arg12[%get3A_239, %get3A_240] {strides = array<i32>} : memref<64x128xf32, #tpu.memory_space<vmem>>, vector<1x16xf32>,
        %get3A_242 = vector.shape_cast %get3A_241 : vector<1x16xf32> to vector<16xf32>
        %add3A_243 = arith.addf %get3A_236, %get3A_242 : vector<16xf32>
        %add3A_244 = arith.constant 0 : i32
        %add3A_245 = arith.addi %mul3A_203, %add3A_244 : i32
        %get3A_246 = arith.index_cast %add3A_245 : i32 to index
        %get3A_247 = arith.constant 16 : index
        %get3A_248 = tpu.vector_load %arg14[%get3A_246, %get3A_247] {strides = array<i32>} : memref<64x128xf32, #tpu.memory_space<vmem>>, vector<1x16xf32>,
        %get3A_249 = vector.shape_cast %get3A_248 : vector<1x16xf32> to vector<16xf32>
        %add3A_250 = arith.addf %add3A_243, %get3A_249 : vector<16xf32>
        %max3A_251 = arith.constant 0.000000e+00 : f32
        %max3A_252 = vector.broadcast %max3A_251 : f32 to vector<16xf32>
        %max3A_253 = arith.maximumf %add3A_250, %max3A_252 : vector<16xf32>
        %add3A_254 = arith.constant 0 : i32
        %add3A_255 = arith.addi %mul3A_203, %add3A_254 : i32
        %swap3A_256 = arith.index_cast %add3A_255 : i32 to index
        %swap3A_257 = arith.constant 16 : index
        %swap3A_258 = tpu.vector_load %arg10[%swap3A_256, %swap3A_257] {strides = array<i32>} : memref<64x128xf32, #tpu.memory_space<vmem>>, vector<1x16xf32>,
        %swap3A_259 = vector.shape_cast %swap3A_258 : vector<1x16xf32> to vector<16xf32>
        %swap3A_260 = vector.shape_cast %max3A_253 : vector<16xf32> to vector<1x16xf32>
        tpu.vector_store %arg10[%swap3A_256, %swap3A_257], %swap3A_260 {strides = array<i32>} : memref<64x128xf32, #tpu.memory_space<vmem>>, vector<1x16xf32>,
        %add3A_261 = arith.constant 0 : i32
        %add3A_262 = arith.addi %mul3A_203, %add3A_261 : i32
        %get3A_263 = arith.index_cast %add3A_262 : i32 to index
        %get3A_264 = arith.constant 32 : index
        %get3A_265 = tpu.vector_load %arg10[%get3A_263, %get3A_264] {strides = array<i32>} : memref<64x128xf32, #tpu.memory_space<vmem>>, vector<1x16xf32>,
        %get3A_266 = vector.shape_cast %get3A_265 : vector<1x16xf32> to vector<16xf32>
        %add3A_267 = arith.constant 0 : i32
        %add3A_268 = arith.addi %mul3A_203, %add3A_267 : i32
        %get3A_269 = arith.index_cast %add3A_268 : i32 to index
        %get3A_270 = arith.constant 32 : index
        %get3A_271 = tpu.vector_load %arg12[%get3A_269, %get3A_270] {strides = array<i32>} : memref<64x128xf32, #tpu.memory_space<vmem>>, vector<1x16xf32>,
        %get3A_272 = vector.shape_cast %get3A_271 : vector<1x16xf32> to vector<16xf32>
        %add3A_273 = arith.addf %get3A_266, %get3A_272 : vector<16xf32>
        %add3A_274 = arith.constant 0 : i32
        %add3A_275 = arith.addi %mul3A_203, %add3A_274 : i32
        %get3A_276 = arith.index_cast %add3A_275 : i32 to index
        %get3A_277 = arith.constant 32 : index
        %get3A_278 = tpu.vector_load %arg14[%get3A_276, %get3A_277] {strides = array<i32>} : memref<64x128xf32, #tpu.memory_space<vmem>>, vector<1x16xf32>,
        %get3A_279 = vector.shape_cast %get3A_278 : vector<1x16xf32> to vector<16xf32>
        %add3A_280 = arith.addf %add3A_273, %get3A_279 : vector<16xf32>
        %max3A_281 = arith.constant 0.000000e+00 : f32
        %max3A_282 = vector.broadcast %max3A_281 : f32 to vector<16xf32>
        %max3A_283 = arith.maximumf %add3A_280, %max3A_282 : vector<16xf32>
        %add3A_284 = arith.constant 0 : i32
        %add3A_285 = arith.addi %mul3A_203, %add3A_284 : i32
        %swap3A_286 = arith.index_cast %add3A_285 : i32 to index
        %swap3A_287 = arith.constant 32 : index
        %swap3A_288 = tpu.vector_load %arg10[%swap3A_286, %swap3A_287] {strides = array<i32>} : memref<64x128xf32, #tpu.memory_space<vmem>>, vector<1x16xf32>,
        %swap3A_289 = vector.shape_cast %swap3A_288 : vector<1x16xf32> to vector<16xf32>
        %swap3A_290 = vector.shape_cast %max3A_283 : vector<16xf32> to vector<1x16xf32>
        tpu.vector_store %arg10[%swap3A_286, %swap3A_287], %swap3A_290 {strides = array<i32>} : memref<64x128xf32, #tpu.memory_space<vmem>>, vector<1x16xf32>,
        %add3A_291 = arith.constant 0 : i32
        %add3A_292 = arith.addi %mul3A_203, %add3A_291 : i32
        %get3A_293 = arith.index_cast %add3A_292 : i32 to index
        %get3A_294 = arith.constant 48 : index
        %get3A_295 = tpu.vector_load %arg10[%get3A_293, %get3A_294] {strides = array<i32>} : memref<64x128xf32, #tpu.memory_space<vmem>>, vector<1x16xf32>,
        %get3A_296 = vector.shape_cast %get3A_295 : vector<1x16xf32> to vector<16xf32>
        %add3A_297 = arith.constant 0 : i32
        %add3A_298 = arith.addi %mul3A_203, %add3A_297 : i32
        %get3A_299 = arith.index_cast %add3A_298 : i32 to index
        %get3A_300 = arith.constant 48 : index
        %get3A_301 = tpu.vector_load %arg12[%get3A_299, %get3A_300] {strides = array<i32>} : memref<64x128xf32, #tpu.memory_space<vmem>>, vector<1x16xf32>,
        %get3A_302 = vector.shape_cast %get3A_301 : vector<1x16xf32> to vector<16xf32>
        %add3A_303 = arith.addf %get3A_296, %get3A_302 : vector<16xf32>
        %add3A_304 = arith.constant 0 : i32
        %add3A_305 = arith.addi %mul3A_203, %add3A_304 : i32
        %get3A_306 = arith.index_cast %add3A_305 : i32 to index
        %get3A_307 = arith.constant 48 : index
        %get3A_308 = tpu.vector_load %arg14[%get3A_306, %get3A_307] {strides = array<i32>} : memref<64x128xf32, #tpu.memory_space<vmem>>, vector<1x16xf32>,
        %get3A_309 = vector.shape_cast %get3A_308 : vector<1x16xf32> to vector<16xf32>
        %add3A_310 = arith.addf %add3A_303, %get3A_309 : vector<16xf32>
        %max3A_311 = arith.constant 0.000000e+00 : f32
        %max3A_312 = vector.broadcast %max3A_311 : f32 to vector<16xf32>
        %max3A_313 = arith.maximumf %add3A_310, %max3A_312 : vector<16xf32>
        %add3A_314 = arith.constant 0 : i32
        %add3A_315 = arith.addi %mul3A_203, %add3A_314 : i32
        %swap3A_316 = arith.index_cast %add3A_315 : i32 to index
        %swap3A_317 = arith.constant 48 : index
        %swap3A_318 = tpu.vector_load %arg10[%swap3A_316, %swap3A_317] {strides = array<i32>} : memref<64x128xf32, #tpu.memory_space<vmem>>, vector<1x16xf32>,
        %swap3A_319 = vector.shape_cast %swap3A_318 : vector<1x16xf32> to vector<16xf32>
        %swap3A_320 = vector.shape_cast %max3A_313 : vector<16xf32> to vector<1x16xf32>
        tpu.vector_store %arg10[%swap3A_316, %swap3A_317], %swap3A_320 {strides = array<i32>} : memref<64x128xf32, #tpu.memory_space<vmem>>, vector<1x16xf32>,
        %add3A_321 = arith.constant 0 : i32
        %add3A_322 = arith.addi %mul3A_203, %add3A_321 : i32
        %get3A_323 = arith.index_cast %add3A_322 : i32 to index
        %get3A_324 = arith.constant 64 : index
        %get3A_325 = tpu.vector_load %arg10[%get3A_323, %get3A_324] {strides = array<i32>} : memref<64x128xf32, #tpu.memory_space<vmem>>, vector<1x16xf32>,
        %get3A_326 = vector.shape_cast %get3A_325 : vector<1x16xf32> to vector<16xf32>
        %add3A_327 = arith.constant 0 : i32
        %add3A_328 = arith.addi %mul3A_203, %add3A_327 : i32
        %get3A_329 = arith.index_cast %add3A_328 : i32 to index
        %get3A_330 = arith.constant 64 : index
        %get3A_331 = tpu.vector_load %arg12[%get3A_329, %get3A_330] {strides = array<i32>} : memref<64x128xf32, #tpu.memory_space<vmem>>, vector<1x16xf32>,
        %get3A_332 = vector.shape_cast %get3A_331 : vector<1x16xf32> to vector<16xf32>
        %add3A_333 = arith.addf %get3A_326, %get3A_332 : vector<16xf32>
        %add3A_334 = arith.constant 0 : i32
        %add3A_335 = arith.addi %mul3A_203, %add3A_334 : i32
        %get3A_336 = arith.index_cast %add3A_335 : i32 to index
        %get3A_337 = arith.constant 64 : index
        %get3A_338 = tpu.vector_load %arg14[%get3A_336, %get3A_337] {strides = array<i32>} : memref<64x128xf32, #tpu.memory_space<vmem>>, vector<1x16xf32>,
        %get3A_339 = vector.shape_cast %get3A_338 : vector<1x16xf32> to vector<16xf32>
        %add3A_340 = arith.addf %add3A_333, %get3A_339 : vector<16xf32>
        %max3A_341 = arith.constant 0.000000e+00 : f32
        %max3A_342 = vector.broadcast %max3A_341 : f32 to vector<16xf32>
        %max3A_343 = arith.maximumf %add3A_340, %max3A_342 : vector<16xf32>
        %add3A_344 = arith.constant 0 : i32
        %add3A_345 = arith.addi %mul3A_203, %add3A_344 : i32
        %swap3A_346 = arith.index_cast %add3A_345 : i32 to index
        %swap3A_347 = arith.constant 64 : index
        %swap3A_348 = tpu.vector_load %arg10[%swap3A_346, %swap3A_347] {strides = array<i32>} : memref<64x128xf32, #tpu.memory_space<vmem>>, vector<1x16xf32>,
        %swap3A_349 = vector.shape_cast %swap3A_348 : vector<1x16xf32> to vector<16xf32>
        %swap3A_350 = vector.shape_cast %max3A_343 : vector<16xf32> to vector<1x16xf32>
        tpu.vector_store %arg10[%swap3A_346, %swap3A_347], %swap3A_350 {strides = array<i32>} : memref<64x128xf32, #tpu.memory_space<vmem>>, vector<1x16xf32>,
        %add3A_351 = arith.constant 0 : i32
        %add3A_352 = arith.addi %mul3A_203, %add3A_351 : i32
        %get3A_353 = arith.index_cast %add3A_352 : i32 to index
        %get3A_354 = arith.constant 80 : index
        %get3A_355 = tpu.vector_load %arg10[%get3A_353, %get3A_354] {strides = array<i32>} : memref<64x128xf32, #tpu.memory_space<vmem>>, vector<1x16xf32>,
        %get3A_356 = vector.shape_cast %get3A_355 : vector<1x16xf32> to vector<16xf32>
        %add3A_357 = arith.constant 0 : i32
        %add3A_358 = arith.addi %mul3A_203, %add3A_357 : i32
        %get3A_359 = arith.index_cast %add3A_358 : i32 to index
        %get3A_360 = arith.constant 80 : index
        %get3A_361 = tpu.vector_load %arg12[%get3A_359, %get3A_360] {strides = array<i32>} : memref<64x128xf32, #tpu.memory_space<vmem>>, vector<1x16xf32>,
        %get3A_362 = vector.shape_cast %get3A_361 : vector<1x16xf32> to vector<16xf32>
        %add3A_363 = arith.addf %get3A_356, %get3A_362 : vector<16xf32>
        %add3A_364 = arith.constant 0 : i32
        %add3A_365 = arith.addi %mul3A_203, %add3A_364 : i32
        %get3A_366 = arith.index_cast %add3A_365 : i32 to index
        %get3A_367 = arith.constant 80 : index
        %get3A_368 = tpu.vector_load %arg14[%get3A_366, %get3A_367] {strides = array<i32>} : memref<64x128xf32, #tpu.memory_space<vmem>>, vector<1x16xf32>,
        %get3A_369 = vector.shape_cast %get3A_368 : vector<1x16xf32> to vector<16xf32>
        %add3A_370 = arith.addf %add3A_363, %get3A_369 : vector<16xf32>
        %max3A_371 = arith.constant 0.000000e+00 : f32
        %max3A_372 = vector.broadcast %max3A_371 : f32 to vector<16xf32>
        %max3A_373 = arith.maximumf %add3A_370, %max3A_372 : vector<16xf32>
        %add3A_374 = arith.constant 0 : i32
        %add3A_375 = arith.addi %mul3A_203, %add3A_374 : i32
        %swap3A_376 = arith.index_cast %add3A_375 : i32 to index
        %swap3A_377 = arith.constant 80 : index
        %swap3A_378 = tpu.vector_load %arg10[%swap3A_376, %swap3A_377] {strides = array<i32>} : memref<64x128xf32, #tpu.memory_space<vmem>>, vector<1x16xf32>,
        %swap3A_379 = vector.shape_cast %swap3A_378 : vector<1x16xf32> to vector<16xf32>
        %swap3A_380 = vector.shape_cast %max3A_373 : vector<16xf32> to vector<1x16xf32>
        tpu.vector_store %arg10[%swap3A_376, %swap3A_377], %swap3A_380 {strides = array<i32>} : memref<64x128xf32, #tpu.memory_space<vmem>>, vector<1x16xf32>,
        %add3A_381 = arith.constant 0 : i32
        %add3A_382 = arith.addi %mul3A_203, %add3A_381 : i32
        %get3A_383 = arith.index_cast %add3A_382 : i32 to index
        %get3A_384 = arith.constant 96 : index
        %get3A_385 = tpu.vector_load %arg10[%get3A_383, %get3A_384] {strides = array<i32>} : memref<64x128xf32, #tpu.memory_space<vmem>>, vector<1x16xf32>,
        %get3A_386 = vector.shape_cast %get3A_385 : vector<1x16xf32> to vector<16xf32>
        %add3A_387 = arith.constant 0 : i32
        %add3A_388 = arith.addi %mul3A_203, %add3A_387 : i32
        %get3A_389 = arith.index_cast %add3A_388 : i32 to index
        %get3A_390 = arith.constant 96 : index
        %get3A_391 = tpu.vector_load %arg12[%get3A_389, %get3A_390] {strides = array<i32>} : memref<64x128xf32, #tpu.memory_space<vmem>>, vector<1x16xf32>,
        %get3A_392 = vector.shape_cast %get3A_391 : vector<1x16xf32> to vector<16xf32>
        %add3A_393 = arith.addf %get3A_386, %get3A_392 : vector<16xf32>
        %add3A_394 = arith.constant 0 : i32
        %add3A_395 = arith.addi %mul3A_203, %add3A_394 : i32
        %get3A_396 = arith.index_cast %add3A_395 : i32 to index
        %get3A_397 = arith.constant 96 : index
        %get3A_398 = tpu.vector_load %arg14[%get3A_396, %get3A_397] {strides = array<i32>} : memref<64x128xf32, #tpu.memory_space<vmem>>, vector<1x16xf32>,
        %get3A_399 = vector.shape_cast %get3A_398 : vector<1x16xf32> to vector<16xf32>
        %add3A_400 = arith.addf %add3A_393, %get3A_399 : vector<16xf32>
        %max3A_401 = arith.constant 0.000000e+00 : f32
        %max3A_402 = vector.broadcast %max3A_401 : f32 to vector<16xf32>
        %max3A_403 = arith.maximumf %add3A_400, %max3A_402 : vector<16xf32>
        %add3A_404 = arith.constant 0 : i32
        %add3A_405 = arith.addi %mul3A_203, %add3A_404 : i32
        %swap3A_406 = arith.index_cast %add3A_405 : i32 to index
        %swap3A_407 = arith.constant 96 : index
        %swap3A_408 = tpu.vector_load %arg10[%swap3A_406, %swap3A_407] {strides = array<i32>} : memref<64x128xf32, #tpu.memory_space<vmem>>, vector<1x16xf32>,
        %swap3A_409 = vector.shape_cast %swap3A_408 : vector<1x16xf32> to vector<16xf32>
        %swap3A_410 = vector.shape_cast %max3A_403 : vector<16xf32> to vector<1x16xf32>
        tpu.vector_store %arg10[%swap3A_406, %swap3A_407], %swap3A_410 {strides = array<i32>} : memref<64x128xf32, #tpu.memory_space<vmem>>, vector<1x16xf32>,
        %add3A_411 = arith.constant 0 : i32
        %add3A_412 = arith.addi %mul3A_203, %add3A_411 : i32
        %get3A_413 = arith.index_cast %add3A_412 : i32 to index
        %get3A_414 = arith.constant 112 : index
        %get3A_415 = tpu.vector_load %arg10[%get3A_413, %get3A_414] {strides = array<i32>} : memref<64x128xf32, #tpu.memory_space<vmem>>, vector<1x16xf32>,
        %get3A_416 = vector.shape_cast %get3A_415 : vector<1x16xf32> to vector<16xf32>
        %add3A_417 = arith.constant 0 : i32
        %add3A_418 = arith.addi %mul3A_203, %add3A_417 : i32
        %get3A_419 = arith.index_cast %add3A_418 : i32 to index
        %get3A_420 = arith.constant 112 : index
        %get3A_421 = tpu.vector_load %arg12[%get3A_419, %get3A_420] {strides = array<i32>} : memref<64x128xf32, #tpu.memory_space<vmem>>, vector<1x16xf32>,
        %get3A_422 = vector.shape_cast %get3A_421 : vector<1x16xf32> to vector<16xf32>
        %add3A_423 = arith.addf %get3A_416, %get3A_422 : vector<16xf32>
        %add3A_424 = arith.constant 0 : i32
        %add3A_425 = arith.addi %mul3A_203, %add3A_424 : i32
        %get3A_426 = arith.index_cast %add3A_425 : i32 to index
        %get3A_427 = arith.constant 112 : index
        %get3A_428 = tpu.vector_load %arg14[%get3A_426, %get3A_427] {strides = array<i32>} : memref<64x128xf32, #tpu.memory_space<vmem>>, vector<1x16xf32>,
        %get3A_429 = vector.shape_cast %get3A_428 : vector<1x16xf32> to vector<16xf32>
        %add3A_430 = arith.addf %add3A_423, %get3A_429 : vector<16xf32>
        %max3A_431 = arith.constant 0.000000e+00 : f32
        %max3A_432 = vector.broadcast %max3A_431 : f32 to vector<16xf32>
        %max3A_433 = arith.maximumf %add3A_430, %max3A_432 : vector<16xf32>
        %add3A_434 = arith.constant 0 : i32
        %add3A_435 = arith.addi %mul3A_203, %add3A_434 : i32
        %swap3A_436 = arith.index_cast %add3A_435 : i32 to index
        %swap3A_437 = arith.constant 112 : index
        %swap3A_438 = tpu.vector_load %arg10[%swap3A_436, %swap3A_437] {strides = array<i32>} : memref<64x128xf32, #tpu.memory_space<vmem>>, vector<1x16xf32>,
        %swap3A_439 = vector.shape_cast %swap3A_438 : vector<1x16xf32> to vector<16xf32>
        %swap3A_440 = vector.shape_cast %max3A_433 : vector<16xf32> to vector<1x16xf32>
        tpu.vector_store %arg10[%swap3A_436, %swap3A_437], %swap3A_440 {strides = array<i32>} : memref<64x128xf32, #tpu.memory_space<vmem>>, vector<1x16xf32>,
        %add3A_441 = arith.constant 1 : i32
        %add3A_442 = arith.addi %mul3A_203, %add3A_441 : i32
        %get3A_443 = arith.index_cast %add3A_442 : i32 to index
        %get3A_444 = arith.constant 0 : index
        %get3A_445 = tpu.vector_load %arg10[%get3A_443, %get3A_444] {strides = array<i32>} : memref<64x128xf32, #tpu.memory_space<vmem>>, vector<1x16xf32>,
        %get3A_446 = vector.shape_cast %get3A_445 : vector<1x16xf32> to vector<16xf32>
        %add3A_447 = arith.constant 1 : i32
        %add3A_448 = arith.addi %mul3A_203, %add3A_447 : i32
        %get3A_449 = arith.index_cast %add3A_448 : i32 to index
        %get3A_450 = arith.constant 0 : index
        %get3A_451 = tpu.vector_load %arg12[%get3A_449, %get3A_450] {strides = array<i32>} : memref<64x128xf32, #tpu.memory_space<vmem>>, vector<1x16xf32>,
        %get3A_452 = vector.shape_cast %get3A_451 : vector<1x16xf32> to vector<16xf32>
        %add3A_453 = arith.addf %get3A_446, %get3A_452 : vector<16xf32>
        %add3A_454 = arith.constant 1 : i32
        %add3A_455 = arith.addi %mul3A_203, %add3A_454 : i32
        %get3A_456 = arith.index_cast %add3A_455 : i32 to index
        %get3A_457 = arith.constant 0 : index
        %get3A_458 = tpu.vector_load %arg14[%get3A_456, %get3A_457] {strides = array<i32>} : memref<64x128xf32, #tpu.memory_space<vmem>>, vector<1x16xf32>,
        %get3A_459 = vector.shape_cast %get3A_458 : vector<1x16xf32> to vector<16xf32>
        %add3A_460 = arith.addf %add3A_453, %get3A_459 : vector<16xf32>
        %max3A_461 = arith.constant 0.000000e+00 : f32
        %max3A_462 = vector.broadcast %max3A_461 : f32 to vector<16xf32>
        %max3A_463 = arith.maximumf %add3A_460, %max3A_462 : vector<16xf32>
        %add3A_464 = arith.constant 1 : i32
        %add3A_465 = arith.addi %mul3A_203, %add3A_464 : i32
        %swap3A_466 = arith.index_cast %add3A_465 : i32 to index
        %swap3A_467 = arith.constant 0 : index
        %swap3A_468 = tpu.vector_load %arg10[%swap3A_466, %swap3A_467] {strides = array<i32>} : memref<64x128xf32, #tpu.memory_space<vmem>>, vector<1x16xf32>,
        %swap3A_469 = vector.shape_cast %swap3A_468 : vector<1x16xf32> to vector<16xf32>
        %swap3A_470 = vector.shape_cast %max3A_463 : vector<16xf32> to vector<1x16xf32>
        tpu.vector_store %arg10[%swap3A_466, %swap3A_467], %swap3A_470 {strides = array<i32>} : memref<64x128xf32, #tpu.memory_space<vmem>>, vector<1x16xf32>,
        %add3A_471 = arith.constant 1 : i32
        %add3A_472 = arith.addi %mul3A_203, %add3A_471 : i32
        %get3A_473 = arith.index_cast %add3A_472 : i32 to index
        %get3A_474 = arith.constant 16 : index
        %get3A_475 = tpu.vector_load %arg10[%get3A_473, %get3A_474] {strides = array<i32>} : memref<64x128xf32, #tpu.memory_space<vmem>>, vector<1x16xf32>,
        %get3A_476 = vector.shape_cast %get3A_475 : vector<1x16xf32> to vector<16xf32>
        %add3A_477 = arith.constant 1 : i32
        %add3A_478 = arith.addi %mul3A_203, %add3A_477 : i32
        %get3A_479 = arith.index_cast %add3A_478 : i32 to index
        %get3A_480 = arith.constant 16 : index
        %get3A_481 = tpu.vector_load %arg12[%get3A_479, %get3A_480] {strides = array<i32>} : memref<64x128xf32, #tpu.memory_space<vmem>>, vector<1x16xf32>,
        %get3A_482 = vector.shape_cast %get3A_481 : vector<1x16xf32> to vector<16xf32>
        %add3A_483 = arith.addf %get3A_476, %get3A_482 : vector<16xf32>
        %add3A_484 = arith.constant 1 : i32
        %add3A_485 = arith.addi %mul3A_203, %add3A_484 : i32
        %get3A_486 = arith.index_cast %add3A_485 : i32 to index
        %get3A_487 = arith.constant 16 : index
        %get3A_488 = tpu.vector_load %arg14[%get3A_486, %get3A_487] {strides = array<i32>} : memref<64x128xf32, #tpu.memory_space<vmem>>, vector<1x16xf32>,
        %get3A_489 = vector.shape_cast %get3A_488 : vector<1x16xf32> to vector<16xf32>
        %add3A_490 = arith.addf %add3A_483, %get3A_489 : vector<16xf32>
        %max3A_491 = arith.constant 0.000000e+00 : f32
        %max3A_492 = vector.broadcast %max3A_491 : f32 to vector<16xf32>
        %max3A_493 = arith.maximumf %add3A_490, %max3A_492 : vector<16xf32>
        %add3A_494 = arith.constant 1 : i32
        %add3A_495 = arith.addi %mul3A_203, %add3A_494 : i32
        %swap3A_496 = arith.index_cast %add3A_495 : i32 to index
        %swap3A_497 = arith.constant 16 : index
        %swap3A_498 = tpu.vector_load %arg10[%swap3A_496, %swap3A_497] {strides = array<i32>} : memref<64x128xf32, #tpu.memory_space<vmem>>, vector<1x16xf32>,
        %swap3A_499 = vector.shape_cast %swap3A_498 : vector<1x16xf32> to vector<16xf32>
        %swap3A_500 = vector.shape_cast %max3A_493 : vector<16xf32> to vector<1x16xf32>
        tpu.vector_store %arg10[%swap3A_496, %swap3A_497], %swap3A_500 {strides = array<i32>} : memref<64x128xf32, #tpu.memory_space<vmem>>, vector<1x16xf32>,
        %add3A_501 = arith.constant 1 : i32
        %add3A_502 = arith.addi %mul3A_203, %add3A_501 : i32
        %get3A_503 = arith.index_cast %add3A_502 : i32 to index
        %get3A_504 = arith.constant 32 : index
        %get3A_505 = tpu.vector_load %arg10[%get3A_503, %get3A_504] {strides = array<i32>} : memref<64x128xf32, #tpu.memory_space<vmem>>, vector<1x16xf32>,
        %get3A_506 = vector.shape_cast %get3A_505 : vector<1x16xf32> to vector<16xf32>
        %add3A_507 = arith.constant 1 : i32
        %add3A_508 = arith.addi %mul3A_203, %add3A_507 : i32
        %get3A_509 = arith.index_cast %add3A_508 : i32 to index
        %get3A_510 = arith.constant 32 : index
        %get3A_511 = tpu.vector_load %arg12[%get3A_509, %get3A_510] {strides = array<i32>} : memref<64x128xf32, #tpu.memory_space<vmem>>, vector<1x16xf32>,
        %get3A_512 = vector.shape_cast %get3A_511 : vector<1x16xf32> to vector<16xf32>
        %add3A_513 = arith.addf %get3A_506, %get3A_512 : vector<16xf32>
        %add3A_514 = arith.constant 1 : i32
        %add3A_515 = arith.addi %mul3A_203, %add3A_514 : i32
        %get3A_516 = arith.index_cast %add3A_515 : i32 to index
        %get3A_517 = arith.constant 32 : index
        %get3A_518 = tpu.vector_load %arg14[%get3A_516, %get3A_517] {strides = array<i32>} : memref<64x128xf32, #tpu.memory_space<vmem>>, vector<1x16xf32>,
        %get3A_519 = vector.shape_cast %get3A_518 : vector<1x16xf32> to vector<16xf32>
        %add3A_520 = arith.addf %add3A_513, %get3A_519 : vector<16xf32>
        %max3A_521 = arith.constant 0.000000e+00 : f32
        %max3A_522 = vector.broadcast %max3A_521 : f32 to vector<16xf32>
        %max3A_523 = arith.maximumf %add3A_520, %max3A_522 : vector<16xf32>
        %add3A_524 = arith.constant 1 : i32
        %add3A_525 = arith.addi %mul3A_203, %add3A_524 : i32
        %swap3A_526 = arith.index_cast %add3A_525 : i32 to index
        %swap3A_527 = arith.constant 32 : index
        %swap3A_528 = tpu.vector_load %arg10[%swap3A_526, %swap3A_527] {strides = array<i32>} : memref<64x128xf32, #tpu.memory_space<vmem>>, vector<1x16xf32>,
        %swap3A_529 = vector.shape_cast %swap3A_528 : vector<1x16xf32> to vector<16xf32>
        %swap3A_530 = vector.shape_cast %max3A_523 : vector<16xf32> to vector<1x16xf32>
        tpu.vector_store %arg10[%swap3A_526, %swap3A_527], %swap3A_530 {strides = array<i32>} : memref<64x128xf32, #tpu.memory_space<vmem>>, vector<1x16xf32>,
        %add3A_531 = arith.constant 1 : i32
        %add3A_532 = arith.addi %mul3A_203, %add3A_531 : i32
        %get3A_533 = arith.index_cast %add3A_532 : i32 to index
        %get3A_534 = arith.constant 48 : index
        %get3A_535 = tpu.vector_load %arg10[%get3A_533, %get3A_534] {strides = array<i32>} : memref<64x128xf32, #tpu.memory_space<vmem>>, vector<1x16xf32>,
        %get3A_536 = vector.shape_cast %get3A_535 : vector<1x16xf32> to vector<16xf32>
        %add3A_537 = arith.constant 1 : i32
        %add3A_538 = arith.addi %mul3A_203, %add3A_537 : i32
        %get3A_539 = arith.index_cast %add3A_538 : i32 to index
        %get3A_540 = arith.constant 48 : index
        %get3A_541 = tpu.vector_load %arg12[%get3A_539, %get3A_540] {strides = array<i32>} : memref<64x128xf32, #tpu.memory_space<vmem>>, vector<1x16xf32>,
        %get3A_542 = vector.shape_cast %get3A_541 : vector<1x16xf32> to vector<16xf32>
        %add3A_543 = arith.addf %get3A_536, %get3A_542 : vector<16xf32>
        %add3A_544 = arith.constant 1 : i32
        %add3A_545 = arith.addi %mul3A_203, %add3A_544 : i32
        %get3A_546 = arith.index_cast %add3A_545 : i32 to index
        %get3A_547 = arith.constant 48 : index
        %get3A_548 = tpu.vector_load %arg14[%get3A_546, %get3A_547] {strides = array<i32>} : memref<64x128xf32, #tpu.memory_space<vmem>>, vector<1x16xf32>,
        %get3A_549 = vector.shape_cast %get3A_548 : vector<1x16xf32> to vector<16xf32>
        %add3A_550 = arith.addf %add3A_543, %get3A_549 : vector<16xf32>
        %max3A_551 = arith.constant 0.000000e+00 : f32
        %max3A_552 = vector.broadcast %max3A_551 : f32 to vector<16xf32>
        %max3A_553 = arith.maximumf %add3A_550, %max3A_552 : vector<16xf32>
        %add3A_554 = arith.constant 1 : i32
        %add3A_555 = arith.addi %mul3A_203, %add3A_554 : i32
        %swap3A_556 = arith.index_cast %add3A_555 : i32 to index
        %swap3A_557 = arith.constant 48 : index
        %swap3A_558 = tpu.vector_load %arg10[%swap3A_556, %swap3A_557] {strides = array<i32>} : memref<64x128xf32, #tpu.memory_space<vmem>>, vector<1x16xf32>,
        %swap3A_559 = vector.shape_cast %swap3A_558 : vector<1x16xf32> to vector<16xf32>
        %swap3A_560 = vector.shape_cast %max3A_553 : vector<16xf32> to vector<1x16xf32>
        tpu.vector_store %arg10[%swap3A_556, %swap3A_557], %swap3A_560 {strides = array<i32>} : memref<64x128xf32, #tpu.memory_space<vmem>>, vector<1x16xf32>,
        %add3A_561 = arith.constant 1 : i32
        %add3A_562 = arith.addi %mul3A_203, %add3A_561 : i32
        %get3A_563 = arith.index_cast %add3A_562 : i32 to index
        %get3A_564 = arith.constant 64 : index
        %get3A_565 = tpu.vector_load %arg10[%get3A_563, %get3A_564] {strides = array<i32>} : memref<64x128xf32, #tpu.memory_space<vmem>>, vector<1x16xf32>,
        %get3A_566 = vector.shape_cast %get3A_565 : vector<1x16xf32> to vector<16xf32>
        %add3A_567 = arith.constant 1 : i32
        %add3A_568 = arith.addi %mul3A_203, %add3A_567 : i32
        %get3A_569 = arith.index_cast %add3A_568 : i32 to index
        %get3A_570 = arith.constant 64 : index
        %get3A_571 = tpu.vector_load %arg12[%get3A_569, %get3A_570] {strides = array<i32>} : memref<64x128xf32, #tpu.memory_space<vmem>>, vector<1x16xf32>,
        %get3A_572 = vector.shape_cast %get3A_571 : vector<1x16xf32> to vector<16xf32>
        %add3A_573 = arith.addf %get3A_566, %get3A_572 : vector<16xf32>
        %add3A_574 = arith.constant 1 : i32
        %add3A_575 = arith.addi %mul3A_203, %add3A_574 : i32
        %get3A_576 = arith.index_cast %add3A_575 : i32 to index
        %get3A_577 = arith.constant 64 : index
        %get3A_578 = tpu.vector_load %arg14[%get3A_576, %get3A_577] {strides = array<i32>} : memref<64x128xf32, #tpu.memory_space<vmem>>, vector<1x16xf32>,
        %get3A_579 = vector.shape_cast %get3A_578 : vector<1x16xf32> to vector<16xf32>
        %add3A_580 = arith.addf %add3A_573, %get3A_579 : vector<16xf32>
        %max3A_581 = arith.constant 0.000000e+00 : f32
        %max3A_582 = vector.broadcast %max3A_581 : f32 to vector<16xf32>
        %max3A_583 = arith.maximumf %add3A_580, %max3A_582 : vector<16xf32>
        %add3A_584 = arith.constant 1 : i32
        %add3A_585 = arith.addi %mul3A_203, %add3A_584 : i32
        %swap3A_586 = arith.index_cast %add3A_585 : i32 to index
        %swap3A_587 = arith.constant 64 : index
        %swap3A_588 = tpu.vector_load %arg10[%swap3A_586, %swap3A_587] {strides = array<i32>} : memref<64x128xf32, #tpu.memory_space<vmem>>, vector<1x16xf32>,
        %swap3A_589 = vector.shape_cast %swap3A_588 : vector<1x16xf32> to vector<16xf32>
        %swap3A_590 = vector.shape_cast %max3A_583 : vector<16xf32> to vector<1x16xf32>
        tpu.vector_store %arg10[%swap3A_586, %swap3A_587], %swap3A_590 {strides = array<i32>} : memref<64x128xf32, #tpu.memory_space<vmem>>, vector<1x16xf32>,
        %add3A_591 = arith.constant 1 : i32
        %add3A_592 = arith.addi %mul3A_203, %add3A_591 : i32
        %get3A_593 = arith.index_cast %add3A_592 : i32 to index
        %get3A_594 = arith.constant 80 : index
        %get3A_595 = tpu.vector_load %arg10[%get3A_593, %get3A_594] {strides = array<i32>} : memref<64x128xf32, #tpu.memory_space<vmem>>, vector<1x16xf32>,
        %get3A_596 = vector.shape_cast %get3A_595 : vector<1x16xf32> to vector<16xf32>
        %add3A_597 = arith.constant 1 : i32
        %add3A_598 = arith.addi %mul3A_203, %add3A_597 : i32
        %get3A_599 = arith.index_cast %add3A_598 : i32 to index
        %get3A_600 = arith.constant 80 : index
        %get3A_601 = tpu.vector_load %arg12[%get3A_599, %get3A_600] {strides = array<i32>} : memref<64x128xf32, #tpu.memory_space<vmem>>, vector<1x16xf32>,
        %get3A_602 = vector.shape_cast %get3A_601 : vector<1x16xf32> to vector<16xf32>
        %add3A_603 = arith.addf %get3A_596, %get3A_602 : vector<16xf32>
        %add3A_604 = arith.constant 1 : i32
        %add3A_605 = arith.addi %mul3A_203, %add3A_604 : i32
        %get3A_606 = arith.index_cast %add3A_605 : i32 to index
        %get3A_607 = arith.constant 80 : index
        %get3A_608 = tpu.vector_load %arg14[%get3A_606, %get3A_607] {strides = array<i32>} : memref<64x128xf32, #tpu.memory_space<vmem>>, vector<1x16xf32>,
        %get3A_609 = vector.shape_cast %get3A_608 : vector<1x16xf32> to vector<16xf32>
        %add3A_610 = arith.addf %add3A_603, %get3A_609 : vector<16xf32>
        %max3A_611 = arith.constant 0.000000e+00 : f32
        %max3A_612 = vector.broadcast %max3A_611 : f32 to vector<16xf32>
        %max3A_613 = arith.maximumf %add3A_610, %max3A_612 : vector<16xf32>
        %add3A_614 = arith.constant 1 : i32
        %add3A_615 = arith.addi %mul3A_203, %add3A_614 : i32
        %swap3A_616 = arith.index_cast %add3A_615 : i32 to index
        %swap3A_617 = arith.constant 80 : index
        %swap3A_618 = tpu.vector_load %arg10[%swap3A_616, %swap3A_617] {strides = array<i32>} : memref<64x128xf32, #tpu.memory_space<vmem>>, vector<1x16xf32>,
        %swap3A_619 = vector.shape_cast %swap3A_618 : vector<1x16xf32> to vector<16xf32>
        %swap3A_620 = vector.shape_cast %max3A_613 : vector<16xf32> to vector<1x16xf32>
        tpu.vector_store %arg10[%swap3A_616, %swap3A_617], %swap3A_620 {strides = array<i32>} : memref<64x128xf32, #tpu.memory_space<vmem>>, vector<1x16xf32>,
        %add3A_621 = arith.constant 1 : i32
        %add3A_622 = arith.addi %mul3A_203, %add3A_621 : i32
        %get3A_623 = arith.index_cast %add3A_622 : i32 to index
        %get3A_624 = arith.constant 96 : index
        %get3A_625 = tpu.vector_load %arg10[%get3A_623, %get3A_624] {strides = array<i32>} : memref<64x128xf32, #tpu.memory_space<vmem>>, vector<1x16xf32>,
        %get3A_626 = vector.shape_cast %get3A_625 : vector<1x16xf32> to vector<16xf32>
        %add3A_627 = arith.constant 1 : i32
        %add3A_628 = arith.addi %mul3A_203, %add3A_627 : i32
        %get3A_629 = arith.index_cast %add3A_628 : i32 to index
        %get3A_630 = arith.constant 96 : index
        %get3A_631 = tpu.vector_load %arg12[%get3A_629, %get3A_630] {strides = array<i32>} : memref<64x128xf32, #tpu.memory_space<vmem>>, vector<1x16xf32>,
        %get3A_632 = vector.shape_cast %get3A_631 : vector<1x16xf32> to vector<16xf32>
        %add3A_633 = arith.addf %get3A_626, %get3A_632 : vector<16xf32>
        %add3A_634 = arith.constant 1 : i32
        %add3A_635 = arith.addi %mul3A_203, %add3A_634 : i32
        %get3A_636 = arith.index_cast %add3A_635 : i32 to index
        %get3A_637 = arith.constant 96 : index
        %get3A_638 = tpu.vector_load %arg14[%get3A_636, %get3A_637] {strides = array<i32>} : memref<64x128xf32, #tpu.memory_space<vmem>>, vector<1x16xf32>,
        %get3A_639 = vector.shape_cast %get3A_638 : vector<1x16xf32> to vector<16xf32>
        %add3A_640 = arith.addf %add3A_633, %get3A_639 : vector<16xf32>
        %max3A_641 = arith.constant 0.000000e+00 : f32
        %max3A_642 = vector.broadcast %max3A_641 : f32 to vector<16xf32>
        %max3A_643 = arith.maximumf %add3A_640, %max3A_642 : vector<16xf32>
        %add3A_644 = arith.constant 1 : i32
        %add3A_645 = arith.addi %mul3A_203, %add3A_644 : i32
        %swap3A_646 = arith.index_cast %add3A_645 : i32 to index
        %swap3A_647 = arith.constant 96 : index
        %swap3A_648 = tpu.vector_load %arg10[%swap3A_646, %swap3A_647] {strides = array<i32>} : memref<64x128xf32, #tpu.memory_space<vmem>>, vector<1x16xf32>,
        %swap3A_649 = vector.shape_cast %swap3A_648 : vector<1x16xf32> to vector<16xf32>
        %swap3A_650 = vector.shape_cast %max3A_643 : vector<16xf32> to vector<1x16xf32>
        tpu.vector_store %arg10[%swap3A_646, %swap3A_647], %swap3A_650 {strides = array<i32>} : memref<64x128xf32, #tpu.memory_space<vmem>>, vector<1x16xf32>,
        %add3A_651 = arith.constant 1 : i32
        %add3A_652 = arith.addi %mul3A_203, %add3A_651 : i32
        %get3A_653 = arith.index_cast %add3A_652 : i32 to index
        %get3A_654 = arith.constant 112 : index
        %get3A_655 = tpu.vector_load %arg10[%get3A_653, %get3A_654] {strides = array<i32>} : memref<64x128xf32, #tpu.memory_space<vmem>>, vector<1x16xf32>,
        %get3A_656 = vector.shape_cast %get3A_655 : vector<1x16xf32> to vector<16xf32>
        %add3A_657 = arith.constant 1 : i32
        %add3A_658 = arith.addi %mul3A_203, %add3A_657 : i32
        %get3A_659 = arith.index_cast %add3A_658 : i32 to index
        %get3A_660 = arith.constant 112 : index
        %get3A_661 = tpu.vector_load %arg12[%get3A_659, %get3A_660] {strides = array<i32>} : memref<64x128xf32, #tpu.memory_space<vmem>>, vector<1x16xf32>,
        %get3A_662 = vector.shape_cast %get3A_661 : vector<1x16xf32> to vector<16xf32>
        %add3A_663 = arith.addf %get3A_656, %get3A_662 : vector<16xf32>
        %add3A_664 = arith.constant 1 : i32
        %add3A_665 = arith.addi %mul3A_203, %add3A_664 : i32
        %get3A_666 = arith.index_cast %add3A_665 : i32 to index
        %get3A_667 = arith.constant 112 : index
        %get3A_668 = tpu.vector_load %arg14[%get3A_666, %get3A_667] {strides = array<i32>} : memref<64x128xf32, #tpu.memory_space<vmem>>, vector<1x16xf32>,
        %get3A_669 = vector.shape_cast %get3A_668 : vector<1x16xf32> to vector<16xf32>
        %add3A_670 = arith.addf %add3A_663, %get3A_669 : vector<16xf32>
        %max3A_671 = arith.constant 0.000000e+00 : f32
        %max3A_672 = vector.broadcast %max3A_671 : f32 to vector<16xf32>
        %max3A_673 = arith.maximumf %add3A_670, %max3A_672 : vector<16xf32>
        %add3A_674 = arith.constant 1 : i32
        %add3A_675 = arith.addi %mul3A_203, %add3A_674 : i32
        %swap3A_676 = arith.index_cast %add3A_675 : i32 to index
        %swap3A_677 = arith.constant 112 : index
        %swap3A_678 = tpu.vector_load %arg10[%swap3A_676, %swap3A_677] {strides = array<i32>} : memref<64x128xf32, #tpu.memory_space<vmem>>, vector<1x16xf32>,
        %swap3A_679 = vector.shape_cast %swap3A_678 : vector<1x16xf32> to vector<16xf32>
        %swap3A_680 = vector.shape_cast %max3A_673 : vector<16xf32> to vector<1x16xf32>
        tpu.vector_store %arg10[%swap3A_676, %swap3A_677], %swap3A_680 {strides = array<i32>} : memref<64x128xf32, #tpu.memory_space<vmem>>, vector<1x16xf32>,
      }
      %scan3A_199 = arith.constant 32 : i32
      %run_scoped3A_200 = arith.constant 0 : i32
      "tpu.region"() ({
        %run_scoped3A_201 = tpu.sem_alloc : memref<!tpu.dma_semaphore, #tpu.memory_space<semaphore_mem>>
        %dma_start3A_202 = arith.constant 0 : i32
        %dma_start3A_203 = tpu.memref_slice %arg8[%run_scoped3A_200, %dma_start3A_202] : memref<2x64xi32, #tpu.memory_space<vmem>> -> memref<1x64xi32, #tpu.memory_space<vmem>>
        %dma_start3A_204 = tpu.memref_squeeze %dma_start3A_203 : memref<1x64xi32, #tpu.memory_space<vmem>> -> memref<64xi32, #tpu.memory_space<vmem>>
        %dma_start3A_205 = arith.constant 0 : i32
        %dma_start3A_206 = arith.constant 0 : i32
        %dma_start3A_207 = tpu.memref_slice %arg15[%dma_start3A_205, %dma_start3A_206] : memref<10000x128xf32, #tpu.memory_space<vmem_shared>> -> memref<10000x128xf32, #tpu.memory_space<vmem_shared>>
        tpu.enqueue_indirect_dma source(%arg10 : memref<64x128xf32, #tpu.memory_space<vmem>>) target(%dma_start3A_207 : memref<10000x128xf32, #tpu.memory_space<vmem_shared>>) offsets(%dma_start3A_204 : memref<64xi32, #tpu.memory_space<vmem>>) semaphore(%run_scoped3A_201 : memref<!tpu.dma_semaphore, #tpu.memory_space<semaphore_mem>>) {add = true}
        %dma_wait3A_208 = arith.constant 0 : i32
        %dma_wait3A_209 = tpu.memref_slice %arg8[%run_scoped3A_200, %dma_wait3A_208] : memref<2x64xi32, #tpu.memory_space<vmem>> -> memref<1x64xi32, #tpu.memory_space<vmem>>
        %dma_wait3A_210 = tpu.memref_squeeze %dma_wait3A_209 : memref<1x64xi32, #tpu.memory_space<vmem>> -> memref<64xi32, #tpu.memory_space<vmem>>
        %dma_wait3A_211 = arith.constant 0 : i32
        %dma_wait3A_212 = arith.constant 0 : i32
        %dma_wait3A_213 = tpu.memref_slice %arg15[%dma_wait3A_211, %dma_wait3A_212] : memref<10000x128xf32, #tpu.memory_space<vmem_shared>> -> memref<10000x128xf32, #tpu.memory_space<vmem_shared>>
        tpu.wait_indirect_dma semaphore(%run_scoped3A_201 : memref<!tpu.dma_semaphore, #tpu.memory_space<semaphore_mem>>) src(%arg10 : memref<64x128xf32, #tpu.memory_space<vmem>>) dst(%dma_wait3A_213 : memref<10000x128xf32, #tpu.memory_space<vmem_shared>>)
        tpu.yield
      }) : () -> ()
    }
    %scan3A_76 = arith.constant 79 : i32
    %barrier3A_77 = arith.constant 0 : index
    tpu.barrier barrier_id(%barrier3A_77)
    %mul3A_78 = arith.constant 624 : i32
    %mul3A_79 = arith.muli %arg1, %mul3A_78 : i32
    %add3A_80 = arith.constant 0 : i32
    %add3A_81 = arith.addi %mul3A_79, %add3A_80 : i32
    "tpu.region"() ({
      %run_scoped3A = tpu.sem_alloc : memref<!tpu.dma_semaphore, #tpu.memory_space<semaphore_mem>>
      %dma_start3A_123 = arith.constant 0 : i32
      %dma_start3A_124 = arith.constant 0 : i32
      %dma_start3A_125 = tpu.memref_slice %arg12[%dma_start3A_123, %dma_start3A_124] : memref<64x128xf32, #tpu.memory_space<vmem>> -> memref<64x128xf32, #tpu.memory_space<vmem>>
      %dma_start3A_126 = arith.constant 0 : i32
      %dma_start3A_127 = tpu.memref_slice %arg15[%add3A_81, %dma_start3A_126] : memref<10000x128xf32, #tpu.memory_space<vmem_shared>> -> memref<64x128xf32, #tpu.memory_space<vmem_shared>>
      %dma_start3A_128 = arith.constant 0 : i32
      %dma_start3A_129 = arith.constant 0 : i32
      %dma_start3A_130 = tpu.memref_slice %arg12[%dma_start3A_128, %dma_start3A_129] : memref<64x128xf32, #tpu.memory_space<vmem>> -> memref<64x128xf32, #tpu.memory_space<vmem>>
      %dma_start3A_131 = arith.constant 0 : i32
      %dma_start3A_132 = tpu.memref_slice %arg15[%add3A_81, %dma_start3A_131] : memref<10000x128xf32, #tpu.memory_space<vmem_shared>> -> memref<64x128xf32, #tpu.memory_space<vmem_shared>>
      tpu.enqueue_dma source(%dma_start3A_132 : memref<64x128xf32, #tpu.memory_space<vmem_shared>>) target(%dma_start3A_130 : memref<64x128xf32, #tpu.memory_space<vmem>>) target_semaphore(%run_scoped3A : memref<!tpu.dma_semaphore, #tpu.memory_space<semaphore_mem>>)
      %dma_wait3A = arith.constant 0 : i32
      %dma_wait3A_133 = arith.constant 0 : i32
      %dma_wait3A_134 = tpu.memref_slice %arg12[%dma_wait3A, %dma_wait3A_133] : memref<64x128xf32, #tpu.memory_space<vmem>> -> memref<64x128xf32, #tpu.memory_space<vmem>>
      %dma_wait3A_135 = arith.constant 0 : i32
      %dma_wait3A_136 = tpu.memref_slice %arg15[%add3A_81, %dma_wait3A_135] : memref<10000x128xf32, #tpu.memory_space<vmem_shared>> -> memref<64x128xf32, #tpu.memory_space<vmem_shared>>
      %dma_wait3A_137 = arith.constant 0 : i32
      %dma_wait3A_138 = arith.constant 0 : i32
      %dma_wait3A_139 = tpu.memref_slice %arg12[%dma_wait3A_137, %dma_wait3A_138] : memref<64x128xf32, #tpu.memory_space<vmem>> -> memref<64x128xf32, #tpu.memory_space<vmem>>
      %dma_wait3A_140 = arith.constant 0 : i32
      %dma_wait3A_141 = tpu.memref_slice %arg15[%add3A_81, %dma_wait3A_140] : memref<10000x128xf32, #tpu.memory_space<vmem_shared>> -> memref<64x128xf32, #tpu.memory_space<vmem_shared>>
      tpu.wait_dma2 semaphore(%run_scoped3A : memref<!tpu.dma_semaphore, #tpu.memory_space<semaphore_mem>>) src(%dma_wait3A_141 : memref<64x128xf32, #tpu.memory_space<vmem_shared>>) dst(%dma_wait3A_139 : memref<64x128xf32, #tpu.memory_space<vmem>>)
      tpu.yield
    }) : () -> ()
    "tpu.region"() ({
      %run_scoped3A = tpu.sem_alloc : memref<!tpu.dma_semaphore, #tpu.memory_space<semaphore_mem>>
      %dma_start3A_123 = arith.constant 0 : i32
      %dma_start3A_124 = arith.constant 0 : i32
      %dma_start3A_125 = tpu.memref_slice %arg12[%dma_start3A_123, %dma_start3A_124] : memref<64x128xf32, #tpu.memory_space<vmem>> -> memref<64x128xf32, #tpu.memory_space<vmem>>
      %dma_start3A_126 = arith.constant 0 : i32
      %dma_start3A_127 = tpu.memref_slice %arg6[%arg0, %add3A_81, %dma_start3A_126] : memref<2x10000x128xf32, #tpu.memory_space<hbm>> -> memref<1x64x128xf32, #tpu.memory_space<hbm>>
      %dma_start3A_128 = tpu.memref_squeeze %dma_start3A_127 : memref<1x64x128xf32, #tpu.memory_space<hbm>> -> memref<64x128xf32, #tpu.memory_space<hbm>>
      %dma_start3A_129 = arith.constant 0 : i32
      %dma_start3A_130 = tpu.memref_slice %arg6[%arg0, %add3A_81, %dma_start3A_129] : memref<2x10000x128xf32, #tpu.memory_space<hbm>> -> memref<1x64x128xf32, #tpu.memory_space<hbm>>
      %dma_start3A_131 = tpu.memref_squeeze %dma_start3A_130 : memref<1x64x128xf32, #tpu.memory_space<hbm>> -> memref<64x128xf32, #tpu.memory_space<hbm>>
      %dma_start3A_132 = arith.constant 0 : i32
      %dma_start3A_133 = arith.constant 0 : i32
      %dma_start3A_134 = tpu.memref_slice %arg12[%dma_start3A_132, %dma_start3A_133] : memref<64x128xf32, #tpu.memory_space<vmem>> -> memref<64x128xf32, #tpu.memory_space<vmem>>
      tpu.enqueue_dma source(%dma_start3A_134 : memref<64x128xf32, #tpu.memory_space<vmem>>) target(%dma_start3A_131 : memref<64x128xf32, #tpu.memory_space<hbm>>) target_semaphore(%run_scoped3A : memref<!tpu.dma_semaphore, #tpu.memory_space<semaphore_mem>>)
      %dma_wait3A = arith.constant 0 : i32
      %dma_wait3A_135 = arith.constant 0 : i32
      %dma_wait3A_136 = tpu.memref_slice %arg12[%dma_wait3A, %dma_wait3A_135] : memref<64x128xf32, #tpu.memory_space<vmem>> -> memref<64x128xf32, #tpu.memory_space<vmem>>
      %dma_wait3A_137 = arith.constant 0 : i32
      %dma_wait3A_138 = tpu.memref_slice %arg6[%arg0, %add3A_81, %dma_wait3A_137] : memref<2x10000x128xf32, #tpu.memory_space<hbm>> -> memref<1x64x128xf32, #tpu.memory_space<hbm>>
      %dma_wait3A_139 = tpu.memref_squeeze %dma_wait3A_138 : memref<1x64x128xf32, #tpu.memory_space<hbm>> -> memref<64x128xf32, #tpu.memory_space<hbm>>
      %dma_wait3A_140 = arith.constant 0 : i32
      %dma_wait3A_141 = tpu.memref_slice %arg6[%arg0, %add3A_81, %dma_wait3A_140] : memref<2x10000x128xf32, #tpu.memory_space<hbm>> -> memref<1x64x128xf32, #tpu.memory_space<hbm>>
      %dma_wait3A_142 = tpu.memref_squeeze %dma_wait3A_141 : memref<1x64x128xf32, #tpu.memory_space<hbm>> -> memref<64x128xf32, #tpu.memory_space<hbm>>
      %dma_wait3A_143 = arith.constant 0 : i32
      %dma_wait3A_144 = arith.constant 0 : i32
      %dma_wait3A_145 = tpu.memref_slice %arg12[%dma_wait3A_143, %dma_wait3A_144] : memref<64x128xf32, #tpu.memory_space<vmem>> -> memref<64x128xf32, #tpu.memory_space<vmem>>
      tpu.wait_dma2 semaphore(%run_scoped3A : memref<!tpu.dma_semaphore, #tpu.memory_space<semaphore_mem>>) src(%dma_wait3A_145 : memref<64x128xf32, #tpu.memory_space<vmem>>) dst(%dma_wait3A_142 : memref<64x128xf32, #tpu.memory_space<hbm>>)
      tpu.yield
    }) : () -> ()
    %mul3A_82 = arith.constant 624 : i32
    %mul3A_83 = arith.muli %arg1, %mul3A_82 : i32
    %add3A_84 = arith.constant 64 : i32
    %add3A_85 = arith.addi %mul3A_83, %add3A_84 : i32
    "tpu.region"() ({
      %run_scoped3A = tpu.sem_alloc : memref<!tpu.dma_semaphore, #tpu.memory_space<semaphore_mem>>
      %dma_start3A_123 = arith.constant 0 : i32
      %dma_start3A_124 = arith.constant 0 : i32
      %dma_start3A_125 = tpu.memref_slice %arg12[%dma_start3A_123, %dma_start3A_124] : memref<64x128xf32, #tpu.memory_space<vmem>> -> memref<64x128xf32, #tpu.memory_space<vmem>>
      %dma_start3A_126 = arith.constant 0 : i32
      %dma_start3A_127 = tpu.memref_slice %arg15[%add3A_85, %dma_start3A_126] : memref<10000x128xf32, #tpu.memory_space<vmem_shared>> -> memref<64x128xf32, #tpu.memory_space<vmem_shared>>
      %dma_start3A_128 = arith.constant 0 : i32
      %dma_start3A_129 = arith.constant 0 : i32
      %dma_start3A_130 = tpu.memref_slice %arg12[%dma_start3A_128, %dma_start3A_129] : memref<64x128xf32, #tpu.memory_space<vmem>> -> memref<64x128xf32, #tpu.memory_space<vmem>>
      %dma_start3A_131 = arith.constant 0 : i32
      %dma_start3A_132 = tpu.memref_slice %arg15[%add3A_85, %dma_start3A_131] : memref<10000x128xf32, #tpu.memory_space<vmem_shared>> -> memref<64x128xf32, #tpu.memory_space<vmem_shared>>
      tpu.enqueue_dma source(%dma_start3A_132 : memref<64x128xf32, #tpu.memory_space<vmem_shared>>) target(%dma_start3A_130 : memref<64x128xf32, #tpu.memory_space<vmem>>) target_semaphore(%run_scoped3A : memref<!tpu.dma_semaphore, #tpu.memory_space<semaphore_mem>>)
      %dma_wait3A = arith.constant 0 : i32
      %dma_wait3A_133 = arith.constant 0 : i32
      %dma_wait3A_134 = tpu.memref_slice %arg12[%dma_wait3A, %dma_wait3A_133] : memref<64x128xf32, #tpu.memory_space<vmem>> -> memref<64x128xf32, #tpu.memory_space<vmem>>
      %dma_wait3A_135 = arith.constant 0 : i32
      %dma_wait3A_136 = tpu.memref_slice %arg15[%add3A_85, %dma_wait3A_135] : memref<10000x128xf32, #tpu.memory_space<vmem_shared>> -> memref<64x128xf32, #tpu.memory_space<vmem_shared>>
      %dma_wait3A_137 = arith.constant 0 : i32
      %dma_wait3A_138 = arith.constant 0 : i32
      %dma_wait3A_139 = tpu.memref_slice %arg12[%dma_wait3A_137, %dma_wait3A_138] : memref<64x128xf32, #tpu.memory_space<vmem>> -> memref<64x128xf32, #tpu.memory_space<vmem>>
      %dma_wait3A_140 = arith.constant 0 : i32
      %dma_wait3A_141 = tpu.memref_slice %arg15[%add3A_85, %dma_wait3A_140] : memref<10000x128xf32, #tpu.memory_space<vmem_shared>> -> memref<64x128xf32, #tpu.memory_space<vmem_shared>>
      tpu.wait_dma2 semaphore(%run_scoped3A : memref<!tpu.dma_semaphore, #tpu.memory_space<semaphore_mem>>) src(%dma_wait3A_141 : memref<64x128xf32, #tpu.memory_space<vmem_shared>>) dst(%dma_wait3A_139 : memref<64x128xf32, #tpu.memory_space<vmem>>)
      tpu.yield
    }) : () -> ()
    "tpu.region"() ({
      %run_scoped3A = tpu.sem_alloc : memref<!tpu.dma_semaphore, #tpu.memory_space<semaphore_mem>>
      %dma_start3A_123 = arith.constant 0 : i32
      %dma_start3A_124 = arith.constant 0 : i32
      %dma_start3A_125 = tpu.memref_slice %arg12[%dma_start3A_123, %dma_start3A_124] : memref<64x128xf32, #tpu.memory_space<vmem>> -> memref<64x128xf32, #tpu.memory_space<vmem>>
      %dma_start3A_126 = arith.constant 0 : i32
      %dma_start3A_127 = tpu.memref_slice %arg6[%arg0, %add3A_85, %dma_start3A_126] : memref<2x10000x128xf32, #tpu.memory_space<hbm>> -> memref<1x64x128xf32, #tpu.memory_space<hbm>>
      %dma_start3A_128 = tpu.memref_squeeze %dma_start3A_127 : memref<1x64x128xf32, #tpu.memory_space<hbm>> -> memref<64x128xf32, #tpu.memory_space<hbm>>
      %dma_start3A_129 = arith.constant 0 : i32
      %dma_start3A_130 = tpu.memref_slice %arg6[%arg0, %add3A_85, %dma_start3A_129] : memref<2x10000x128xf32, #tpu.memory_space<hbm>> -> memref<1x64x128xf32, #tpu.memory_space<hbm>>
      %dma_start3A_131 = tpu.memref_squeeze %dma_start3A_130 : memref<1x64x128xf32, #tpu.memory_space<hbm>> -> memref<64x128xf32, #tpu.memory_space<hbm>>
      %dma_start3A_132 = arith.constant 0 : i32
      %dma_start3A_133 = arith.constant 0 : i32
      %dma_start3A_134 = tpu.memref_slice %arg12[%dma_start3A_132, %dma_start3A_133] : memref<64x128xf32, #tpu.memory_space<vmem>> -> memref<64x128xf32, #tpu.memory_space<vmem>>
      tpu.enqueue_dma source(%dma_start3A_134 : memref<64x128xf32, #tpu.memory_space<vmem>>) target(%dma_start3A_131 : memref<64x128xf32, #tpu.memory_space<hbm>>) target_semaphore(%run_scoped3A : memref<!tpu.dma_semaphore, #tpu.memory_space<semaphore_mem>>)
      %dma_wait3A = arith.constant 0 : i32
      %dma_wait3A_135 = arith.constant 0 : i32
      %dma_wait3A_136 = tpu.memref_slice %arg12[%dma_wait3A, %dma_wait3A_135] : memref<64x128xf32, #tpu.memory_space<vmem>> -> memref<64x128xf32, #tpu.memory_space<vmem>>
      %dma_wait3A_137 = arith.constant 0 : i32
      %dma_wait3A_138 = tpu.memref_slice %arg6[%arg0, %add3A_85, %dma_wait3A_137] : memref<2x10000x128xf32, #tpu.memory_space<hbm>> -> memref<1x64x128xf32, #tpu.memory_space<hbm>>
      %dma_wait3A_139 = tpu.memref_squeeze %dma_wait3A_138 : memref<1x64x128xf32, #tpu.memory_space<hbm>> -> memref<64x128xf32, #tpu.memory_space<hbm>>
      %dma_wait3A_140 = arith.constant 0 : i32
      %dma_wait3A_141 = tpu.memref_slice %arg6[%arg0, %add3A_85, %dma_wait3A_140] : memref<2x10000x128xf32, #tpu.memory_space<hbm>> -> memref<1x64x128xf32, #tpu.memory_space<hbm>>
      %dma_wait3A_142 = tpu.memref_squeeze %dma_wait3A_141 : memref<1x64x128xf32, #tpu.memory_space<hbm>> -> memref<64x128xf32, #tpu.memory_space<hbm>>
      %dma_wait3A_143 = arith.constant 0 : i32
      %dma_wait3A_144 = arith.constant 0 : i32
      %dma_wait3A_145 = tpu.memref_slice %arg12[%dma_wait3A_143, %dma_wait3A_144] : memref<64x128xf32, #tpu.memory_space<vmem>> -> memref<64x128xf32, #tpu.memory_space<vmem>>
      tpu.wait_dma2 semaphore(%run_scoped3A : memref<!tpu.dma_semaphore, #tpu.memory_space<semaphore_mem>>) src(%dma_wait3A_145 : memref<64x128xf32, #tpu.memory_space<vmem>>) dst(%dma_wait3A_142 : memref<64x128xf32, #tpu.memory_space<hbm>>)
      tpu.yield
    }) : () -> ()
    %mul3A_86 = arith.constant 624 : i32
    %mul3A_87 = arith.muli %arg1, %mul3A_86 : i32
    %add3A_88 = arith.constant 128 : i32
    %add3A_89 = arith.addi %mul3A_87, %add3A_88 : i32
    "tpu.region"() ({
      %run_scoped3A = tpu.sem_alloc : memref<!tpu.dma_semaphore, #tpu.memory_space<semaphore_mem>>
      %dma_start3A_123 = arith.constant 0 : i32
      %dma_start3A_124 = arith.constant 0 : i32
      %dma_start3A_125 = tpu.memref_slice %arg12[%dma_start3A_123, %dma_start3A_124] : memref<64x128xf32, #tpu.memory_space<vmem>> -> memref<64x128xf32, #tpu.memory_space<vmem>>
      %dma_start3A_126 = arith.constant 0 : i32
      %dma_start3A_127 = tpu.memref_slice %arg15[%add3A_89, %dma_start3A_126] : memref<10000x128xf32, #tpu.memory_space<vmem_shared>> -> memref<64x128xf32, #tpu.memory_space<vmem_shared>>
      %dma_start3A_128 = arith.constant 0 : i32
      %dma_start3A_129 = arith.constant 0 : i32
      %dma_start3A_130 = tpu.memref_slice %arg12[%dma_start3A_128, %dma_start3A_129] : memref<64x128xf32, #tpu.memory_space<vmem>> -> memref<64x128xf32, #tpu.memory_space<vmem>>
      %dma_start3A_131 = arith.constant 0 : i32
      %dma_start3A_132 = tpu.memref_slice %arg15[%add3A_89, %dma_start3A_131] : memref<10000x128xf32, #tpu.memory_space<vmem_shared>> -> memref<64x128xf32, #tpu.memory_space<vmem_shared>>
      tpu.enqueue_dma source(%dma_start3A_132 : memref<64x128xf32, #tpu.memory_space<vmem_shared>>) target(%dma_start3A_130 : memref<64x128xf32, #tpu.memory_space<vmem>>) target_semaphore(%run_scoped3A : memref<!tpu.dma_semaphore, #tpu.memory_space<semaphore_mem>>)
      %dma_wait3A = arith.constant 0 : i32
      %dma_wait3A_133 = arith.constant 0 : i32
      %dma_wait3A_134 = tpu.memref_slice %arg12[%dma_wait3A, %dma_wait3A_133] : memref<64x128xf32, #tpu.memory_space<vmem>> -> memref<64x128xf32, #tpu.memory_space<vmem>>
      %dma_wait3A_135 = arith.constant 0 : i32
      %dma_wait3A_136 = tpu.memref_slice %arg15[%add3A_89, %dma_wait3A_135] : memref<10000x128xf32, #tpu.memory_space<vmem_shared>> -> memref<64x128xf32, #tpu.memory_space<vmem_shared>>
      %dma_wait3A_137 = arith.constant 0 : i32
      %dma_wait3A_138 = arith.constant 0 : i32
      %dma_wait3A_139 = tpu.memref_slice %arg12[%dma_wait3A_137, %dma_wait3A_138] : memref<64x128xf32, #tpu.memory_space<vmem>> -> memref<64x128xf32, #tpu.memory_space<vmem>>
      %dma_wait3A_140 = arith.constant 0 : i32
      %dma_wait3A_141 = tpu.memref_slice %arg15[%add3A_89, %dma_wait3A_140] : memref<10000x128xf32, #tpu.memory_space<vmem_shared>> -> memref<64x128xf32, #tpu.memory_space<vmem_shared>>
      tpu.wait_dma2 semaphore(%run_scoped3A : memref<!tpu.dma_semaphore, #tpu.memory_space<semaphore_mem>>) src(%dma_wait3A_141 : memref<64x128xf32, #tpu.memory_space<vmem_shared>>) dst(%dma_wait3A_139 : memref<64x128xf32, #tpu.memory_space<vmem>>)
      tpu.yield
    }) : () -> ()
    "tpu.region"() ({
      %run_scoped3A = tpu.sem_alloc : memref<!tpu.dma_semaphore, #tpu.memory_space<semaphore_mem>>
      %dma_start3A_123 = arith.constant 0 : i32
      %dma_start3A_124 = arith.constant 0 : i32
      %dma_start3A_125 = tpu.memref_slice %arg12[%dma_start3A_123, %dma_start3A_124] : memref<64x128xf32, #tpu.memory_space<vmem>> -> memref<64x128xf32, #tpu.memory_space<vmem>>
      %dma_start3A_126 = arith.constant 0 : i32
      %dma_start3A_127 = tpu.memref_slice %arg6[%arg0, %add3A_89, %dma_start3A_126] : memref<2x10000x128xf32, #tpu.memory_space<hbm>> -> memref<1x64x128xf32, #tpu.memory_space<hbm>>
      %dma_start3A_128 = tpu.memref_squeeze %dma_start3A_127 : memref<1x64x128xf32, #tpu.memory_space<hbm>> -> memref<64x128xf32, #tpu.memory_space<hbm>>
      %dma_start3A_129 = arith.constant 0 : i32
      %dma_start3A_130 = tpu.memref_slice %arg6[%arg0, %add3A_89, %dma_start3A_129] : memref<2x10000x128xf32, #tpu.memory_space<hbm>> -> memref<1x64x128xf32, #tpu.memory_space<hbm>>
      %dma_start3A_131 = tpu.memref_squeeze %dma_start3A_130 : memref<1x64x128xf32, #tpu.memory_space<hbm>> -> memref<64x128xf32, #tpu.memory_space<hbm>>
      %dma_start3A_132 = arith.constant 0 : i32
      %dma_start3A_133 = arith.constant 0 : i32
      %dma_start3A_134 = tpu.memref_slice %arg12[%dma_start3A_132, %dma_start3A_133] : memref<64x128xf32, #tpu.memory_space<vmem>> -> memref<64x128xf32, #tpu.memory_space<vmem>>
      tpu.enqueue_dma source(%dma_start3A_134 : memref<64x128xf32, #tpu.memory_space<vmem>>) target(%dma_start3A_131 : memref<64x128xf32, #tpu.memory_space<hbm>>) target_semaphore(%run_scoped3A : memref<!tpu.dma_semaphore, #tpu.memory_space<semaphore_mem>>)
      %dma_wait3A = arith.constant 0 : i32
      %dma_wait3A_135 = arith.constant 0 : i32
      %dma_wait3A_136 = tpu.memref_slice %arg12[%dma_wait3A, %dma_wait3A_135] : memref<64x128xf32, #tpu.memory_space<vmem>> -> memref<64x128xf32, #tpu.memory_space<vmem>>
      %dma_wait3A_137 = arith.constant 0 : i32
      %dma_wait3A_138 = tpu.memref_slice %arg6[%arg0, %add3A_89, %dma_wait3A_137] : memref<2x10000x128xf32, #tpu.memory_space<hbm>> -> memref<1x64x128xf32, #tpu.memory_space<hbm>>
      %dma_wait3A_139 = tpu.memref_squeeze %dma_wait3A_138 : memref<1x64x128xf32, #tpu.memory_space<hbm>> -> memref<64x128xf32, #tpu.memory_space<hbm>>
      %dma_wait3A_140 = arith.constant 0 : i32
      %dma_wait3A_141 = tpu.memref_slice %arg6[%arg0, %add3A_89, %dma_wait3A_140] : memref<2x10000x128xf32, #tpu.memory_space<hbm>> -> memref<1x64x128xf32, #tpu.memory_space<hbm>>
      %dma_wait3A_142 = tpu.memref_squeeze %dma_wait3A_141 : memref<1x64x128xf32, #tpu.memory_space<hbm>> -> memref<64x128xf32, #tpu.memory_space<hbm>>
      %dma_wait3A_143 = arith.constant 0 : i32
      %dma_wait3A_144 = arith.constant 0 : i32
      %dma_wait3A_145 = tpu.memref_slice %arg12[%dma_wait3A_143, %dma_wait3A_144] : memref<64x128xf32, #tpu.memory_space<vmem>> -> memref<64x128xf32, #tpu.memory_space<vmem>>
      tpu.wait_dma2 semaphore(%run_scoped3A : memref<!tpu.dma_semaphore, #tpu.memory_space<semaphore_mem>>) src(%dma_wait3A_145 : memref<64x128xf32, #tpu.memory_space<vmem>>) dst(%dma_wait3A_142 : memref<64x128xf32, #tpu.memory_space<hbm>>)
      tpu.yield
    }) : () -> ()
    %mul3A_90 = arith.constant 624 : i32
    %mul3A_91 = arith.muli %arg1, %mul3A_90 : i32
    %add3A_92 = arith.constant 192 : i32
    %add3A_93 = arith.addi %mul3A_91, %add3A_92 : i32
    "tpu.region"() ({
      %run_scoped3A = tpu.sem_alloc : memref<!tpu.dma_semaphore, #tpu.memory_space<semaphore_mem>>
      %dma_start3A_123 = arith.constant 0 : i32
      %dma_start3A_124 = arith.constant 0 : i32
      %dma_start3A_125 = tpu.memref_slice %arg12[%dma_start3A_123, %dma_start3A_124] : memref<64x128xf32, #tpu.memory_space<vmem>> -> memref<64x128xf32, #tpu.memory_space<vmem>>
      %dma_start3A_126 = arith.constant 0 : i32
      %dma_start3A_127 = tpu.memref_slice %arg15[%add3A_93, %dma_start3A_126] : memref<10000x128xf32, #tpu.memory_space<vmem_shared>> -> memref<64x128xf32, #tpu.memory_space<vmem_shared>>
      %dma_start3A_128 = arith.constant 0 : i32
      %dma_start3A_129 = arith.constant 0 : i32
      %dma_start3A_130 = tpu.memref_slice %arg12[%dma_start3A_128, %dma_start3A_129] : memref<64x128xf32, #tpu.memory_space<vmem>> -> memref<64x128xf32, #tpu.memory_space<vmem>>
      %dma_start3A_131 = arith.constant 0 : i32
      %dma_start3A_132 = tpu.memref_slice %arg15[%add3A_93, %dma_start3A_131] : memref<10000x128xf32, #tpu.memory_space<vmem_shared>> -> memref<64x128xf32, #tpu.memory_space<vmem_shared>>
      tpu.enqueue_dma source(%dma_start3A_132 : memref<64x128xf32, #tpu.memory_space<vmem_shared>>) target(%dma_start3A_130 : memref<64x128xf32, #tpu.memory_space<vmem>>) target_semaphore(%run_scoped3A : memref<!tpu.dma_semaphore, #tpu.memory_space<semaphore_mem>>)
      %dma_wait3A = arith.constant 0 : i32
      %dma_wait3A_133 = arith.constant 0 : i32
      %dma_wait3A_134 = tpu.memref_slice %arg12[%dma_wait3A, %dma_wait3A_133] : memref<64x128xf32, #tpu.memory_space<vmem>> -> memref<64x128xf32, #tpu.memory_space<vmem>>
      %dma_wait3A_135 = arith.constant 0 : i32
      %dma_wait3A_136 = tpu.memref_slice %arg15[%add3A_93, %dma_wait3A_135] : memref<10000x128xf32, #tpu.memory_space<vmem_shared>> -> memref<64x128xf32, #tpu.memory_space<vmem_shared>>
      %dma_wait3A_137 = arith.constant 0 : i32
      %dma_wait3A_138 = arith.constant 0 : i32
      %dma_wait3A_139 = tpu.memref_slice %arg12[%dma_wait3A_137, %dma_wait3A_138] : memref<64x128xf32, #tpu.memory_space<vmem>> -> memref<64x128xf32, #tpu.memory_space<vmem>>
      %dma_wait3A_140 = arith.constant 0 : i32
      %dma_wait3A_141 = tpu.memref_slice %arg15[%add3A_93, %dma_wait3A_140] : memref<10000x128xf32, #tpu.memory_space<vmem_shared>> -> memref<64x128xf32, #tpu.memory_space<vmem_shared>>
      tpu.wait_dma2 semaphore(%run_scoped3A : memref<!tpu.dma_semaphore, #tpu.memory_space<semaphore_mem>>) src(%dma_wait3A_141 : memref<64x128xf32, #tpu.memory_space<vmem_shared>>) dst(%dma_wait3A_139 : memref<64x128xf32, #tpu.memory_space<vmem>>)
      tpu.yield
    }) : () -> ()
    "tpu.region"() ({
      %run_scoped3A = tpu.sem_alloc : memref<!tpu.dma_semaphore, #tpu.memory_space<semaphore_mem>>
      %dma_start3A_123 = arith.constant 0 : i32
      %dma_start3A_124 = arith.constant 0 : i32
      %dma_start3A_125 = tpu.memref_slice %arg12[%dma_start3A_123, %dma_start3A_124] : memref<64x128xf32, #tpu.memory_space<vmem>> -> memref<64x128xf32, #tpu.memory_space<vmem>>
      %dma_start3A_126 = arith.constant 0 : i32
      %dma_start3A_127 = tpu.memref_slice %arg6[%arg0, %add3A_93, %dma_start3A_126] : memref<2x10000x128xf32, #tpu.memory_space<hbm>> -> memref<1x64x128xf32, #tpu.memory_space<hbm>>
      %dma_start3A_128 = tpu.memref_squeeze %dma_start3A_127 : memref<1x64x128xf32, #tpu.memory_space<hbm>> -> memref<64x128xf32, #tpu.memory_space<hbm>>
      %dma_start3A_129 = arith.constant 0 : i32
      %dma_start3A_130 = tpu.memref_slice %arg6[%arg0, %add3A_93, %dma_start3A_129] : memref<2x10000x128xf32, #tpu.memory_space<hbm>> -> memref<1x64x128xf32, #tpu.memory_space<hbm>>
      %dma_start3A_131 = tpu.memref_squeeze %dma_start3A_130 : memref<1x64x128xf32, #tpu.memory_space<hbm>> -> memref<64x128xf32, #tpu.memory_space<hbm>>
      %dma_start3A_132 = arith.constant 0 : i32
      %dma_start3A_133 = arith.constant 0 : i32
      %dma_start3A_134 = tpu.memref_slice %arg12[%dma_start3A_132, %dma_start3A_133] : memref<64x128xf32, #tpu.memory_space<vmem>> -> memref<64x128xf32, #tpu.memory_space<vmem>>
      tpu.enqueue_dma source(%dma_start3A_134 : memref<64x128xf32, #tpu.memory_space<vmem>>) target(%dma_start3A_131 : memref<64x128xf32, #tpu.memory_space<hbm>>) target_semaphore(%run_scoped3A : memref<!tpu.dma_semaphore, #tpu.memory_space<semaphore_mem>>)
      %dma_wait3A = arith.constant 0 : i32
      %dma_wait3A_135 = arith.constant 0 : i32
      %dma_wait3A_136 = tpu.memref_slice %arg12[%dma_wait3A, %dma_wait3A_135] : memref<64x128xf32, #tpu.memory_space<vmem>> -> memref<64x128xf32, #tpu.memory_space<vmem>>
      %dma_wait3A_137 = arith.constant 0 : i32
      %dma_wait3A_138 = tpu.memref_slice %arg6[%arg0, %add3A_93, %dma_wait3A_137] : memref<2x10000x128xf32, #tpu.memory_space<hbm>> -> memref<1x64x128xf32, #tpu.memory_space<hbm>>
      %dma_wait3A_139 = tpu.memref_squeeze %dma_wait3A_138 : memref<1x64x128xf32, #tpu.memory_space<hbm>> -> memref<64x128xf32, #tpu.memory_space<hbm>>
      %dma_wait3A_140 = arith.constant 0 : i32
      %dma_wait3A_141 = tpu.memref_slice %arg6[%arg0, %add3A_93, %dma_wait3A_140] : memref<2x10000x128xf32, #tpu.memory_space<hbm>> -> memref<1x64x128xf32, #tpu.memory_space<hbm>>
      %dma_wait3A_142 = tpu.memref_squeeze %dma_wait3A_141 : memref<1x64x128xf32, #tpu.memory_space<hbm>> -> memref<64x128xf32, #tpu.memory_space<hbm>>
      %dma_wait3A_143 = arith.constant 0 : i32
      %dma_wait3A_144 = arith.constant 0 : i32
      %dma_wait3A_145 = tpu.memref_slice %arg12[%dma_wait3A_143, %dma_wait3A_144] : memref<64x128xf32, #tpu.memory_space<vmem>> -> memref<64x128xf32, #tpu.memory_space<vmem>>
      tpu.wait_dma2 semaphore(%run_scoped3A : memref<!tpu.dma_semaphore, #tpu.memory_space<semaphore_mem>>) src(%dma_wait3A_145 : memref<64x128xf32, #tpu.memory_space<vmem>>) dst(%dma_wait3A_142 : memref<64x128xf32, #tpu.memory_space<hbm>>)
      tpu.yield
    }) : () -> ()
    %mul3A_94 = arith.constant 624 : i32
    %mul3A_95 = arith.muli %arg1, %mul3A_94 : i32
    %add3A_96 = arith.constant 256 : i32
    %add3A_97 = arith.addi %mul3A_95, %add3A_96 : i32
    "tpu.region"() ({
      %run_scoped3A = tpu.sem_alloc : memref<!tpu.dma_semaphore, #tpu.memory_space<semaphore_mem>>
      %dma_start3A_123 = arith.constant 0 : i32
      %dma_start3A_124 = arith.constant 0 : i32
      %dma_start3A_125 = tpu.memref_slice %arg12[%dma_start3A_123, %dma_start3A_124] : memref<64x128xf32, #tpu.memory_space<vmem>> -> memref<64x128xf32, #tpu.memory_space<vmem>>
      %dma_start3A_126 = arith.constant 0 : i32
      %dma_start3A_127 = tpu.memref_slice %arg15[%add3A_97, %dma_start3A_126] : memref<10000x128xf32, #tpu.memory_space<vmem_shared>> -> memref<64x128xf32, #tpu.memory_space<vmem_shared>>
      %dma_start3A_128 = arith.constant 0 : i32
      %dma_start3A_129 = arith.constant 0 : i32
      %dma_start3A_130 = tpu.memref_slice %arg12[%dma_start3A_128, %dma_start3A_129] : memref<64x128xf32, #tpu.memory_space<vmem>> -> memref<64x128xf32, #tpu.memory_space<vmem>>
      %dma_start3A_131 = arith.constant 0 : i32
      %dma_start3A_132 = tpu.memref_slice %arg15[%add3A_97, %dma_start3A_131] : memref<10000x128xf32, #tpu.memory_space<vmem_shared>> -> memref<64x128xf32, #tpu.memory_space<vmem_shared>>
      tpu.enqueue_dma source(%dma_start3A_132 : memref<64x128xf32, #tpu.memory_space<vmem_shared>>) target(%dma_start3A_130 : memref<64x128xf32, #tpu.memory_space<vmem>>) target_semaphore(%run_scoped3A : memref<!tpu.dma_semaphore, #tpu.memory_space<semaphore_mem>>)
      %dma_wait3A = arith.constant 0 : i32
      %dma_wait3A_133 = arith.constant 0 : i32
      %dma_wait3A_134 = tpu.memref_slice %arg12[%dma_wait3A, %dma_wait3A_133] : memref<64x128xf32, #tpu.memory_space<vmem>> -> memref<64x128xf32, #tpu.memory_space<vmem>>
      %dma_wait3A_135 = arith.constant 0 : i32
      %dma_wait3A_136 = tpu.memref_slice %arg15[%add3A_97, %dma_wait3A_135] : memref<10000x128xf32, #tpu.memory_space<vmem_shared>> -> memref<64x128xf32, #tpu.memory_space<vmem_shared>>
      %dma_wait3A_137 = arith.constant 0 : i32
      %dma_wait3A_138 = arith.constant 0 : i32
      %dma_wait3A_139 = tpu.memref_slice %arg12[%dma_wait3A_137, %dma_wait3A_138] : memref<64x128xf32, #tpu.memory_space<vmem>> -> memref<64x128xf32, #tpu.memory_space<vmem>>
      %dma_wait3A_140 = arith.constant 0 : i32
      %dma_wait3A_141 = tpu.memref_slice %arg15[%add3A_97, %dma_wait3A_140] : memref<10000x128xf32, #tpu.memory_space<vmem_shared>> -> memref<64x128xf32, #tpu.memory_space<vmem_shared>>
      tpu.wait_dma2 semaphore(%run_scoped3A : memref<!tpu.dma_semaphore, #tpu.memory_space<semaphore_mem>>) src(%dma_wait3A_141 : memref<64x128xf32, #tpu.memory_space<vmem_shared>>) dst(%dma_wait3A_139 : memref<64x128xf32, #tpu.memory_space<vmem>>)
      tpu.yield
    }) : () -> ()
    "tpu.region"() ({
      %run_scoped3A = tpu.sem_alloc : memref<!tpu.dma_semaphore, #tpu.memory_space<semaphore_mem>>
      %dma_start3A_123 = arith.constant 0 : i32
      %dma_start3A_124 = arith.constant 0 : i32
      %dma_start3A_125 = tpu.memref_slice %arg12[%dma_start3A_123, %dma_start3A_124] : memref<64x128xf32, #tpu.memory_space<vmem>> -> memref<64x128xf32, #tpu.memory_space<vmem>>
      %dma_start3A_126 = arith.constant 0 : i32
      %dma_start3A_127 = tpu.memref_slice %arg6[%arg0, %add3A_97, %dma_start3A_126] : memref<2x10000x128xf32, #tpu.memory_space<hbm>> -> memref<1x64x128xf32, #tpu.memory_space<hbm>>
      %dma_start3A_128 = tpu.memref_squeeze %dma_start3A_127 : memref<1x64x128xf32, #tpu.memory_space<hbm>> -> memref<64x128xf32, #tpu.memory_space<hbm>>
      %dma_start3A_129 = arith.constant 0 : i32
      %dma_start3A_130 = tpu.memref_slice %arg6[%arg0, %add3A_97, %dma_start3A_129] : memref<2x10000x128xf32, #tpu.memory_space<hbm>> -> memref<1x64x128xf32, #tpu.memory_space<hbm>>
      %dma_start3A_131 = tpu.memref_squeeze %dma_start3A_130 : memref<1x64x128xf32, #tpu.memory_space<hbm>> -> memref<64x128xf32, #tpu.memory_space<hbm>>
      %dma_start3A_132 = arith.constant 0 : i32
      %dma_start3A_133 = arith.constant 0 : i32
      %dma_start3A_134 = tpu.memref_slice %arg12[%dma_start3A_132, %dma_start3A_133] : memref<64x128xf32, #tpu.memory_space<vmem>> -> memref<64x128xf32, #tpu.memory_space<vmem>>
      tpu.enqueue_dma source(%dma_start3A_134 : memref<64x128xf32, #tpu.memory_space<vmem>>) target(%dma_start3A_131 : memref<64x128xf32, #tpu.memory_space<hbm>>) target_semaphore(%run_scoped3A : memref<!tpu.dma_semaphore, #tpu.memory_space<semaphore_mem>>)
      %dma_wait3A = arith.constant 0 : i32
      %dma_wait3A_135 = arith.constant 0 : i32
      %dma_wait3A_136 = tpu.memref_slice %arg12[%dma_wait3A, %dma_wait3A_135] : memref<64x128xf32, #tpu.memory_space<vmem>> -> memref<64x128xf32, #tpu.memory_space<vmem>>
      %dma_wait3A_137 = arith.constant 0 : i32
      %dma_wait3A_138 = tpu.memref_slice %arg6[%arg0, %add3A_97, %dma_wait3A_137] : memref<2x10000x128xf32, #tpu.memory_space<hbm>> -> memref<1x64x128xf32, #tpu.memory_space<hbm>>
      %dma_wait3A_139 = tpu.memref_squeeze %dma_wait3A_138 : memref<1x64x128xf32, #tpu.memory_space<hbm>> -> memref<64x128xf32, #tpu.memory_space<hbm>>
      %dma_wait3A_140 = arith.constant 0 : i32
      %dma_wait3A_141 = tpu.memref_slice %arg6[%arg0, %add3A_97, %dma_wait3A_140] : memref<2x10000x128xf32, #tpu.memory_space<hbm>> -> memref<1x64x128xf32, #tpu.memory_space<hbm>>
      %dma_wait3A_142 = tpu.memref_squeeze %dma_wait3A_141 : memref<1x64x128xf32, #tpu.memory_space<hbm>> -> memref<64x128xf32, #tpu.memory_space<hbm>>
      %dma_wait3A_143 = arith.constant 0 : i32
      %dma_wait3A_144 = arith.constant 0 : i32
      %dma_wait3A_145 = tpu.memref_slice %arg12[%dma_wait3A_143, %dma_wait3A_144] : memref<64x128xf32, #tpu.memory_space<vmem>> -> memref<64x128xf32, #tpu.memory_space<vmem>>
      tpu.wait_dma2 semaphore(%run_scoped3A : memref<!tpu.dma_semaphore, #tpu.memory_space<semaphore_mem>>) src(%dma_wait3A_145 : memref<64x128xf32, #tpu.memory_space<vmem>>) dst(%dma_wait3A_142 : memref<64x128xf32, #tpu.memory_space<hbm>>)
      tpu.yield
    }) : () -> ()
    %mul3A_98 = arith.constant 624 : i32
    %mul3A_99 = arith.muli %arg1, %mul3A_98 : i32
    %add3A_100 = arith.constant 320 : i32
    %add3A_101 = arith.addi %mul3A_99, %add3A_100 : i32
    "tpu.region"() ({
      %run_scoped3A = tpu.sem_alloc : memref<!tpu.dma_semaphore, #tpu.memory_space<semaphore_mem>>
      %dma_start3A_123 = arith.constant 0 : i32
      %dma_start3A_124 = arith.constant 0 : i32
      %dma_start3A_125 = tpu.memref_slice %arg12[%dma_start3A_123, %dma_start3A_124] : memref<64x128xf32, #tpu.memory_space<vmem>> -> memref<64x128xf32, #tpu.memory_space<vmem>>
      %dma_start3A_126 = arith.constant 0 : i32
      %dma_start3A_127 = tpu.memref_slice %arg15[%add3A_101, %dma_start3A_126] : memref<10000x128xf32, #tpu.memory_space<vmem_shared>> -> memref<64x128xf32, #tpu.memory_space<vmem_shared>>
      %dma_start3A_128 = arith.constant 0 : i32
      %dma_start3A_129 = arith.constant 0 : i32
      %dma_start3A_130 = tpu.memref_slice %arg12[%dma_start3A_128, %dma_start3A_129] : memref<64x128xf32, #tpu.memory_space<vmem>> -> memref<64x128xf32, #tpu.memory_space<vmem>>
      %dma_start3A_131 = arith.constant 0 : i32
      %dma_start3A_132 = tpu.memref_slice %arg15[%add3A_101, %dma_start3A_131] : memref<10000x128xf32, #tpu.memory_space<vmem_shared>> -> memref<64x128xf32, #tpu.memory_space<vmem_shared>>
      tpu.enqueue_dma source(%dma_start3A_132 : memref<64x128xf32, #tpu.memory_space<vmem_shared>>) target(%dma_start3A_130 : memref<64x128xf32, #tpu.memory_space<vmem>>) target_semaphore(%run_scoped3A : memref<!tpu.dma_semaphore, #tpu.memory_space<semaphore_mem>>)
      %dma_wait3A = arith.constant 0 : i32
      %dma_wait3A_133 = arith.constant 0 : i32
      %dma_wait3A_134 = tpu.memref_slice %arg12[%dma_wait3A, %dma_wait3A_133] : memref<64x128xf32, #tpu.memory_space<vmem>> -> memref<64x128xf32, #tpu.memory_space<vmem>>
      %dma_wait3A_135 = arith.constant 0 : i32
      %dma_wait3A_136 = tpu.memref_slice %arg15[%add3A_101, %dma_wait3A_135] : memref<10000x128xf32, #tpu.memory_space<vmem_shared>> -> memref<64x128xf32, #tpu.memory_space<vmem_shared>>
      %dma_wait3A_137 = arith.constant 0 : i32
      %dma_wait3A_138 = arith.constant 0 : i32
      %dma_wait3A_139 = tpu.memref_slice %arg12[%dma_wait3A_137, %dma_wait3A_138] : memref<64x128xf32, #tpu.memory_space<vmem>> -> memref<64x128xf32, #tpu.memory_space<vmem>>
      %dma_wait3A_140 = arith.constant 0 : i32
      %dma_wait3A_141 = tpu.memref_slice %arg15[%add3A_101, %dma_wait3A_140] : memref<10000x128xf32, #tpu.memory_space<vmem_shared>> -> memref<64x128xf32, #tpu.memory_space<vmem_shared>>
      tpu.wait_dma2 semaphore(%run_scoped3A : memref<!tpu.dma_semaphore, #tpu.memory_space<semaphore_mem>>) src(%dma_wait3A_141 : memref<64x128xf32, #tpu.memory_space<vmem_shared>>) dst(%dma_wait3A_139 : memref<64x128xf32, #tpu.memory_space<vmem>>)
      tpu.yield
    }) : () -> ()
    "tpu.region"() ({
      %run_scoped3A = tpu.sem_alloc : memref<!tpu.dma_semaphore, #tpu.memory_space<semaphore_mem>>
      %dma_start3A_123 = arith.constant 0 : i32
      %dma_start3A_124 = arith.constant 0 : i32
      %dma_start3A_125 = tpu.memref_slice %arg12[%dma_start3A_123, %dma_start3A_124] : memref<64x128xf32, #tpu.memory_space<vmem>> -> memref<64x128xf32, #tpu.memory_space<vmem>>
      %dma_start3A_126 = arith.constant 0 : i32
      %dma_start3A_127 = tpu.memref_slice %arg6[%arg0, %add3A_101, %dma_start3A_126] : memref<2x10000x128xf32, #tpu.memory_space<hbm>> -> memref<1x64x128xf32, #tpu.memory_space<hbm>>
      %dma_start3A_128 = tpu.memref_squeeze %dma_start3A_127 : memref<1x64x128xf32, #tpu.memory_space<hbm>> -> memref<64x128xf32, #tpu.memory_space<hbm>>
      %dma_start3A_129 = arith.constant 0 : i32
      %dma_start3A_130 = tpu.memref_slice %arg6[%arg0, %add3A_101, %dma_start3A_129] : memref<2x10000x128xf32, #tpu.memory_space<hbm>> -> memref<1x64x128xf32, #tpu.memory_space<hbm>>
      %dma_start3A_131 = tpu.memref_squeeze %dma_start3A_130 : memref<1x64x128xf32, #tpu.memory_space<hbm>> -> memref<64x128xf32, #tpu.memory_space<hbm>>
      %dma_start3A_132 = arith.constant 0 : i32
      %dma_start3A_133 = arith.constant 0 : i32
      %dma_start3A_134 = tpu.memref_slice %arg12[%dma_start3A_132, %dma_start3A_133] : memref<64x128xf32, #tpu.memory_space<vmem>> -> memref<64x128xf32, #tpu.memory_space<vmem>>
      tpu.enqueue_dma source(%dma_start3A_134 : memref<64x128xf32, #tpu.memory_space<vmem>>) target(%dma_start3A_131 : memref<64x128xf32, #tpu.memory_space<hbm>>) target_semaphore(%run_scoped3A : memref<!tpu.dma_semaphore, #tpu.memory_space<semaphore_mem>>)
      %dma_wait3A = arith.constant 0 : i32
      %dma_wait3A_135 = arith.constant 0 : i32
      %dma_wait3A_136 = tpu.memref_slice %arg12[%dma_wait3A, %dma_wait3A_135] : memref<64x128xf32, #tpu.memory_space<vmem>> -> memref<64x128xf32, #tpu.memory_space<vmem>>
      %dma_wait3A_137 = arith.constant 0 : i32
      %dma_wait3A_138 = tpu.memref_slice %arg6[%arg0, %add3A_101, %dma_wait3A_137] : memref<2x10000x128xf32, #tpu.memory_space<hbm>> -> memref<1x64x128xf32, #tpu.memory_space<hbm>>
      %dma_wait3A_139 = tpu.memref_squeeze %dma_wait3A_138 : memref<1x64x128xf32, #tpu.memory_space<hbm>> -> memref<64x128xf32, #tpu.memory_space<hbm>>
      %dma_wait3A_140 = arith.constant 0 : i32
      %dma_wait3A_141 = tpu.memref_slice %arg6[%arg0, %add3A_101, %dma_wait3A_140] : memref<2x10000x128xf32, #tpu.memory_space<hbm>> -> memref<1x64x128xf32, #tpu.memory_space<hbm>>
      %dma_wait3A_142 = tpu.memref_squeeze %dma_wait3A_141 : memref<1x64x128xf32, #tpu.memory_space<hbm>> -> memref<64x128xf32, #tpu.memory_space<hbm>>
      %dma_wait3A_143 = arith.constant 0 : i32
      %dma_wait3A_144 = arith.constant 0 : i32
      %dma_wait3A_145 = tpu.memref_slice %arg12[%dma_wait3A_143, %dma_wait3A_144] : memref<64x128xf32, #tpu.memory_space<vmem>> -> memref<64x128xf32, #tpu.memory_space<vmem>>
      tpu.wait_dma2 semaphore(%run_scoped3A : memref<!tpu.dma_semaphore, #tpu.memory_space<semaphore_mem>>) src(%dma_wait3A_145 : memref<64x128xf32, #tpu.memory_space<vmem>>) dst(%dma_wait3A_142 : memref<64x128xf32, #tpu.memory_space<hbm>>)
      tpu.yield
    }) : () -> ()
    %mul3A_102 = arith.constant 624 : i32
    %mul3A_103 = arith.muli %arg1, %mul3A_102 : i32
    %add3A_104 = arith.constant 384 : i32
    %add3A_105 = arith.addi %mul3A_103, %add3A_104 : i32
    "tpu.region"() ({
      %run_scoped3A = tpu.sem_alloc : memref<!tpu.dma_semaphore, #tpu.memory_space<semaphore_mem>>
      %dma_start3A_123 = arith.constant 0 : i32
      %dma_start3A_124 = arith.constant 0 : i32
      %dma_start3A_125 = tpu.memref_slice %arg12[%dma_start3A_123, %dma_start3A_124] : memref<64x128xf32, #tpu.memory_space<vmem>> -> memref<64x128xf32, #tpu.memory_space<vmem>>
      %dma_start3A_126 = arith.constant 0 : i32
      %dma_start3A_127 = tpu.memref_slice %arg15[%add3A_105, %dma_start3A_126] : memref<10000x128xf32, #tpu.memory_space<vmem_shared>> -> memref<64x128xf32, #tpu.memory_space<vmem_shared>>
      %dma_start3A_128 = arith.constant 0 : i32
      %dma_start3A_129 = arith.constant 0 : i32
      %dma_start3A_130 = tpu.memref_slice %arg12[%dma_start3A_128, %dma_start3A_129] : memref<64x128xf32, #tpu.memory_space<vmem>> -> memref<64x128xf32, #tpu.memory_space<vmem>>
      %dma_start3A_131 = arith.constant 0 : i32
      %dma_start3A_132 = tpu.memref_slice %arg15[%add3A_105, %dma_start3A_131] : memref<10000x128xf32, #tpu.memory_space<vmem_shared>> -> memref<64x128xf32, #tpu.memory_space<vmem_shared>>
      tpu.enqueue_dma source(%dma_start3A_132 : memref<64x128xf32, #tpu.memory_space<vmem_shared>>) target(%dma_start3A_130 : memref<64x128xf32, #tpu.memory_space<vmem>>) target_semaphore(%run_scoped3A : memref<!tpu.dma_semaphore, #tpu.memory_space<semaphore_mem>>)
      %dma_wait3A = arith.constant 0 : i32
      %dma_wait3A_133 = arith.constant 0 : i32
      %dma_wait3A_134 = tpu.memref_slice %arg12[%dma_wait3A, %dma_wait3A_133] : memref<64x128xf32, #tpu.memory_space<vmem>> -> memref<64x128xf32, #tpu.memory_space<vmem>>
      %dma_wait3A_135 = arith.constant 0 : i32
      %dma_wait3A_136 = tpu.memref_slice %arg15[%add3A_105, %dma_wait3A_135] : memref<10000x128xf32, #tpu.memory_space<vmem_shared>> -> memref<64x128xf32, #tpu.memory_space<vmem_shared>>
      %dma_wait3A_137 = arith.constant 0 : i32
      %dma_wait3A_138 = arith.constant 0 : i32
      %dma_wait3A_139 = tpu.memref_slice %arg12[%dma_wait3A_137, %dma_wait3A_138] : memref<64x128xf32, #tpu.memory_space<vmem>> -> memref<64x128xf32, #tpu.memory_space<vmem>>
      %dma_wait3A_140 = arith.constant 0 : i32
      %dma_wait3A_141 = tpu.memref_slice %arg15[%add3A_105, %dma_wait3A_140] : memref<10000x128xf32, #tpu.memory_space<vmem_shared>> -> memref<64x128xf32, #tpu.memory_space<vmem_shared>>
      tpu.wait_dma2 semaphore(%run_scoped3A : memref<!tpu.dma_semaphore, #tpu.memory_space<semaphore_mem>>) src(%dma_wait3A_141 : memref<64x128xf32, #tpu.memory_space<vmem_shared>>) dst(%dma_wait3A_139 : memref<64x128xf32, #tpu.memory_space<vmem>>)
      tpu.yield
    }) : () -> ()
    "tpu.region"() ({
      %run_scoped3A = tpu.sem_alloc : memref<!tpu.dma_semaphore, #tpu.memory_space<semaphore_mem>>
      %dma_start3A_123 = arith.constant 0 : i32
      %dma_start3A_124 = arith.constant 0 : i32
      %dma_start3A_125 = tpu.memref_slice %arg12[%dma_start3A_123, %dma_start3A_124] : memref<64x128xf32, #tpu.memory_space<vmem>> -> memref<64x128xf32, #tpu.memory_space<vmem>>
      %dma_start3A_126 = arith.constant 0 : i32
      %dma_start3A_127 = tpu.memref_slice %arg6[%arg0, %add3A_105, %dma_start3A_126] : memref<2x10000x128xf32, #tpu.memory_space<hbm>> -> memref<1x64x128xf32, #tpu.memory_space<hbm>>
      %dma_start3A_128 = tpu.memref_squeeze %dma_start3A_127 : memref<1x64x128xf32, #tpu.memory_space<hbm>> -> memref<64x128xf32, #tpu.memory_space<hbm>>
      %dma_start3A_129 = arith.constant 0 : i32
      %dma_start3A_130 = tpu.memref_slice %arg6[%arg0, %add3A_105, %dma_start3A_129] : memref<2x10000x128xf32, #tpu.memory_space<hbm>> -> memref<1x64x128xf32, #tpu.memory_space<hbm>>
      %dma_start3A_131 = tpu.memref_squeeze %dma_start3A_130 : memref<1x64x128xf32, #tpu.memory_space<hbm>> -> memref<64x128xf32, #tpu.memory_space<hbm>>
      %dma_start3A_132 = arith.constant 0 : i32
      %dma_start3A_133 = arith.constant 0 : i32
      %dma_start3A_134 = tpu.memref_slice %arg12[%dma_start3A_132, %dma_start3A_133] : memref<64x128xf32, #tpu.memory_space<vmem>> -> memref<64x128xf32, #tpu.memory_space<vmem>>
      tpu.enqueue_dma source(%dma_start3A_134 : memref<64x128xf32, #tpu.memory_space<vmem>>) target(%dma_start3A_131 : memref<64x128xf32, #tpu.memory_space<hbm>>) target_semaphore(%run_scoped3A : memref<!tpu.dma_semaphore, #tpu.memory_space<semaphore_mem>>)
      %dma_wait3A = arith.constant 0 : i32
      %dma_wait3A_135 = arith.constant 0 : i32
      %dma_wait3A_136 = tpu.memref_slice %arg12[%dma_wait3A, %dma_wait3A_135] : memref<64x128xf32, #tpu.memory_space<vmem>> -> memref<64x128xf32, #tpu.memory_space<vmem>>
      %dma_wait3A_137 = arith.constant 0 : i32
      %dma_wait3A_138 = tpu.memref_slice %arg6[%arg0, %add3A_105, %dma_wait3A_137] : memref<2x10000x128xf32, #tpu.memory_space<hbm>> -> memref<1x64x128xf32, #tpu.memory_space<hbm>>
      %dma_wait3A_139 = tpu.memref_squeeze %dma_wait3A_138 : memref<1x64x128xf32, #tpu.memory_space<hbm>> -> memref<64x128xf32, #tpu.memory_space<hbm>>
      %dma_wait3A_140 = arith.constant 0 : i32
      %dma_wait3A_141 = tpu.memref_slice %arg6[%arg0, %add3A_105, %dma_wait3A_140] : memref<2x10000x128xf32, #tpu.memory_space<hbm>> -> memref<1x64x128xf32, #tpu.memory_space<hbm>>
      %dma_wait3A_142 = tpu.memref_squeeze %dma_wait3A_141 : memref<1x64x128xf32, #tpu.memory_space<hbm>> -> memref<64x128xf32, #tpu.memory_space<hbm>>
      %dma_wait3A_143 = arith.constant 0 : i32
      %dma_wait3A_144 = arith.constant 0 : i32
      %dma_wait3A_145 = tpu.memref_slice %arg12[%dma_wait3A_143, %dma_wait3A_144] : memref<64x128xf32, #tpu.memory_space<vmem>> -> memref<64x128xf32, #tpu.memory_space<vmem>>
      tpu.wait_dma2 semaphore(%run_scoped3A : memref<!tpu.dma_semaphore, #tpu.memory_space<semaphore_mem>>) src(%dma_wait3A_145 : memref<64x128xf32, #tpu.memory_space<vmem>>) dst(%dma_wait3A_142 : memref<64x128xf32, #tpu.memory_space<hbm>>)
      tpu.yield
    }) : () -> ()
    %mul3A_106 = arith.constant 624 : i32
    %mul3A_107 = arith.muli %arg1, %mul3A_106 : i32
    %add3A_108 = arith.constant 448 : i32
    %add3A_109 = arith.addi %mul3A_107, %add3A_108 : i32
    "tpu.region"() ({
      %run_scoped3A = tpu.sem_alloc : memref<!tpu.dma_semaphore, #tpu.memory_space<semaphore_mem>>
      %dma_start3A_123 = arith.constant 0 : i32
      %dma_start3A_124 = arith.constant 0 : i32
      %dma_start3A_125 = tpu.memref_slice %arg12[%dma_start3A_123, %dma_start3A_124] : memref<64x128xf32, #tpu.memory_space<vmem>> -> memref<64x128xf32, #tpu.memory_space<vmem>>
      %dma_start3A_126 = arith.constant 0 : i32
      %dma_start3A_127 = tpu.memref_slice %arg15[%add3A_109, %dma_start3A_126] : memref<10000x128xf32, #tpu.memory_space<vmem_shared>> -> memref<64x128xf32, #tpu.memory_space<vmem_shared>>
      %dma_start3A_128 = arith.constant 0 : i32
      %dma_start3A_129 = arith.constant 0 : i32
      %dma_start3A_130 = tpu.memref_slice %arg12[%dma_start3A_128, %dma_start3A_129] : memref<64x128xf32, #tpu.memory_space<vmem>> -> memref<64x128xf32, #tpu.memory_space<vmem>>
      %dma_start3A_131 = arith.constant 0 : i32
      %dma_start3A_132 = tpu.memref_slice %arg15[%add3A_109, %dma_start3A_131] : memref<10000x128xf32, #tpu.memory_space<vmem_shared>> -> memref<64x128xf32, #tpu.memory_space<vmem_shared>>
      tpu.enqueue_dma source(%dma_start3A_132 : memref<64x128xf32, #tpu.memory_space<vmem_shared>>) target(%dma_start3A_130 : memref<64x128xf32, #tpu.memory_space<vmem>>) target_semaphore(%run_scoped3A : memref<!tpu.dma_semaphore, #tpu.memory_space<semaphore_mem>>)
      %dma_wait3A = arith.constant 0 : i32
      %dma_wait3A_133 = arith.constant 0 : i32
      %dma_wait3A_134 = tpu.memref_slice %arg12[%dma_wait3A, %dma_wait3A_133] : memref<64x128xf32, #tpu.memory_space<vmem>> -> memref<64x128xf32, #tpu.memory_space<vmem>>
      %dma_wait3A_135 = arith.constant 0 : i32
      %dma_wait3A_136 = tpu.memref_slice %arg15[%add3A_109, %dma_wait3A_135] : memref<10000x128xf32, #tpu.memory_space<vmem_shared>> -> memref<64x128xf32, #tpu.memory_space<vmem_shared>>
      %dma_wait3A_137 = arith.constant 0 : i32
      %dma_wait3A_138 = arith.constant 0 : i32
      %dma_wait3A_139 = tpu.memref_slice %arg12[%dma_wait3A_137, %dma_wait3A_138] : memref<64x128xf32, #tpu.memory_space<vmem>> -> memref<64x128xf32, #tpu.memory_space<vmem>>
      %dma_wait3A_140 = arith.constant 0 : i32
      %dma_wait3A_141 = tpu.memref_slice %arg15[%add3A_109, %dma_wait3A_140] : memref<10000x128xf32, #tpu.memory_space<vmem_shared>> -> memref<64x128xf32, #tpu.memory_space<vmem_shared>>
      tpu.wait_dma2 semaphore(%run_scoped3A : memref<!tpu.dma_semaphore, #tpu.memory_space<semaphore_mem>>) src(%dma_wait3A_141 : memref<64x128xf32, #tpu.memory_space<vmem_shared>>) dst(%dma_wait3A_139 : memref<64x128xf32, #tpu.memory_space<vmem>>)
      tpu.yield
    }) : () -> ()
    "tpu.region"() ({
      %run_scoped3A = tpu.sem_alloc : memref<!tpu.dma_semaphore, #tpu.memory_space<semaphore_mem>>
      %dma_start3A_123 = arith.constant 0 : i32
      %dma_start3A_124 = arith.constant 0 : i32
      %dma_start3A_125 = tpu.memref_slice %arg12[%dma_start3A_123, %dma_start3A_124] : memref<64x128xf32, #tpu.memory_space<vmem>> -> memref<64x128xf32, #tpu.memory_space<vmem>>
      %dma_start3A_126 = arith.constant 0 : i32
      %dma_start3A_127 = tpu.memref_slice %arg6[%arg0, %add3A_109, %dma_start3A_126] : memref<2x10000x128xf32, #tpu.memory_space<hbm>> -> memref<1x64x128xf32, #tpu.memory_space<hbm>>
      %dma_start3A_128 = tpu.memref_squeeze %dma_start3A_127 : memref<1x64x128xf32, #tpu.memory_space<hbm>> -> memref<64x128xf32, #tpu.memory_space<hbm>>
      %dma_start3A_129 = arith.constant 0 : i32
      %dma_start3A_130 = tpu.memref_slice %arg6[%arg0, %add3A_109, %dma_start3A_129] : memref<2x10000x128xf32, #tpu.memory_space<hbm>> -> memref<1x64x128xf32, #tpu.memory_space<hbm>>
      %dma_start3A_131 = tpu.memref_squeeze %dma_start3A_130 : memref<1x64x128xf32, #tpu.memory_space<hbm>> -> memref<64x128xf32, #tpu.memory_space<hbm>>
      %dma_start3A_132 = arith.constant 0 : i32
      %dma_start3A_133 = arith.constant 0 : i32
      %dma_start3A_134 = tpu.memref_slice %arg12[%dma_start3A_132, %dma_start3A_133] : memref<64x128xf32, #tpu.memory_space<vmem>> -> memref<64x128xf32, #tpu.memory_space<vmem>>
      tpu.enqueue_dma source(%dma_start3A_134 : memref<64x128xf32, #tpu.memory_space<vmem>>) target(%dma_start3A_131 : memref<64x128xf32, #tpu.memory_space<hbm>>) target_semaphore(%run_scoped3A : memref<!tpu.dma_semaphore, #tpu.memory_space<semaphore_mem>>)
      %dma_wait3A = arith.constant 0 : i32
      %dma_wait3A_135 = arith.constant 0 : i32
      %dma_wait3A_136 = tpu.memref_slice %arg12[%dma_wait3A, %dma_wait3A_135] : memref<64x128xf32, #tpu.memory_space<vmem>> -> memref<64x128xf32, #tpu.memory_space<vmem>>
      %dma_wait3A_137 = arith.constant 0 : i32
      %dma_wait3A_138 = tpu.memref_slice %arg6[%arg0, %add3A_109, %dma_wait3A_137] : memref<2x10000x128xf32, #tpu.memory_space<hbm>> -> memref<1x64x128xf32, #tpu.memory_space<hbm>>
      %dma_wait3A_139 = tpu.memref_squeeze %dma_wait3A_138 : memref<1x64x128xf32, #tpu.memory_space<hbm>> -> memref<64x128xf32, #tpu.memory_space<hbm>>
      %dma_wait3A_140 = arith.constant 0 : i32
      %dma_wait3A_141 = tpu.memref_slice %arg6[%arg0, %add3A_109, %dma_wait3A_140] : memref<2x10000x128xf32, #tpu.memory_space<hbm>> -> memref<1x64x128xf32, #tpu.memory_space<hbm>>
      %dma_wait3A_142 = tpu.memref_squeeze %dma_wait3A_141 : memref<1x64x128xf32, #tpu.memory_space<hbm>> -> memref<64x128xf32, #tpu.memory_space<hbm>>
      %dma_wait3A_143 = arith.constant 0 : i32
      %dma_wait3A_144 = arith.constant 0 : i32
      %dma_wait3A_145 = tpu.memref_slice %arg12[%dma_wait3A_143, %dma_wait3A_144] : memref<64x128xf32, #tpu.memory_space<vmem>> -> memref<64x128xf32, #tpu.memory_space<vmem>>
      tpu.wait_dma2 semaphore(%run_scoped3A : memref<!tpu.dma_semaphore, #tpu.memory_space<semaphore_mem>>) src(%dma_wait3A_145 : memref<64x128xf32, #tpu.memory_space<vmem>>) dst(%dma_wait3A_142 : memref<64x128xf32, #tpu.memory_space<hbm>>)
      tpu.yield
    }) : () -> ()
    %mul3A_110 = arith.constant 624 : i32
    %mul3A_111 = arith.muli %arg1, %mul3A_110 : i32
    %add3A_112 = arith.constant 512 : i32
    %add3A_113 = arith.addi %mul3A_111, %add3A_112 : i32
    "tpu.region"() ({
      %run_scoped3A = tpu.sem_alloc : memref<!tpu.dma_semaphore, #tpu.memory_space<semaphore_mem>>
      %dma_start3A_123 = arith.constant 0 : i32
      %dma_start3A_124 = arith.constant 0 : i32
      %dma_start3A_125 = tpu.memref_slice %arg12[%dma_start3A_123, %dma_start3A_124] : memref<64x128xf32, #tpu.memory_space<vmem>> -> memref<64x128xf32, #tpu.memory_space<vmem>>
      %dma_start3A_126 = arith.constant 0 : i32
      %dma_start3A_127 = tpu.memref_slice %arg15[%add3A_113, %dma_start3A_126] : memref<10000x128xf32, #tpu.memory_space<vmem_shared>> -> memref<64x128xf32, #tpu.memory_space<vmem_shared>>
      %dma_start3A_128 = arith.constant 0 : i32
      %dma_start3A_129 = arith.constant 0 : i32
      %dma_start3A_130 = tpu.memref_slice %arg12[%dma_start3A_128, %dma_start3A_129] : memref<64x128xf32, #tpu.memory_space<vmem>> -> memref<64x128xf32, #tpu.memory_space<vmem>>
      %dma_start3A_131 = arith.constant 0 : i32
      %dma_start3A_132 = tpu.memref_slice %arg15[%add3A_113, %dma_start3A_131] : memref<10000x128xf32, #tpu.memory_space<vmem_shared>> -> memref<64x128xf32, #tpu.memory_space<vmem_shared>>
      tpu.enqueue_dma source(%dma_start3A_132 : memref<64x128xf32, #tpu.memory_space<vmem_shared>>) target(%dma_start3A_130 : memref<64x128xf32, #tpu.memory_space<vmem>>) target_semaphore(%run_scoped3A : memref<!tpu.dma_semaphore, #tpu.memory_space<semaphore_mem>>)
      %dma_wait3A = arith.constant 0 : i32
      %dma_wait3A_133 = arith.constant 0 : i32
      %dma_wait3A_134 = tpu.memref_slice %arg12[%dma_wait3A, %dma_wait3A_133] : memref<64x128xf32, #tpu.memory_space<vmem>> -> memref<64x128xf32, #tpu.memory_space<vmem>>
      %dma_wait3A_135 = arith.constant 0 : i32
      %dma_wait3A_136 = tpu.memref_slice %arg15[%add3A_113, %dma_wait3A_135] : memref<10000x128xf32, #tpu.memory_space<vmem_shared>> -> memref<64x128xf32, #tpu.memory_space<vmem_shared>>
      %dma_wait3A_137 = arith.constant 0 : i32
      %dma_wait3A_138 = arith.constant 0 : i32
      %dma_wait3A_139 = tpu.memref_slice %arg12[%dma_wait3A_137, %dma_wait3A_138] : memref<64x128xf32, #tpu.memory_space<vmem>> -> memref<64x128xf32, #tpu.memory_space<vmem>>
      %dma_wait3A_140 = arith.constant 0 : i32
      %dma_wait3A_141 = tpu.memref_slice %arg15[%add3A_113, %dma_wait3A_140] : memref<10000x128xf32, #tpu.memory_space<vmem_shared>> -> memref<64x128xf32, #tpu.memory_space<vmem_shared>>
      tpu.wait_dma2 semaphore(%run_scoped3A : memref<!tpu.dma_semaphore, #tpu.memory_space<semaphore_mem>>) src(%dma_wait3A_141 : memref<64x128xf32, #tpu.memory_space<vmem_shared>>) dst(%dma_wait3A_139 : memref<64x128xf32, #tpu.memory_space<vmem>>)
      tpu.yield
    }) : () -> ()
    "tpu.region"() ({
      %run_scoped3A = tpu.sem_alloc : memref<!tpu.dma_semaphore, #tpu.memory_space<semaphore_mem>>
      %dma_start3A_123 = arith.constant 0 : i32
      %dma_start3A_124 = arith.constant 0 : i32
      %dma_start3A_125 = tpu.memref_slice %arg12[%dma_start3A_123, %dma_start3A_124] : memref<64x128xf32, #tpu.memory_space<vmem>> -> memref<64x128xf32, #tpu.memory_space<vmem>>
      %dma_start3A_126 = arith.constant 0 : i32
      %dma_start3A_127 = tpu.memref_slice %arg6[%arg0, %add3A_113, %dma_start3A_126] : memref<2x10000x128xf32, #tpu.memory_space<hbm>> -> memref<1x64x128xf32, #tpu.memory_space<hbm>>
      %dma_start3A_128 = tpu.memref_squeeze %dma_start3A_127 : memref<1x64x128xf32, #tpu.memory_space<hbm>> -> memref<64x128xf32, #tpu.memory_space<hbm>>
      %dma_start3A_129 = arith.constant 0 : i32
      %dma_start3A_130 = tpu.memref_slice %arg6[%arg0, %add3A_113, %dma_start3A_129] : memref<2x10000x128xf32, #tpu.memory_space<hbm>> -> memref<1x64x128xf32, #tpu.memory_space<hbm>>
      %dma_start3A_131 = tpu.memref_squeeze %dma_start3A_130 : memref<1x64x128xf32, #tpu.memory_space<hbm>> -> memref<64x128xf32, #tpu.memory_space<hbm>>
      %dma_start3A_132 = arith.constant 0 : i32
      %dma_start3A_133 = arith.constant 0 : i32
      %dma_start3A_134 = tpu.memref_slice %arg12[%dma_start3A_132, %dma_start3A_133] : memref<64x128xf32, #tpu.memory_space<vmem>> -> memref<64x128xf32, #tpu.memory_space<vmem>>
      tpu.enqueue_dma source(%dma_start3A_134 : memref<64x128xf32, #tpu.memory_space<vmem>>) target(%dma_start3A_131 : memref<64x128xf32, #tpu.memory_space<hbm>>) target_semaphore(%run_scoped3A : memref<!tpu.dma_semaphore, #tpu.memory_space<semaphore_mem>>)
      %dma_wait3A = arith.constant 0 : i32
      %dma_wait3A_135 = arith.constant 0 : i32
      %dma_wait3A_136 = tpu.memref_slice %arg12[%dma_wait3A, %dma_wait3A_135] : memref<64x128xf32, #tpu.memory_space<vmem>> -> memref<64x128xf32, #tpu.memory_space<vmem>>
      %dma_wait3A_137 = arith.constant 0 : i32
      %dma_wait3A_138 = tpu.memref_slice %arg6[%arg0, %add3A_113, %dma_wait3A_137] : memref<2x10000x128xf32, #tpu.memory_space<hbm>> -> memref<1x64x128xf32, #tpu.memory_space<hbm>>
      %dma_wait3A_139 = tpu.memref_squeeze %dma_wait3A_138 : memref<1x64x128xf32, #tpu.memory_space<hbm>> -> memref<64x128xf32, #tpu.memory_space<hbm>>
      %dma_wait3A_140 = arith.constant 0 : i32
      %dma_wait3A_141 = tpu.memref_slice %arg6[%arg0, %add3A_113, %dma_wait3A_140] : memref<2x10000x128xf32, #tpu.memory_space<hbm>> -> memref<1x64x128xf32, #tpu.memory_space<hbm>>
      %dma_wait3A_142 = tpu.memref_squeeze %dma_wait3A_141 : memref<1x64x128xf32, #tpu.memory_space<hbm>> -> memref<64x128xf32, #tpu.memory_space<hbm>>
      %dma_wait3A_143 = arith.constant 0 : i32
      %dma_wait3A_144 = arith.constant 0 : i32
      %dma_wait3A_145 = tpu.memref_slice %arg12[%dma_wait3A_143, %dma_wait3A_144] : memref<64x128xf32, #tpu.memory_space<vmem>> -> memref<64x128xf32, #tpu.memory_space<vmem>>
      tpu.wait_dma2 semaphore(%run_scoped3A : memref<!tpu.dma_semaphore, #tpu.memory_space<semaphore_mem>>) src(%dma_wait3A_145 : memref<64x128xf32, #tpu.memory_space<vmem>>) dst(%dma_wait3A_142 : memref<64x128xf32, #tpu.memory_space<hbm>>)
      tpu.yield
    }) : () -> ()
    %mul3A_114 = arith.constant 624 : i32
    %mul3A_115 = arith.muli %arg1, %mul3A_114 : i32
    %add3A_116 = arith.constant 576 : i32
    %add3A_117 = arith.addi %mul3A_115, %add3A_116 : i32
    "tpu.region"() ({
      %run_scoped3A = tpu.sem_alloc : memref<!tpu.dma_semaphore, #tpu.memory_space<semaphore_mem>>
      %dma_start3A_123 = arith.constant 0 : i32
      %dma_start3A_124 = arith.constant 0 : i32
      %dma_start3A_125 = tpu.memref_slice %arg12[%dma_start3A_123, %dma_start3A_124] : memref<64x128xf32, #tpu.memory_space<vmem>> -> memref<48x128xf32, #tpu.memory_space<vmem>>
      %dma_start3A_126 = arith.constant 0 : i32
      %dma_start3A_127 = tpu.memref_slice %arg15[%add3A_117, %dma_start3A_126] : memref<10000x128xf32, #tpu.memory_space<vmem_shared>> -> memref<48x128xf32, #tpu.memory_space<vmem_shared>>
      %dma_start3A_128 = arith.constant 0 : i32
      %dma_start3A_129 = arith.constant 0 : i32
      %dma_start3A_130 = tpu.memref_slice %arg12[%dma_start3A_128, %dma_start3A_129] : memref<64x128xf32, #tpu.memory_space<vmem>> -> memref<48x128xf32, #tpu.memory_space<vmem>>
      %dma_start3A_131 = arith.constant 0 : i32
      %dma_start3A_132 = tpu.memref_slice %arg15[%add3A_117, %dma_start3A_131] : memref<10000x128xf32, #tpu.memory_space<vmem_shared>> -> memref<48x128xf32, #tpu.memory_space<vmem_shared>>
      tpu.enqueue_dma source(%dma_start3A_132 : memref<48x128xf32, #tpu.memory_space<vmem_shared>>) target(%dma_start3A_130 : memref<48x128xf32, #tpu.memory_space<vmem>>) target_semaphore(%run_scoped3A : memref<!tpu.dma_semaphore, #tpu.memory_space<semaphore_mem>>)
      %dma_wait3A = arith.constant 0 : i32
      %dma_wait3A_133 = arith.constant 0 : i32
      %dma_wait3A_134 = tpu.memref_slice %arg12[%dma_wait3A, %dma_wait3A_133] : memref<64x128xf32, #tpu.memory_space<vmem>> -> memref<48x128xf32, #tpu.memory_space<vmem>>
      %dma_wait3A_135 = arith.constant 0 : i32
      %dma_wait3A_136 = tpu.memref_slice %arg15[%add3A_117, %dma_wait3A_135] : memref<10000x128xf32, #tpu.memory_space<vmem_shared>> -> memref<48x128xf32, #tpu.memory_space<vmem_shared>>
      %dma_wait3A_137 = arith.constant 0 : i32
      %dma_wait3A_138 = arith.constant 0 : i32
      %dma_wait3A_139 = tpu.memref_slice %arg12[%dma_wait3A_137, %dma_wait3A_138] : memref<64x128xf32, #tpu.memory_space<vmem>> -> memref<48x128xf32, #tpu.memory_space<vmem>>
      %dma_wait3A_140 = arith.constant 0 : i32
      %dma_wait3A_141 = tpu.memref_slice %arg15[%add3A_117, %dma_wait3A_140] : memref<10000x128xf32, #tpu.memory_space<vmem_shared>> -> memref<48x128xf32, #tpu.memory_space<vmem_shared>>
      tpu.wait_dma2 semaphore(%run_scoped3A : memref<!tpu.dma_semaphore, #tpu.memory_space<semaphore_mem>>) src(%dma_wait3A_141 : memref<48x128xf32, #tpu.memory_space<vmem_shared>>) dst(%dma_wait3A_139 : memref<48x128xf32, #tpu.memory_space<vmem>>)
      tpu.yield
    }) : () -> ()
    "tpu.region"() ({
      %run_scoped3A = tpu.sem_alloc : memref<!tpu.dma_semaphore, #tpu.memory_space<semaphore_mem>>
      %dma_start3A_123 = arith.constant 0 : i32
      %dma_start3A_124 = arith.constant 0 : i32
      %dma_start3A_125 = tpu.memref_slice %arg12[%dma_start3A_123, %dma_start3A_124] : memref<64x128xf32, #tpu.memory_space<vmem>> -> memref<48x128xf32, #tpu.memory_space<vmem>>
      %dma_start3A_126 = arith.constant 0 : i32
      %dma_start3A_127 = tpu.memref_slice %arg6[%arg0, %add3A_117, %dma_start3A_126] : memref<2x10000x128xf32, #tpu.memory_space<hbm>> -> memref<1x48x128xf32, #tpu.memory_space<hbm>>
      %dma_start3A_128 = tpu.memref_squeeze %dma_start3A_127 : memref<1x48x128xf32, #tpu.memory_space<hbm>> -> memref<48x128xf32, #tpu.memory_space<hbm>>
      %dma_start3A_129 = arith.constant 0 : i32
      %dma_start3A_130 = tpu.memref_slice %arg6[%arg0, %add3A_117, %dma_start3A_129] : memref<2x10000x128xf32, #tpu.memory_space<hbm>> -> memref<1x48x128xf32, #tpu.memory_space<hbm>>
      %dma_start3A_131 = tpu.memref_squeeze %dma_start3A_130 : memref<1x48x128xf32, #tpu.memory_space<hbm>> -> memref<48x128xf32, #tpu.memory_space<hbm>>
      %dma_start3A_132 = arith.constant 0 : i32
      %dma_start3A_133 = arith.constant 0 : i32
      %dma_start3A_134 = tpu.memref_slice %arg12[%dma_start3A_132, %dma_start3A_133] : memref<64x128xf32, #tpu.memory_space<vmem>> -> memref<48x128xf32, #tpu.memory_space<vmem>>
      tpu.enqueue_dma source(%dma_start3A_134 : memref<48x128xf32, #tpu.memory_space<vmem>>) target(%dma_start3A_131 : memref<48x128xf32, #tpu.memory_space<hbm>>) target_semaphore(%run_scoped3A : memref<!tpu.dma_semaphore, #tpu.memory_space<semaphore_mem>>)
      %dma_wait3A = arith.constant 0 : i32
      %dma_wait3A_135 = arith.constant 0 : i32
      %dma_wait3A_136 = tpu.memref_slice %arg12[%dma_wait3A, %dma_wait3A_135] : memref<64x128xf32, #tpu.memory_space<vmem>> -> memref<48x128xf32, #tpu.memory_space<vmem>>
      %dma_wait3A_137 = arith.constant 0 : i32
      %dma_wait3A_138 = tpu.memref_slice %arg6[%arg0, %add3A_117, %dma_wait3A_137] : memref<2x10000x128xf32, #tpu.memory_space<hbm>> -> memref<1x48x128xf32, #tpu.memory_space<hbm>>
      %dma_wait3A_139 = tpu.memref_squeeze %dma_wait3A_138 : memref<1x48x128xf32, #tpu.memory_space<hbm>> -> memref<48x128xf32, #tpu.memory_space<hbm>>
      %dma_wait3A_140 = arith.constant 0 : i32
      %dma_wait3A_141 = tpu.memref_slice %arg6[%arg0, %add3A_117, %dma_wait3A_140] : memref<2x10000x128xf32, #tpu.memory_space<hbm>> -> memref<1x48x128xf32, #tpu.memory_space<hbm>>
      %dma_wait3A_142 = tpu.memref_squeeze %dma_wait3A_141 : memref<1x48x128xf32, #tpu.memory_space<hbm>> -> memref<48x128xf32, #tpu.memory_space<hbm>>
      %dma_wait3A_143 = arith.constant 0 : i32
      %dma_wait3A_144 = arith.constant 0 : i32
      %dma_wait3A_145 = tpu.memref_slice %arg12[%dma_wait3A_143, %dma_wait3A_144] : memref<64x128xf32, #tpu.memory_space<vmem>> -> memref<48x128xf32, #tpu.memory_space<vmem>>
      tpu.wait_dma2 semaphore(%run_scoped3A : memref<!tpu.dma_semaphore, #tpu.memory_space<semaphore_mem>>) src(%dma_wait3A_145 : memref<48x128xf32, #tpu.memory_space<vmem>>) dst(%dma_wait3A_142 : memref<48x128xf32, #tpu.memory_space<hbm>>)
      tpu.yield
    }) : () -> ()
    %eq3A_118 = arith.constant 0 : i32
    %eq3A_119 = arith.cmpi eq, %arg1, %eq3A_118 : i32
    %convert_element_type3A_120 = arith.extui %eq3A_119 : i1 to i32
    %cond3A_121 = arith.constant 0 : i32
    %cond3A_122 = arith.cmpi ne, %convert_element_type3A_120, %cond3A_121 : i32
    scf.if %cond3A_122 {
      "tpu.region"() ({
        %run_scoped3A = tpu.sem_alloc : memref<!tpu.dma_semaphore, #tpu.memory_space<semaphore_mem>>
        %dma_start3A_123 = arith.constant 0 : i32
        %dma_start3A_124 = arith.constant 0 : i32
        %dma_start3A_125 = tpu.memref_slice %arg12[%dma_start3A_123, %dma_start3A_124] : memref<64x128xf32, #tpu.memory_space<vmem>> -> memref<16x128xf32, #tpu.memory_space<vmem>>
        %dma_start3A_126 = arith.constant 9984 : i32
        %dma_start3A_127 = arith.constant 0 : i32
        %dma_start3A_128 = tpu.memref_slice %arg15[%dma_start3A_126, %dma_start3A_127] : memref<10000x128xf32, #tpu.memory_space<vmem_shared>> -> memref<16x128xf32, #tpu.memory_space<vmem_shared>>
        %dma_start3A_129 = arith.constant 0 : i32
        %dma_start3A_130 = arith.constant 0 : i32
        %dma_start3A_131 = tpu.memref_slice %arg12[%dma_start3A_129, %dma_start3A_130] : memref<64x128xf32, #tpu.memory_space<vmem>> -> memref<16x128xf32, #tpu.memory_space<vmem>>
        %dma_start3A_132 = arith.constant 9984 : i32
        %dma_start3A_133 = arith.constant 0 : i32
        %dma_start3A_134 = tpu.memref_slice %arg15[%dma_start3A_132, %dma_start3A_133] : memref<10000x128xf32, #tpu.memory_space<vmem_shared>> -> memref<16x128xf32, #tpu.memory_space<vmem_shared>>
        tpu.enqueue_dma source(%dma_start3A_134 : memref<16x128xf32, #tpu.memory_space<vmem_shared>>) target(%dma_start3A_131 : memref<16x128xf32, #tpu.memory_space<vmem>>) target_semaphore(%run_scoped3A : memref<!tpu.dma_semaphore, #tpu.memory_space<semaphore_mem>>)
        %dma_wait3A = arith.constant 0 : i32
        %dma_wait3A_135 = arith.constant 0 : i32
        %dma_wait3A_136 = tpu.memref_slice %arg12[%dma_wait3A, %dma_wait3A_135] : memref<64x128xf32, #tpu.memory_space<vmem>> -> memref<16x128xf32, #tpu.memory_space<vmem>>
        %dma_wait3A_137 = arith.constant 9984 : i32
        %dma_wait3A_138 = arith.constant 0 : i32
        %dma_wait3A_139 = tpu.memref_slice %arg15[%dma_wait3A_137, %dma_wait3A_138] : memref<10000x128xf32, #tpu.memory_space<vmem_shared>> -> memref<16x128xf32, #tpu.memory_space<vmem_shared>>
        %dma_wait3A_140 = arith.constant 0 : i32
        %dma_wait3A_141 = arith.constant 0 : i32
        %dma_wait3A_142 = tpu.memref_slice %arg12[%dma_wait3A_140, %dma_wait3A_141] : memref<64x128xf32, #tpu.memory_space<vmem>> -> memref<16x128xf32, #tpu.memory_space<vmem>>
        %dma_wait3A_143 = arith.constant 9984 : i32
        %dma_wait3A_144 = arith.constant 0 : i32
        %dma_wait3A_145 = tpu.memref_slice %arg15[%dma_wait3A_143, %dma_wait3A_144] : memref<10000x128xf32, #tpu.memory_space<vmem_shared>> -> memref<16x128xf32, #tpu.memory_space<vmem_shared>>
        tpu.wait_dma2 semaphore(%run_scoped3A : memref<!tpu.dma_semaphore, #tpu.memory_space<semaphore_mem>>) src(%dma_wait3A_145 : memref<16x128xf32, #tpu.memory_space<vmem_shared>>) dst(%dma_wait3A_142 : memref<16x128xf32, #tpu.memory_space<vmem>>)
        tpu.yield
      }) : () -> ()
      "tpu.region"() ({
        %run_scoped3A = tpu.sem_alloc : memref<!tpu.dma_semaphore, #tpu.memory_space<semaphore_mem>>
        %dma_start3A_123 = arith.constant 0 : i32
        %dma_start3A_124 = arith.constant 0 : i32
        %dma_start3A_125 = tpu.memref_slice %arg12[%dma_start3A_123, %dma_start3A_124] : memref<64x128xf32, #tpu.memory_space<vmem>> -> memref<16x128xf32, #tpu.memory_space<vmem>>
        %dma_start3A_126 = arith.constant 9984 : i32
        %dma_start3A_127 = arith.constant 0 : i32
        %dma_start3A_128 = tpu.memref_slice %arg6[%arg0, %dma_start3A_126, %dma_start3A_127] : memref<2x10000x128xf32, #tpu.memory_space<hbm>> -> memref<1x16x128xf32, #tpu.memory_space<hbm>>
        %dma_start3A_129 = tpu.memref_squeeze %dma_start3A_128 : memref<1x16x128xf32, #tpu.memory_space<hbm>> -> memref<16x128xf32, #tpu.memory_space<hbm>>
        %dma_start3A_130 = arith.constant 9984 : i32
        %dma_start3A_131 = arith.constant 0 : i32
        %dma_start3A_132 = tpu.memref_slice %arg6[%arg0, %dma_start3A_130, %dma_start3A_131] : memref<2x10000x128xf32, #tpu.memory_space<hbm>> -> memref<1x16x128xf32, #tpu.memory_space<hbm>>
        %dma_start3A_133 = tpu.memref_squeeze %dma_start3A_132 : memref<1x16x128xf32, #tpu.memory_space<hbm>> -> memref<16x128xf32, #tpu.memory_space<hbm>>
        %dma_start3A_134 = arith.constant 0 : i32
        %dma_start3A_135 = arith.constant 0 : i32
        %dma_start3A_136 = tpu.memref_slice %arg12[%dma_start3A_134, %dma_start3A_135] : memref<64x128xf32, #tpu.memory_space<vmem>> -> memref<16x128xf32, #tpu.memory_space<vmem>>
        tpu.enqueue_dma source(%dma_start3A_136 : memref<16x128xf32, #tpu.memory_space<vmem>>) target(%dma_start3A_133 : memref<16x128xf32, #tpu.memory_space<hbm>>) target_semaphore(%run_scoped3A : memref<!tpu.dma_semaphore, #tpu.memory_space<semaphore_mem>>)
        %dma_wait3A = arith.constant 0 : i32
        %dma_wait3A_137 = arith.constant 0 : i32
        %dma_wait3A_138 = tpu.memref_slice %arg12[%dma_wait3A, %dma_wait3A_137] : memref<64x128xf32, #tpu.memory_space<vmem>> -> memref<16x128xf32, #tpu.memory_space<vmem>>
        %dma_wait3A_139 = arith.constant 9984 : i32
        %dma_wait3A_140 = arith.constant 0 : i32
        %dma_wait3A_141 = tpu.memref_slice %arg6[%arg0, %dma_wait3A_139, %dma_wait3A_140] : memref<2x10000x128xf32, #tpu.memory_space<hbm>> -> memref<1x16x128xf32, #tpu.memory_space<hbm>>
        %dma_wait3A_142 = tpu.memref_squeeze %dma_wait3A_141 : memref<1x16x128xf32, #tpu.memory_space<hbm>> -> memref<16x128xf32, #tpu.memory_space<hbm>>
        %dma_wait3A_143 = arith.constant 9984 : i32
        %dma_wait3A_144 = arith.constant 0 : i32
        %dma_wait3A_145 = tpu.memref_slice %arg6[%arg0, %dma_wait3A_143, %dma_wait3A_144] : memref<2x10000x128xf32, #tpu.memory_space<hbm>> -> memref<1x16x128xf32, #tpu.memory_space<hbm>>
        %dma_wait3A_146 = tpu.memref_squeeze %dma_wait3A_145 : memref<1x16x128xf32, #tpu.memory_space<hbm>> -> memref<16x128xf32, #tpu.memory_space<hbm>>
        %dma_wait3A_147 = arith.constant 0 : i32
        %dma_wait3A_148 = arith.constant 0 : i32
        %dma_wait3A_149 = tpu.memref_slice %arg12[%dma_wait3A_147, %dma_wait3A_148] : memref<64x128xf32, #tpu.memory_space<vmem>> -> memref<16x128xf32, #tpu.memory_space<vmem>>
        tpu.wait_dma2 semaphore(%run_scoped3A : memref<!tpu.dma_semaphore, #tpu.memory_space<semaphore_mem>>) src(%dma_wait3A_149 : memref<16x128xf32, #tpu.memory_space<vmem>>) dst(%dma_wait3A_146 : memref<16x128xf32, #tpu.memory_space<hbm>>)
        tpu.yield
      }) : () -> ()
    } else {
    }
    return
  }
}

module attributes {stable_mosaic.version = 14 : i64} {
  func.func @_edge_term_body(%arg0: i32, %arg1: memref<4096x16xf32, #tpu.memory_space<vmem>>, %arg2: memref<16x128xf32, #tpu.memory_space<vmem>>, %arg3: memref<4096x128xf32, #tpu.memory_space<vmem>>) attributes {dimension_semantics = [#tpu.dimension_semantics<arbitrary>], iteration_bounds = array<i64: 79>, scalar_prefetch = 0 : i64, scratch_operands = 0 : i64, tpu.core_type = #tpu.core_type<tc>, window_params = [{transform_indices = @transform_0, window_bounds = array<i64: 4096, 16>}, {pipeline_mode = #tpu.pipeline_mode<synchronous>, transform_indices = @transform_1, window_bounds = array<i64: 16, 128>}, {transform_indices = @transform_2, window_bounds = array<i64: 4096, 128>}]} {
    %mul3A = arith.constant 4096 : i32
    %mul3A_0 = arith.muli %arg0, %mul3A : i32
    %iota3A = tpu.iota {dimensions = array<i32: 0>} : vector<4096x1xi32>
    %add3A = vector.broadcast %mul3A_0 : i32 to vector<4096x1xi32>
    %add3A_1 = arith.addi %add3A, %iota3A : vector<4096x1xi32>
    %ge3A = arith.constant 320000 : i32
    %ge3A_2 = vector.broadcast %ge3A : i32 to vector<4096x1xi32>
    %ge3A_3 = arith.cmpi sge, %add3A_1, %ge3A_2 : vector<4096x1xi32>
    %jit3A = arith.constant -1.000000e+30 : f32
    %jit3A_4 = arith.constant 0.000000e+00 : f32
    %broadcast_in_dim3A = vector.broadcast %jit3A : f32 to vector<4096x1xf32>
    %broadcast_in_dim3A_5 = vector.broadcast %jit3A_4 : f32 to vector<4096x1xf32>
    %select_n3A = arith.select %ge3A_3, %broadcast_in_dim3A, %broadcast_in_dim3A_5 : vector<4096x1xi1>, vector<4096x1xf32>
    %get3A = arith.constant 0 : index
    %get3A_6 = arith.constant 0 : index
    %get3A_7 = vector.load %arg1[%get3A, %get3A_6] : memref<4096x16xf32, #tpu.memory_space<vmem>>, vector<4096x16xf32>
    %get3A_8 = arith.constant 0 : index
    %get3A_9 = arith.constant 0 : index
    %get3A_10 = vector.load %arg2[%get3A_8, %get3A_9] : memref<16x128xf32, #tpu.memory_space<vmem>>, vector<16x128xf32>
    %dot_general3A = arith.constant dense<0.000000e+00> : vector<4096x128xf32>
    %dot_general3A_11 = tpu.matmul %get3A_7, %get3A_10, %dot_general3A {dimension_numbers = #tpu.dot_dimension_numbers<[1], [0], [0], [1], [0, 0, 1, 1], [], []>, transpose_lhs_hint = false} : vector<4096x16xf32>, vector<16x128xf32>, vector<4096x128xf32> -> vector<4096x128xf32>
    %add3A_12 = vector.broadcast %select_n3A : vector<4096x1xf32> to vector<4096x128xf32>
    %add3A_13 = arith.addf %dot_general3A_11, %add3A_12 : vector<4096x128xf32>
    %swap3A = arith.constant 0 : index
    %swap3A_14 = arith.constant 0 : index
    %swap3A_15 = vector.load %arg3[%swap3A, %swap3A_14] : memref<4096x128xf32, #tpu.memory_space<vmem>>, vector<4096x128xf32>
    tpu.vector_store %arg3[%swap3A, %swap3A_14], %add3A_13 {strides = array<i32>} : memref<4096x128xf32, #tpu.memory_space<vmem>>, vector<4096x128xf32>,
    return
  }
  func.func @transform_0(%arg0: i32) -> (i32, i32) {
    %c0_i32 = arith.constant 0 : i32
    %c0_i32_0 = arith.constant 0 : i32
    return %arg0, %c0_i32 : i32, i32
  }
  func.func @transform_1(%arg0: i32) -> (i32, i32) {
    %c0_i32 = arith.constant 0 : i32
    %c0_i32_0 = arith.constant 0 : i32
    %c0_i32_1 = arith.constant 0 : i32
    return %c0_i32, %c0_i32_0 : i32, i32
  }
  func.func @transform_2(%arg0: i32) -> (i32, i32) {
    %c0_i32 = arith.constant 0 : i32
    %c0_i32_0 = arith.constant 0 : i32
    return %arg0, %c0_i32 : i32, i32
  }
}

module attributes {stable_mosaic.version = 14 : i64} {
  func.func @_node_tables_body(%arg0: i32, %arg1: memref<1000x128xf32, #tpu.memory_space<vmem>>, %arg2: memref<1000x1xi32, #tpu.memory_space<vmem>>, %arg3: memref<128x128xf32, #tpu.memory_space<vmem>>, %arg4: memref<128x128xf32, #tpu.memory_space<vmem>>, %arg5: memref<16x64xf32, #tpu.memory_space<vmem>>, %arg6: memref<64x128xf32, #tpu.memory_space<vmem>>, %arg7: memref<1x128xf32, #tpu.memory_space<vmem>>, %arg8: memref<1000x128xf32, #tpu.memory_space<vmem>>, %arg9: memref<1000x128xf32, #tpu.memory_space<vmem>>) attributes {dimension_semantics = [#tpu.dimension_semantics<arbitrary>], iteration_bounds = array<i64: 10>, scalar_prefetch = 0 : i64, scratch_operands = 0 : i64, tpu.core_type = #tpu.core_type<tc>, window_params = [{transform_indices = @transform_0, window_bounds = array<i64: 1000, 128>}, {transform_indices = @transform_1, window_bounds = array<i64: 1000, 1>}, {pipeline_mode = #tpu.pipeline_mode<synchronous>, transform_indices = @transform_2, window_bounds = array<i64: 128, 128>}, {pipeline_mode = #tpu.pipeline_mode<synchronous>, transform_indices = @transform_3, window_bounds = array<i64: 128, 128>}, {pipeline_mode = #tpu.pipeline_mode<synchronous>, transform_indices = @transform_4, window_bounds = array<i64: 16, 64>}, {pipeline_mode = #tpu.pipeline_mode<synchronous>, transform_indices = @transform_5, window_bounds = array<i64: 64, 128>}, {pipeline_mode = #tpu.pipeline_mode<synchronous>, transform_indices = @transform_6, window_bounds = array<i64: 1, 128>}, {transform_indices = @transform_7, window_bounds = array<i64: 1000, 128>}, {transform_indices = @transform_8, window_bounds = array<i64: 1000, 128>}]} {
    %get3A = arith.constant 0 : index
    %get3A_0 = arith.constant 0 : index
    %get3A_1 = vector.load %arg5[%get3A, %get3A_0] : memref<16x64xf32, #tpu.memory_space<vmem>>, vector<16x64xf32>
    %get3A_2 = arith.constant 0 : index
    %get3A_3 = arith.constant 0 : index
    %get3A_4 = vector.load %arg6[%get3A_2, %get3A_3] : memref<64x128xf32, #tpu.memory_space<vmem>>, vector<64x128xf32>
    %dot_general3A = arith.constant dense<0.000000e+00> : vector<16x128xf32>
    %dot_general3A_5 = tpu.matmul %get3A_1, %get3A_4, %dot_general3A {dimension_numbers = #tpu.dot_dimension_numbers<[1], [0], [0], [1], [0, 0, 1, 1], [], []>, transpose_lhs_hint = false} : vector<16x64xf32>, vector<64x128xf32>, vector<16x128xf32> -> vector<16x128xf32>
    %get3A_6 = arith.constant 0 : index
    %get3A_7 = arith.constant 0 : index
    %get3A_8 = vector.load %arg7[%get3A_6, %get3A_7] : memref<1x128xf32, #tpu.memory_space<vmem>>, vector<1x128xf32>
    %add3A = vector.broadcast %get3A_8 : vector<1x128xf32> to vector<16x128xf32>
    %add3A_9 = arith.addf %dot_general3A_5, %add3A : vector<16x128xf32>
    %get3A_10 = arith.constant 0 : index
    %get3A_11 = arith.constant 0 : index
    %get3A_12 = vector.load %arg2[%get3A_10, %get3A_11] : memref<1000x1xi32, #tpu.memory_space<vmem>>, vector<1000x1xi32>
    %iota3A = tpu.iota {dimensions = array<i32: 1>} : vector<1x16xi32>
    %eq3A = vector.broadcast %get3A_12 : vector<1000x1xi32> to vector<1000x16xi32>
    %eq3A_13 = vector.broadcast %iota3A : vector<1x16xi32> to vector<1000x16xi32>
    %eq3A_14 = arith.cmpi eq, %eq3A, %eq3A_13 : vector<1000x16xi32>
    %convert_element_type3A = arith.extui %eq3A_14 : vector<1000x16xi1> to vector<1000x16xi32>
    %convert_element_type3A_15 = arith.sitofp %convert_element_type3A : vector<1000x16xi32> to vector<1000x16xf32>
    %get3A_16 = arith.constant 0 : index
    %get3A_17 = arith.constant 0 : index
    %get3A_18 = vector.load %arg1[%get3A_16, %get3A_17] : memref<1000x128xf32, #tpu.memory_space<vmem>>, vector<1000x128xf32>
    %get3A_19 = arith.constant 0 : index
    %get3A_20 = arith.constant 0 : index
    %get3A_21 = vector.load %arg3[%get3A_19, %get3A_20] : memref<128x128xf32, #tpu.memory_space<vmem>>, vector<128x128xf32>
    %dot_general3A_22 = arith.constant dense<0.000000e+00> : vector<1000x128xf32>
    %dot_general3A_23 = tpu.matmul %get3A_18, %get3A_21, %dot_general3A_22 {dimension_numbers = #tpu.dot_dimension_numbers<[1], [0], [0], [1], [0, 0, 1, 1], [], []>, transpose_lhs_hint = false} : vector<1000x128xf32>, vector<128x128xf32>, vector<1000x128xf32> -> vector<1000x128xf32>
    %dot_general3A_24 = arith.constant dense<0.000000e+00> : vector<1000x128xf32>
    %dot_general3A_25 = tpu.matmul %convert_element_type3A_15, %add3A_9, %dot_general3A_24 {dimension_numbers = #tpu.dot_dimension_numbers<[1], [0], [0], [1], [0, 0, 1, 1], [], []>, transpose_lhs_hint = false} : vector<1000x16xf32>, vector<16x128xf32>, vector<1000x128xf32> -> vector<1000x128xf32>
    %add3A_26 = arith.addf %dot_general3A_23, %dot_general3A_25 : vector<1000x128xf32>
    %swap3A = arith.constant 0 : index
    %swap3A_27 = arith.constant 0 : index
    %swap3A_28 = vector.load %arg8[%swap3A, %swap3A_27] : memref<1000x128xf32, #tpu.memory_space<vmem>>, vector<1000x128xf32>
    tpu.vector_store %arg8[%swap3A, %swap3A_27], %add3A_26 {strides = array<i32>} : memref<1000x128xf32, #tpu.memory_space<vmem>>, vector<1000x128xf32>,
    %get3A_29 = arith.constant 0 : index
    %get3A_30 = arith.constant 0 : index
    %get3A_31 = vector.load %arg4[%get3A_29, %get3A_30] : memref<128x128xf32, #tpu.memory_space<vmem>>, vector<128x128xf32>
    %dot_general3A_32 = arith.constant dense<0.000000e+00> : vector<1000x128xf32>
    %dot_general3A_33 = tpu.matmul %get3A_18, %get3A_31, %dot_general3A_32 {dimension_numbers = #tpu.dot_dimension_numbers<[1], [0], [0], [1], [0, 0, 1, 1], [], []>, transpose_lhs_hint = false} : vector<1000x128xf32>, vector<128x128xf32>, vector<1000x128xf32> -> vector<1000x128xf32>
    %swap3A_34 = arith.constant 0 : index
    %swap3A_35 = arith.constant 0 : index
    %swap3A_36 = vector.load %arg9[%swap3A_34, %swap3A_35] : memref<1000x128xf32, #tpu.memory_space<vmem>>, vector<1000x128xf32>
    tpu.vector_store %arg9[%swap3A_34, %swap3A_35], %dot_general3A_33 {strides = array<i32>} : memref<1000x128xf32, #tpu.memory_space<vmem>>, vector<1000x128xf32>,
    return
  }
  func.func @transform_0(%arg0: i32) -> (i32, i32) {
    %c0_i32 = arith.constant 0 : i32
    %c0_i32_0 = arith.constant 0 : i32
    return %arg0, %c0_i32 : i32, i32
  }
  func.func @transform_1(%arg0: i32) -> (i32, i32) {
    %c0_i32 = arith.constant 0 : i32
    %c0_i32_0 = arith.constant 0 : i32
    return %arg0, %c0_i32 : i32, i32
  }
  func.func @transform_2(%arg0: i32) -> (i32, i32) {
    %c0_i32 = arith.constant 0 : i32
    %c0_i32_0 = arith.constant 0 : i32
    %c0_i32_1 = arith.constant 0 : i32
    return %c0_i32, %c0_i32_0 : i32, i32
  }
  func.func @transform_3(%arg0: i32) -> (i32, i32) {
    %c0_i32 = arith.constant 0 : i32
    %c0_i32_0 = arith.constant 0 : i32
    %c0_i32_1 = arith.constant 0 : i32
    return %c0_i32, %c0_i32_0 : i32, i32
  }
  func.func @transform_4(%arg0: i32) -> (i32, i32) {
    %c0_i32 = arith.constant 0 : i32
    %c0_i32_0 = arith.constant 0 : i32
    %c0_i32_1 = arith.constant 0 : i32
    return %c0_i32, %c0_i32_0 : i32, i32
  }
  func.func @transform_5(%arg0: i32) -> (i32, i32) {
    %c0_i32 = arith.constant 0 : i32
    %c0_i32_0 = arith.constant 0 : i32
    %c0_i32_1 = arith.constant 0 : i32
    return %c0_i32, %c0_i32_0 : i32, i32
  }
  func.func @transform_6(%arg0: i32) -> (i32, i32) {
    %c0_i32 = arith.constant 0 : i32
    %c0_i32_0 = arith.constant 0 : i32
    %c0_i32_1 = arith.constant 0 : i32
    return %c0_i32, %c0_i32_0 : i32, i32
  }
  func.func @transform_7(%arg0: i32) -> (i32, i32) {
    %c0_i32 = arith.constant 0 : i32
    %c0_i32_0 = arith.constant 0 : i32
    return %arg0, %c0_i32 : i32, i32
  }
  func.func @transform_8(%arg0: i32) -> (i32, i32) {
    %c0_i32 = arith.constant 0 : i32
    %c0_i32_0 = arith.constant 0 : i32
    return %arg0, %c0_i32 : i32, i32
  }
}

module attributes {stable_mosaic.version = 14 : i64} {
  func.func @_final_body(%arg0: i32, %arg1: memref<1000x128xf32, #tpu.memory_space<vmem>>, %arg2: memref<2x1000x128xf32, #tpu.memory_space<vmem>>, %arg3: memref<1000x1xi32, #tpu.memory_space<vmem>>, %arg4: memref<128x128xf32, #tpu.memory_space<vmem>>, %arg5: memref<128x128xf32, #tpu.memory_space<vmem>>, %arg6: memref<16x64xf32, #tpu.memory_space<vmem>>, %arg7: memref<64x128xf32, #tpu.memory_space<vmem>>, %arg8: memref<1x128xf32, #tpu.memory_space<vmem>>, %arg9: memref<1000x128xf32, #tpu.memory_space<vmem>>) attributes {dimension_semantics = [#tpu.dimension_semantics<arbitrary>], iteration_bounds = array<i64: 10>, scalar_prefetch = 0 : i64, scratch_operands = 0 : i64, tpu.core_type = #tpu.core_type<tc>, window_params = [{transform_indices = @transform_0, window_bounds = array<i64: 1000, 128>}, {transform_indices = @transform_1, window_bounds = array<i64: 2, 1000, 128>}, {transform_indices = @transform_2, window_bounds = array<i64: 1000, 1>}, {pipeline_mode = #tpu.pipeline_mode<synchronous>, transform_indices = @transform_3, window_bounds = array<i64: 128, 128>}, {pipeline_mode = #tpu.pipeline_mode<synchronous>, transform_indices = @transform_4, window_bounds = array<i64: 128, 128>}, {pipeline_mode = #tpu.pipeline_mode<synchronous>, transform_indices = @transform_5, window_bounds = array<i64: 16, 64>}, {pipeline_mode = #tpu.pipeline_mode<synchronous>, transform_indices = @transform_6, window_bounds = array<i64: 64, 128>}, {pipeline_mode = #tpu.pipeline_mode<synchronous>, transform_indices = @transform_7, window_bounds = array<i64: 1, 128>}, {transform_indices = @transform_8, window_bounds = array<i64: 1000, 128>}]} {
    %get3A = arith.constant 0 : index
    %get3A_0 = arith.constant 0 : index
    %get3A_1 = vector.load %arg6[%get3A, %get3A_0] : memref<16x64xf32, #tpu.memory_space<vmem>>, vector<16x64xf32>
    %get3A_2 = arith.constant 0 : index
    %get3A_3 = arith.constant 0 : index
    %get3A_4 = vector.load %arg7[%get3A_2, %get3A_3] : memref<64x128xf32, #tpu.memory_space<vmem>>, vector<64x128xf32>
    %dot_general3A = arith.constant dense<0.000000e+00> : vector<16x128xf32>
    %dot_general3A_5 = tpu.matmul %get3A_1, %get3A_4, %dot_general3A {dimension_numbers = #tpu.dot_dimension_numbers<[1], [0], [0], [1], [0, 0, 1, 1], [], []>, transpose_lhs_hint = false} : vector<16x64xf32>, vector<64x128xf32>, vector<16x128xf32> -> vector<16x128xf32>
    %get3A_6 = arith.constant 0 : index
    %get3A_7 = arith.constant 0 : index
    %get3A_8 = vector.load %arg8[%get3A_6, %get3A_7] : memref<1x128xf32, #tpu.memory_space<vmem>>, vector<1x128xf32>
    %add3A = vector.broadcast %get3A_8 : vector<1x128xf32> to vector<16x128xf32>
    %add3A_9 = arith.addf %dot_general3A_5, %add3A : vector<16x128xf32>
    %get3A_10 = arith.constant 0 : index
    %get3A_11 = arith.constant 0 : index
    %get3A_12 = vector.load %arg3[%get3A_10, %get3A_11] : memref<1000x1xi32, #tpu.memory_space<vmem>>, vector<1000x1xi32>
    %iota3A = tpu.iota {dimensions = array<i32: 1>} : vector<1x16xi32>
    %eq3A = vector.broadcast %get3A_12 : vector<1000x1xi32> to vector<1000x16xi32>
    %eq3A_13 = vector.broadcast %iota3A : vector<1x16xi32> to vector<1000x16xi32>
    %eq3A_14 = arith.cmpi eq, %eq3A, %eq3A_13 : vector<1000x16xi32>
    %convert_element_type3A = arith.extui %eq3A_14 : vector<1000x16xi1> to vector<1000x16xi32>
    %convert_element_type3A_15 = arith.sitofp %convert_element_type3A : vector<1000x16xi32> to vector<1000x16xf32>
    %get3A_16 = arith.constant 0 : index
    %get3A_17 = arith.constant 0 : index
    %get3A_18 = arith.constant 0 : index
    %get3A_19 = vector.load %arg2[%get3A_16, %get3A_17, %get3A_18] : memref<2x1000x128xf32, #tpu.memory_space<vmem>>, vector<1x1000x128xf32>
    %get3A_20 = vector.shape_cast %get3A_19 : vector<1x1000x128xf32> to vector<1000x128xf32>
    %get3A_21 = arith.constant 1 : index
    %get3A_22 = arith.constant 0 : index
    %get3A_23 = arith.constant 0 : index
    %get3A_24 = vector.load %arg2[%get3A_21, %get3A_22, %get3A_23] : memref<2x1000x128xf32, #tpu.memory_space<vmem>>, vector<1x1000x128xf32>
    %get3A_25 = vector.shape_cast %get3A_24 : vector<1x1000x128xf32> to vector<1000x128xf32>
    %add3A_26 = arith.addf %get3A_20, %get3A_25 : vector<1000x128xf32>
    %get3A_27 = arith.constant 0 : index
    %get3A_28 = arith.constant 0 : index
    %get3A_29 = vector.load %arg1[%get3A_27, %get3A_28] : memref<1000x128xf32, #tpu.memory_space<vmem>>, vector<1000x128xf32>
    %get3A_30 = arith.constant 0 : index
    %get3A_31 = arith.constant 0 : index
    %get3A_32 = vector.load %arg4[%get3A_30, %get3A_31] : memref<128x128xf32, #tpu.memory_space<vmem>>, vector<128x128xf32>
    %dot_general3A_33 = arith.constant dense<0.000000e+00> : vector<1000x128xf32>
    %dot_general3A_34 = tpu.matmul %get3A_29, %get3A_32, %dot_general3A_33 {dimension_numbers = #tpu.dot_dimension_numbers<[1], [0], [0], [1], [0, 0, 1, 1], [], []>, transpose_lhs_hint = false} : vector<1000x128xf32>, vector<128x128xf32>, vector<1000x128xf32> -> vector<1000x128xf32>
    %get3A_35 = arith.constant 0 : index
    %get3A_36 = arith.constant 0 : index
    %get3A_37 = vector.load %arg5[%get3A_35, %get3A_36] : memref<128x128xf32, #tpu.memory_space<vmem>>, vector<128x128xf32>
    %dot_general3A_38 = arith.constant dense<0.000000e+00> : vector<1000x128xf32>
    %dot_general3A_39 = tpu.matmul %add3A_26, %get3A_37, %dot_general3A_38 {dimension_numbers = #tpu.dot_dimension_numbers<[1], [0], [0], [1], [0, 0, 1, 1], [], []>, transpose_lhs_hint = false} : vector<1000x128xf32>, vector<128x128xf32>, vector<1000x128xf32> -> vector<1000x128xf32>
    %add3A_40 = arith.addf %dot_general3A_34, %dot_general3A_39 : vector<1000x128xf32>
    %dot_general3A_41 = arith.constant dense<0.000000e+00> : vector<1000x128xf32>
    %dot_general3A_42 = tpu.matmul %convert_element_type3A_15, %add3A_9, %dot_general3A_41 {dimension_numbers = #tpu.dot_dimension_numbers<[1], [0], [0], [1], [0, 0, 1, 1], [], []>, transpose_lhs_hint = false} : vector<1000x16xf32>, vector<16x128xf32>, vector<1000x128xf32> -> vector<1000x128xf32>
    %add3A_43 = arith.addf %add3A_40, %dot_general3A_42 : vector<1000x128xf32>
    %max3A = arith.constant 0.000000e+00 : f32
    %max3A_44 = vector.broadcast %max3A : f32 to vector<1000x128xf32>
    %max3A_45 = arith.maximumf %add3A_43, %max3A_44 : vector<1000x128xf32>
    %swap3A = arith.constant 0 : index
    %swap3A_46 = arith.constant 0 : index
    %swap3A_47 = vector.load %arg9[%swap3A, %swap3A_46] : memref<1000x128xf32, #tpu.memory_space<vmem>>, vector<1000x128xf32>
    tpu.vector_store %arg9[%swap3A, %swap3A_46], %max3A_45 {strides = array<i32>} : memref<1000x128xf32, #tpu.memory_space<vmem>>, vector<1000x128xf32>,
    return
  }
  func.func @transform_0(%arg0: i32) -> (i32, i32) {
    %c0_i32 = arith.constant 0 : i32
    %c0_i32_0 = arith.constant 0 : i32
    return %arg0, %c0_i32 : i32, i32
  }
  func.func @transform_1(%arg0: i32) -> (i32, i32, i32) {
    %c0_i32 = arith.constant 0 : i32
    %c0_i32_0 = arith.constant 0 : i32
    %c0_i32_1 = arith.constant 0 : i32
    return %c0_i32, %arg0, %c0_i32_0 : i32, i32, i32
  }
  func.func @transform_2(%arg0: i32) -> (i32, i32) {
    %c0_i32 = arith.constant 0 : i32
    %c0_i32_0 = arith.constant 0 : i32
    return %arg0, %c0_i32 : i32, i32
  }
  func.func @transform_3(%arg0: i32) -> (i32, i32) {
    %c0_i32 = arith.constant 0 : i32
    %c0_i32_0 = arith.constant 0 : i32
    %c0_i32_1 = arith.constant 0 : i32
    return %c0_i32, %c0_i32_0 : i32, i32
  }
  func.func @transform_4(%arg0: i32) -> (i32, i32) {
    %c0_i32 = arith.constant 0 : i32
    %c0_i32_0 = arith.constant 0 : i32
    %c0_i32_1 = arith.constant 0 : i32
    return %c0_i32, %c0_i32_0 : i32, i32
  }
  func.func @transform_5(%arg0: i32) -> (i32, i32) {
    %c0_i32 = arith.constant 0 : i32
    %c0_i32_0 = arith.constant 0 : i32
    %c0_i32_1 = arith.constant 0 : i32
    return %c0_i32, %c0_i32_0 : i32, i32
  }
  func.func @transform_6(%arg0: i32) -> (i32, i32) {
    %c0_i32 = arith.constant 0 : i32
    %c0_i32_0 = arith.constant 0 : i32
    %c0_i32_1 = arith.constant 0 : i32
    return %c0_i32, %c0_i32_0 : i32, i32
  }
  func.func @transform_7(%arg0: i32) -> (i32, i32) {
    %c0_i32 = arith.constant 0 : i32
    %c0_i32_0 = arith.constant 0 : i32
    %c0_i32_1 = arith.constant 0 : i32
    return %c0_i32, %c0_i32_0 : i32, i32
  }
  func.func @transform_8(%arg0: i32) -> (i32, i32) {
    %c0_i32 = arith.constant 0 : i32
    %c0_i32_0 = arith.constant 0 : i32
    return %arg0, %c0_i32 : i32, i32
  }
}

</mosaic_0001>

<sc_bundles>
// kernel: kernel.6.cloned.1.call-start
scs
__scs_entry_jumppad:
0x0: {  	(pc) =	sbr.rel $0x88, $3  }
0x1: {  	(tag) =	ssettag $0x0;
	lr =	simm.s32 $0x1  }
0x2: {  	[smem:$0x3F98] =	sst lr;
	_ =	strace $0xD0000000  }
0x3: {  	_ = 	snop  }
0x4: {  	_ = 	snop  }
0x5: {  	_ = 	snop  }
0x6: {  	_ = 	snop  }
0x7: {  	_ = 	snop  }
__scs_overlays_trampoline_lowered:
0x8: {  	[smem:$0x3FA7] =	sst s0  }
0x9: {  	[smem:$0x3FA8] =	sst s1  }
0xa: {  	[smem:$0x3FA9] =	sst s2  }
0xb: {  	[smem:$0x3FAA] =	sst s3  }
0xc: {  	[smem:$0x3FAB] =	sst s4  }
0xd: {  	[smem:$0x3FAC] =	sst s5  }
0xe: {  	[smem:$0x3FAD] =	sst s6  }
0xf: {  	[smem:$0x3FAE] =	sst s7  }
0x10: {  	[smem:$0x3FAF] =	sst s8  }
0x11: {  	[smem:$0x3FB0] =	sst s9;
	s0 =	simm.s32 @!p0 $0x0  }
0x12: {  	s1 =	sld [smem:$0x3F96];
	s0 =	simm.s32 @p0 $0x1  }
0x13: {  	[smem:$0x3FB1] =	sst s0;
	s0 =	simm.s32 @!p1 $0x0  }
0x14: {  	s2 =	sld [smem:$0x3F95];
	s0 =	simm.s32 @p1 $0x1  }
0x15: {  	[smem:$0x3FB2] =	sst s0;
	s0 =	simm.s32 @!p2 $0x0  }
0x16: {  	s3 =	sld [smem:$0x3FDB];
	s0 =	simm.s32 @p2 $0x1  }
0x17: {  	s4 =	simm.s32 $0x1BF5;
	[smem:$0x3FB4] =	sst s0  }
0x18: {  	s0 =	sld [smem:$0x3F97];
	_ =	swait.ge [sflag:s4], $0x0  }
0x19: {  	s7 =	sld [smem:$0x3F98]  }
0x1a: {  	s8 =	sadd.s32 $0xFFFFE003, lr  }
0x1b: {  	s9 =	sadd.s32 $0xFFFFFEF7, lr;
	s5 =	simm.s32 $0xFFFFFFFF;
	p2 =	slt.u32 s8, $0xFFFFF086  }
0x1c: {  	p1 =	slt.u32 s9, $0xF7A;
	s5 =	simm.s32 @!p2 $0x0  }
0x1d: {  	s5 =	simm.s32 @p1 $0x1;
	p0 =	seq.s32 s7, s2  }
0x1e: {  	s7 =	smul.u32 @!p0 $0xF7A, s2;
	p2 =	seq.s32 @!p0 s5, $0x0  }
0x1f: {  	s9 =	smul.u32 $0xF7A, s1;
	s8 =	simm.s32 @!p0 $0x1BF5;
	p2 =	por !p2, p0  }
0x20: {  	[sflag:s8] =	ssyncset.s32 @!p0 $0xFFFFF086;
	s6 =	sadd.s32 @!p0 s3, s7;
	s7 =	simm.s32 @!p0 $0x108  }
0x21: {  	s3 =	sadd.s32 s3, s9;
	s6 =	sadd.s32 @!p0 $0x88, s6;
	s7 =	simm.s32 @p2 $0x1082  }
0x22: {  	[simem:s7], [sflag:s8] =	dma.local @!p0 [hbm:s6], $0xF7A  }
0x23: {  	s9 =	sor.u32 $0xD0000000, s2;
	s6 =	simm.s32 $0x108;
	_ =	swait.ge @!p0 [sflag:s8], $0x0  }
0x24: {  	s3 =	sadd.s32 $0x88, s3;
	s6 =	simm.s32 @!p1 $0x1082;
	[sflag:s4] =	ssyncset.s32 $0xFFFFF086  }
0x25: {  	[simem:s6], [sflag:s4] =	dma.local [hbm:s3], $0xF7A  }
0x26: {  	[smem:$0x3F98] =	sst s1;
	(tag) =	ssettag s2;
	_ =	strace s9  }
0x27: {  	s1 =	sld [smem:$0x3FA8]  }
0x28: {  	s2 =	sld [smem:$0x3FA9]  }
0x29: {  	s4 =	sld [smem:$0x3FAB]  }
0x2a: {  	p0 =	seq.s32 s5, $0x0;
	s5 =	sld [smem:$0x3FAC]  }
0x2b: {  	s6 =	sld [smem:$0x3FAD]  }
0x2c: {  	s7 =	sld [smem:$0x3FAE]  }
0x2d: {  	s3 =	simm.s32 $0x108;
	s8 =	sld [smem:$0x3FAF]  }
0x2e: {  	s3 =	simm.s32 @!p0 $0x1082;
	s9 =	sld [smem:$0x3FB0]  }
0x2f: {  	lr =	sadd.s32 s0, s3;
	s0 =	sld [smem:$0x3FA7]  }
0x30: {  	s3 =	sld [smem:$0x3FAA]  }
0x31: {  	[smem:$0x3FB3] =	sst s10  }
0x32: {  	s10 =	sld [smem:$0x3FB1];
	_ =	sdelay $0x3  }
0x33: {  	p0 =	seq.s32 s10, $0x1;
	s10 =	sld [smem:$0x3FB3];
	_ =	sdelay $0x3  }
0x34: {  	[smem:$0x3FB3] =	sst s10  }
0x35: {  	s10 =	sld [smem:$0x3FB2];
	_ =	sdelay $0x3  }
0x36: {  	p1 =	seq.s32 s10, $0x1;
	s10 =	sld [smem:$0x3FB3];
	_ =	sdelay $0x3  }
0x37: {  	[smem:$0x3FB3] =	sst s10  }
0x38: {  	s10 =	sld [smem:$0x3FB4]  }
0x39: {  	_ = 	snop;
	(pc) =	sbr.ind lr, $3  }
0x3a: {  	_ = 	snop  }
0x3b: {  	_ = 	snop  }
0x3c: {  	p2 =	seq.s32 s10, $0x1;
	s10 =	sld [smem:$0x3FB3]  }
0x3d: {  	_ =	shalt  }
0x3e: {  	_ =	shalt  }
0x3f: {  	_ =	shalt  }
0x40: {  	_ =	shalt  }
0x41: {  	_ =	shalt  }
0x42: {  	_ =	shalt  }
0x43: {  	_ =	shalt  }
0x44: {  	_ =	shalt  }
0x45: {  	_ =	shalt  }
0x46: {  	_ =	shalt  }
0x47: {  	_ =	shalt  }
0x48: {  	_ =	shalt  }
0x49: {  	_ =	shalt  }
0x4a: {  	_ =	shalt  }
0x4b: {  	_ =	shalt  }
0x4c: {  	_ =	shalt  }
0x4d: {  	_ =	shalt  }
0x4e: {  	_ =	shalt  }
0x4f: {  	_ =	shalt  }
0x50: {  	_ =	shalt  }
0x51: {  	_ =	shalt  }
0x52: {  	_ =	shalt  }
0x53: {  	_ =	shalt  }
0x54: {  	_ =	shalt  }
0x55: {  	_ =	shalt  }
0x56: {  	_ =	shalt  }
0x57: {  	_ =	shalt  }
0x58: {  	_ =	shalt  }
0x59: {  	_ =	shalt  }
0x5a: {  	_ =	shalt  }
0x5b: {  	_ =	shalt  }
0x5c: {  	_ =	shalt  }
0x5d: {  	_ =	shalt  }
0x5e: {  	_ =	shalt  }
0x5f: {  	_ =	shalt  }
0x60: {  	_ =	shalt  }
0x61: {  	_ =	shalt  }
0x62: {  	_ =	shalt  }
0x63: {  	_ =	shalt  }
0x64: {  	_ =	shalt  }
0x65: {  	_ =	shalt  }
0x66: {  	_ =	shalt  }
0x67: {  	_ =	shalt  }
0x68: {  	_ =	shalt  }
0x69: {  	_ =	shalt  }
0x6a: {  	_ =	shalt  }
0x6b: {  	_ =	shalt  }
0x6c: {  	_ =	shalt  }
0x6d: {  	_ =	shalt  }
0x6e: {  	_ =	shalt  }
0x6f: {  	_ =	shalt  }
0x70: {  	_ =	shalt  }
0x71: {  	_ =	shalt  }
0x72: {  	_ =	shalt  }
0x73: {  	_ =	shalt  }
0x74: {  	_ =	shalt  }
0x75: {  	_ =	shalt  }
0x76: {  	_ =	shalt  }
0x77: {  	_ =	shalt  }
0x78: {  	_ =	shalt  }
0x79: {  	_ =	shalt  }
0x7a: {  	_ =	shalt  }
0x7b: {  	_ =	shalt  }
0x7c: {  	_ =	shalt  }
0x7d: {  	_ =	shalt  }
0x7e: {  	_ =	shalt  }
0x7f: {  	_ =	shalt  }
0x80: {  	_ =	shalt  }
0x81: {  	_ =	shalt  }
0x82: {  	_ =	shalt  }
0x83: {  	_ =	shalt  }
0x84: {  	_ =	shalt  }
0x85: {  	_ =	shalt  }
0x86: {  	_ =	shalt  }
0x87: {  	_ =	shalt  }
.Lfunc_end0:
.L_simem_size_0:
called_computation_lowered:
.L_overlay_start_0:
0x88: {  	s2 =	sld [smem:$0x3FD9]  }
0x89: {  	s3 =	sld [smem:$0x3FFE];
	_ =	sdelay $0x1  }
0x8a: {  	s1 =	srdreg.scid  }
0x8b: {  	s0 =	sand.u32 $0x1, s1  }
0x8c: {  	s16 =	sshll.u32 s0, $0xA;
	s2 =	sadd.s32 s3, s2  }
0x8d: {  	s2 =	sadd.s32 s2, s16  }
0x8e: {  	[smem:$0x3FBF] =	sst s2  }
0x8f: {  	_ = 	snop  }
0x90: {  	(tm) =	ssettm $0x1  }
0x91: {  	s17 =	sld [smem:$0x3FFB];
	_ =	sdelay $0x3  }
0x92: {  	_ =	strace s17  }
0x93: {  	s2 =	sld [smem:$0x3FFC];
	_ =	sdelay $0x3  }
0x94: {  	_ =	strace s2  }
0x95: {  	s2 =	sld [smem:$0x3FFD];
	_ =	sdelay $0x3  }
0x96: {  	_ =	strace s2  }
0x97: {  	_ =	strace $0x8FFFFFFF  }
0x98: {  	s18 =	sld [smem:$0x3FDB];
	_ =	sdelay $0x1  }
0x99: {  	s19 =	simm.s32 $_scs_section_size  }
0x9a: {  	s4 =	simm.s32 $_size__tile_overlayer_lowered;
	s5 =	simm.s32 $_tile_overlayer_lowered  }
0x9b: {  	s22 =	simm.s32 $0x1BFF;
	s21 =	sshll.u32 s5, $0x1;
	s2 =	sadd.s32 s19, s18  }
0x9c: {  	s6 =	simm.s32 $0x0;
	s20 =	sshll.u32 s4, $0x1;
	s4 =	sadd.s32 s21, s2  }
0x9d: {  	[timem:s6], [sflag:s22] =	dma.local [hbm:s4], s20  }
0x9e: {  	_ =	swait.ge [sflag:s22], s20  }
0x9f: {  	s3 =	ssub.s32 $0x0, s20;
	[sflag:s22] =	ssyncset.done $0x0  }
0xa0: {  	[sflag:s22] =	ssyncadd.s32 s3;
	_ =	sdelay $0x1  }
0xa1: {  	s23 =	simm.s32 $0x1B8B  }
0xa2: {  	_ =	swait.ge [sflag:s23], $0x1  }
0xa3: {  	[sflag:s23] =	ssyncset.done $0x0  }
0xa4: {  	s25 =	simm.s32 $0x1B8E;
	s24 =	sld [smem:$0x3FFE];
	[sflag:s23] =	ssyncadd.s32 $0xFFFFFFFF  }
0xa5: {  	s26 =	simm.s32 $execute0_lowered;
	[smem:$0x3FD2] =	sst s25  }
0xa6: {  	s4 =	sshll.u32 s26, $0x1;
	_ =	strace $0x80000046;
	[dreg:$0x1] =	wrdreg $0xFFFFFFFF  }
0xa7: {  	s28 =	simm.s32 $_size_execute0_lowered;
	s2 =	sadd.s32 s2, s4;
	[dreg:$0x0] =	wrdreg $0x0  }
0xa8: {  	s4 =	sshll.u32 s28, $0x1;
	[dreg:$0x2] =	wrdreg s2  }
0xa9: {  	[dreg:$0x3] =	wrdreg s4  }
0xaa: {  	[dreg:$0x4] =	wrdreg $0xC0  }
0xab: {  	_ =	task [dreg:s6], $0x5FFFF  }
0xac: {  	[dreg:$0x1] =	wrdreg $0xFFFFFFFF  }
0xad: {  	[dreg:$0x0] =	wrdreg $0x60  }
0xae: {  	[dreg:$0x2] =	wrdreg s24  }
0xaf: {  	[dreg:$0x3] =	wrdreg $0xC2000  }
0xb0: {  	[dreg:$0x4] =	wrdreg $0x9  }
0xb1: {  	_ =	task.clear_ibuf [dreg:s6], $0x5FFFF;
	_ =	strace $0x90000046  }
0xb2: {  	s29 =	simm.s32 $0x9;
	_ =	strace $0x80000048  }
0xb3: {  	_ =	swait.ge [sflag:s29], $0x1  }
0xb4: {  	[sflag:s29] =	ssyncadd.s32 $0xFFFFFFFF  }
0xb5: {  	_ =	strace $0x90000048  }
0xb6: {  	_ =	sfence  }
0xb7: {  	s30 =	sld [smem:$0x0];
	_ =	sdelay $0x2  }
0xb8: {  	s31 =	sshll.u32 s1, $0xD;
	s1 =	sshrl.u32 s1, $0x2  }
0xb9: {  	s3 =	sand.u32 $0x4000, s31;
	s1 =	sadd.s32 s1, s30  }
0xba: {  	s0 =	sor.u32 s3, s0;
	s1 =	sshll.u32 s1, $0x11  }
0xbb: {  	s0 =	sor.u32 s1, s0  }
0xbc: {  	s0 =	sadd.s32 $0x8F2B, s0  }
0xbd: {  	[sflag:s0] =	ssyncadd.remote.s32 $0x1  }
0xbe: {  	_ =	sfence.sel $0xFFFF  }
0xbf: {  	[dreg:$0x0] =	wrdreg $0xFFFFFFFF;
	(pc) =	sbr.abs _section_cstart, $3  }
0xc0: {  	[dreg:$0x1] =	wrdreg $0xFFFFFFFF  }
0xc1: {  	_ =	task.clear_ibuf [dreg:s6], $0x2FFFF;
	_ =	strace $0x9FFFFFFF  }
0xc2: {  	(tm) =	ssettm $0x7FFFFFFF  }
0xc3: {  	_ =	shalt  }
tec
execute0_lowered:
.L_overlay_start_1:
0x0: {  	(tag) =	ssettag $0x1  }
0x1: {  	s0 =	srdreg.scid  }
0x2: {  	s3 =	rddreg [dreg:$0x0];
	s5 =	stileid.u32;
	s30 =	simm.s32 $0x1  }
0x3: {  	s31 =	simm.s32 $0x6;
	s4 =	sand.u32 $0x1, s0;
	s0 =	simm.s32 $0x0  }
0x4: {  	s6 =	smul.u32 $0x13800, s5;
	s7 =	sadd.s32 $0x79800, s3;
	s14 =	sshll.u32 s5, $0x1  }
0x5: {  	p0 =	sne.s32 s5, $0x0;
	s5 =	smul.u32 $0x4E000, s5;
	s1 =	ssub.s32 $0x2, s4  }
0x6: {  	[smem:$0x7FF] =	sst s0;
	s2 =	sshrl.u32 s1, $0x1;
	s8 =	sadd.s32 $0x2000, s6  }
0x7: {  	s9 =	sadd.s32 $0x4000, s6;
	s10 =	sadd.s32 $0x6000, s6;
	s12 =	sadd.s32 $0x8000, s6  }
0x8: {  	s17 =	sadd.s32 $0xA000, s6;
	s18 =	sadd.s32 $0xC000, s6;
	s19 =	sadd.s32 $0xE000, s6  }
0x9: {  	s1 =	ssub.s32 s1, s2;
	s2 =	sor.u32 s4, s14;
	s4 =	smul.u32 $0x138800, s4  }
0xa: {  	s20 =	sadd.s32 $0x10000, s6;
	s21 =	sadd.s32 $0x12000, s6;
	s1 =	smax.u32 s1, $0x1  }
0xb: {  	s6 =	sadd.s32 s6, s4;
	s11 =	sadd.s32 s4, s8;
	s13 =	sadd.s32 s4, s9  }
0xc: {  	s23 =	sadd.s32 s4, s10;
	s24 =	sadd.s32 s4, s12;
	s25 =	sadd.s32 s4, s17  }
0xd: {  	s14 =	sadd.s32 s4, s18;
	s6 =	sshrl.u32 s6, $0x3;
	s15 =	sshrl.u32 s11, $0x3  }
0xe: {  	s16 =	sshrl.u32 s13, $0x3;
	s26 =	sshrl.u32 s24, $0x3;
	s29 =	sshrl.u32 s25, $0x3  }
0xf: {  	s25 =	sadd.s32 s4, s21;
	s11 =	rddreg [dreg:$0x1];
	s6 =	sadd.s32 s7, s6  }
0x10: {  	s22 =	sadd.s32 s7, s16;
	s13 =	sadd.s32 s7, s29;
	s16 =	sadd.s32 s4, s20  }
0x11: {  	s29 =	sshll.u32 s2, $0xA;
	s28 =	sadd.s32 s9, s11;
	[dreg:$0x3] =	wrdreg s6  }
0x12: {  	s10 =	sadd.s32 s10, s11;
	s6 =	sadd.s32 s7, s15;
	[dreg:$0x5] =	wrdreg s22  }
0x13: {  	s12 =	sadd.s32 s12, s11;
	[dreg:$0x4] =	wrdreg s6;
	s6 =	sshrl.u32 s23, $0x3  }
0x14: {  	[dreg:$0x8] =	wrdreg s13;
	s15 =	sadd.s32 s4, s19;
	s6 =	sadd.s32 s7, s6  }
0x15: {  	s13 =	sadd.s32 $0x2B400, s3;
	[dreg:$0x6] =	wrdreg s6;
	s6 =	sadd.s32 s7, s26  }
0x16: {  	s22 =	sshrl.u32 s15, $0x3;
	[dreg:$0x7] =	wrdreg s6;
	s6 =	sshrl.u32 s14, $0x3  }
0x17: {  	s23 =	sshrl.u32 s16, $0x3;
	s15 =	sadd.s32 $0x9FD600, s3;
	s6 =	sadd.s32 s7, s6  }
0x18: {  	s16 =	sadd.s32 $0x3C00, s3;
	[dreg:$0x9] =	wrdreg s6;
	s6 =	sadd.s32 s7, s22  }
0x19: {  	s24 =	sadd.s32 s7, s23;
	[dreg:$0xa] =	wrdreg s6;
	s6 =	sshrl.u32 s25, $0x3  }
0x1a: {  	[dreg:$0xb] =	wrdreg s24;
	s26 =	sshll.u32 s2, $0x5;
	s6 =	sadd.s32 s7, s6  }
0x1b: {  	s14 =	sadd.s32 $0x52600, s3;
	s3 =	sadd.s32 s16, s26;
	[dreg:$0xc] =	wrdreg s6  }
0x1c: {  	s6 =	sadd.s32 s15, s29;
	_ =	strace $0x80000047;
	[dreg:$0xd] =	wrdreg s3  }
0x1d: {  	s17 =	sadd.s32 s17, s11;
	s18 =	sadd.s32 s18, s11;
	[dreg:$0xe] =	wrdreg s6  }
0x1e: {  	s9 =	simm.s32 $0x180;
	s4 =	sshrl.u32 s4, $0x3;
	[dreg:$0x10] =	wrdreg s10  }
0x1f: {  	s19 =	sadd.s32 s19, s11;
	s4 =	sadd.s32 s7, s4;
	[dreg:$0x11] =	wrdreg s12  }
0x20: {  	s23 =	sadd.s32 s21, s11;
	s21 =	simm.s32 $0x0;
	[dreg:$0x12] =	wrdreg s17  }
0x21: {  	s24 =	sadd.s32 $0x27000, s4;
	s4 =	simm.s32 $0x40;
	[dreg:$0x13] =	wrdreg s18  }
0x22: {  	s26 =	sadd.s32 s8, s11;
	s22 =	sadd.s32 s20, s11;
	[dreg:$0x14] =	wrdreg s19  }
0x23: {  	s8 =	simm.s32 $0xA200;
	s20 =	simm.s32 $0x2;
	[dreg:$0x15] =	wrdreg s22  }
0x24: {  	s7 =	sshrl.u32 s5, $0x2;
	s5 =	simm.s32 $0x200;
	[dreg:$0x16] =	wrdreg s23  }
0x25: {  	s25 =	sadd.s32 s7, s11;
	s29 =	sadd.s32 $0x138000, s11;
	[dreg:$0x17] =	wrdreg s24  }
0x26: {  	s7 =	simm.s32 $0x100;
	[dreg:$0x18] =	wrdreg s1;
	s10 =	sor.u32 $0x40, s2  }
0x27: {  	s1 =	sor.u32 $0x20, s2;
	[dreg:$0x19] =	wrdreg s29;
	s3 =	simm.s32 $0x7  }
0x28: {  	s6 =	simm.s32 $0x6200;
	s12 =	simm.s32 $0x2200;
	s17 =	simm.s32 $0x5  }
0x29: {  	v0 =	vimm.f32 $0.0e+00;
	s18 =	simm.s32 $0x3;
	s19 =	simm.s32 $0x4;
	[dreg:$0xf] =	wrdreg s28  }
.LBB2_1:
0x2a: {  	s22 =	rddreg [dreg:$0xd]  }
0x2b: {  	[tilespmem:s0], [sflag:$0x7] =	stream.linear.gather [hbm4b:s22+s0], $0x100, $0x38;
	[tilespmem:$0x1FA80] =	vst v63  }
0x2c: {  	_ =	swait.ge [sflag:s3], $0x100  }
0x2d: {  	[sflag:s3] =	ssyncset.done $0x0  }
0x2e: {  	s2 =	simm.s32 $0x8200;
	s23 =	rddreg [dreg:$0xe];
	[sflag:s3] =	ssyncadd.s32 $0xFFFFFF00  }
0x2f: {  	[tilespmem:s2], [sflag:$0x5] =	stream.linear.gather [hbm4b:s23+s0], $0x2000, $0x38;
	[tilespmem:$0x1FA80] =	vst v63  }
0x30: {  	s24 =	simm.s32 $0x80;
	s29 =	simm.s32 $0x4200  }
0x31: {  	[tilespmem:s29], [sflag:$0x3] =	stream.indirect.gather [hbm4b:s14+s4], $0x80, s24, s4, $0xb8;
	[tilespmem:$0x1FA80] =	vst v63  }
0x32: {  	s22 =	simm.s32 $0x0;
	s23 =	simm.s32 $0x200  }
0x33: {  	[tilespmem:s5], [sflag:$0x1] =	stream.indirect.gather [hbm4b:s13+s4], $0x80, s0, s4, $0xb8;
	[tilespmem:$0x1FA80] =	vst v63  }
.LBB2_2:
0x34: {  	p1 =	sne.s32 s23, $0x7E00;
	[tilespmem:s22+$0x6270] =	vst v0  }
0x35: {  	[tilespmem:s22+$0x6200] =	vst v0  }
0x36: {  	[tilespmem:s22+$0x6210] =	vst v0  }
.Ltmp0:
0x37: {  	[tilespmem:s22+$0x6220] =	vst v0;
	(pc) =	sbr.rel @p1 .LBB2_2-.Ltmp0, $4  }
0x38: {  	[tilespmem:s22+$0x6230] =	vst v0  }
0x39: {  	[tilespmem:s22+$0x6240] =	vst v0  }
0x3a: {  	[tilespmem:s22+$0x6250] =	vst v0  }
0x3b: {  	[tilespmem:s22+$0x6260] =	vst v0;
	s22 =	sshra.s32 s23, $0x2;
	s23 =	sadd.s32 $0x200, s23  }
0x3c: {  	[tilespmem:s22+$0x6270] =	vst v0  }
0x3d: {  	[tilespmem:s22+$0x6200] =	vst v0  }
0x3e: {  	[tilespmem:s22+$0x6210] =	vst v0  }
0x3f: {  	[tilespmem:s22+$0x6220] =	vst v0  }
0x40: {  	[tilespmem:s22+$0x6230] =	vst v0  }
0x41: {  	[tilespmem:s22+$0x6240] =	vst v0  }
0x42: {  	[tilespmem:s22+$0x6250] =	vst v0  }
0x43: {  	[tilespmem:s22+$0x6260] =	vst v0  }
0x44: {  	[spmem:s25] =	stream.linear.scatter [tilespmem:s6], [sflag:$0x7], $0x2000, $0x38;
	[tilespmem:$0x1FA80] =	vst v63  }
0x45: {  	_ =	swait.ge [sflag:s3], $0x2000  }
0x46: {  	[sflag:s3] =	ssyncset.done $0x0  }
0x47: {  	[sflag:s3] =	ssyncadd.s32 $0xFFFFE000  }
0x48: {  	[spmem:s26] =	stream.linear.scatter [tilespmem:s6], [sflag:$0x7], $0x2000, $0x38;
	[tilespmem:$0x1FA80] =	vst v63  }
0x49: {  	_ =	swait.ge [sflag:s3], $0x2000  }
0x4a: {  	[sflag:s3] =	ssyncset.done $0x0  }
0x4b: {  	[sflag:s3] =	ssyncadd.s32 $0xFFFFE000  }
0x4c: {  	[spmem:s28] =	stream.linear.scatter [tilespmem:s6], [sflag:$0x7], $0x2000, $0x38;
	[tilespmem:$0x1FA80] =	vst v63  }
0x4d: {  	_ =	swait.ge [sflag:s3], $0x2000  }
0x4e: {  	[sflag:s3] =	ssyncset.done $0x0  }
0x4f: {  	s2 =	smov.u32 s26;
	s26 =	rddreg [dreg:$0x10];
	[sflag:s3] =	ssyncadd.s32 $0xFFFFE000  }
0x50: {  	[spmem:s26] =	stream.linear.scatter [tilespmem:s6], [sflag:$0x7], $0x2000, $0x38;
	[tilespmem:$0x1FA80] =	vst v63  }
0x51: {  	_ =	swait.ge [sflag:s3], $0x2000  }
0x52: {  	[sflag:s3] =	ssyncset.done $0x0  }
0x53: {  	s28 =	rddreg [dreg:$0x11];
	[sflag:s3] =	ssyncadd.s32 $0xFFFFE000  }
0x54: {  	[spmem:s28] =	stream.linear.scatter [tilespmem:s6], [sflag:$0x7], $0x2000, $0x38;
	[tilespmem:$0x1FA80] =	vst v63  }
0x55: {  	_ =	swait.ge [sflag:s3], $0x2000  }
0x56: {  	[sflag:s3] =	ssyncset.done $0x0  }
0x57: {  	s23 =	rddreg [dreg:$0x12];
	[sflag:s3] =	ssyncadd.s32 $0xFFFFE000  }
0x58: {  	[spmem:s23] =	stream.linear.scatter [tilespmem:s6], [sflag:$0x7], $0x2000, $0x38;
	[tilespmem:$0x1FA80] =	vst v63  }
0x59: {  	_ =	swait.ge [sflag:s3], $0x2000  }
0x5a: {  	[sflag:s3] =	ssyncset.done $0x0  }
0x5b: {  	s24 =	rddreg [dreg:$0x13];
	[sflag:s3] =	ssyncadd.s32 $0xFFFFE000  }
0x5c: {  	[spmem:s24] =	stream.linear.scatter [tilespmem:s6], [sflag:$0x7], $0x2000, $0x38;
	[tilespmem:$0x1FA80] =	vst v63  }
0x5d: {  	_ =	swait.ge [sflag:s3], $0x2000  }
0x5e: {  	[sflag:s3] =	ssyncset.done $0x0  }
0x5f: {  	s29 =	smov.u32 s25;
	s25 =	rddreg [dreg:$0x14];
	[sflag:s3] =	ssyncadd.s32 $0xFFFFE000  }
0x60: {  	[spmem:s25] =	stream.linear.scatter [tilespmem:s6], [sflag:$0x7], $0x2000, $0x38;
	[tilespmem:$0x1FA80] =	vst v63  }
0x61: {  	_ =	swait.ge [sflag:s3], $0x2000  }
0x62: {  	[sflag:s3] =	ssyncset.done $0x0  }
0x63: {  	s26 =	rddreg [dreg:$0x15];
	[sflag:s3] =	ssyncadd.s32 $0xFFFFE000  }
0x64: {  	[spmem:s26] =	stream.linear.scatter [tilespmem:s6], [sflag:$0x7], $0x2000, $0x38;
	[tilespmem:$0x1FA80] =	vst v63  }
0x65: {  	_ =	swait.ge [sflag:s3], $0x2000  }
0x66: {  	[sflag:s3] =	ssyncset.done $0x0  }
0x67: {  	s28 =	rddreg [dreg:$0x16];
	[sflag:s3] =	ssyncadd.s32 $0xFFFFE000  }
0x68: {  	[spmem:s28] =	stream.linear.scatter [tilespmem:s6], [sflag:$0x7], $0x1800, $0x38;
	[tilespmem:$0x1FA80] =	vst v63  }
0x69: {  	_ =	swait.ge [sflag:s3], $0x1800  }
0x6a: {  	[sflag:s3] =	ssyncset.done $0x0  }
0x6b: {  	s22 =	simm.s32 @!p0 $0x6200;
	s23 =	rddreg [dreg:$0x19];
	[sflag:s3] =	ssyncadd.s32 $0xFFFFE800  }
0x6c: {  	[spmem:s23] =	stream.linear.scatter @!p0 [tilespmem:s22], [sflag:$0x7], $0x800, $0x38;
	[tilespmem:$0x1FA80] =	vst v63  }
0x6d: {  	s22 =	simm.s32 @!p0 $0x7  }
0x6e: {  	_ =	swait.ge @!p0 [sflag:s22], $0x800  }
0x6f: {  	[sflag:s22] =	ssyncset.done @!p0 $0x0  }
0x70: {  	[sflag:s22] =	ssyncadd.s32 @!p0 $0xFFFFF800  }
0x71: {  	s23 =	simm.s32 $0x0;
	s22 =	simm.s32 $0x0;
	[bflag:$0x0] =	sbarrier.arrive $0xFFFF  }
.LBB2_4:
0x72: {  	s24 =	sshll.u32 s23, $0x6  }
0x73: {  	s25 =	sor.u32 s1, s24  }
0x74: {  	s26 =	sshll.u32 s25, $0x5  }
0x75: {  	s26 =	sand.u32 $0x1FFFFFE0, s26  }
0x76: {  	s26 =	sadd.s32 s16, s26  }
0x77: {  	[tilespmem:s7], [sflag:$0x7] =	stream.linear.gather [hbm4b:s26+s22], $0x100, $0x38;
	[tilespmem:$0x1FA80] =	vst v63  }
0x78: {  	s25 =	sshll.u32 s25, $0xA;
	_ =	swait.ge [sflag:s3], $0x100  }
0x79: {  	s25 =	sand.u32 $0x1FFFFC00, s25;
	[sflag:s3] =	ssyncset.done $0x0  }
0x7a: {  	s25 =	sadd.s32 s15, s25;
	[sflag:s3] =	ssyncadd.s32 $0xFFFFFF00  }
0x7b: {  	[tilespmem:s8], [sflag:$0x6] =	stream.linear.gather [hbm4b:s25+s22], $0x2000, $0x38;
	[tilespmem:$0x1FA80] =	vst v63  }
0x7c: {  	_ = 	snop  }
0x7d: {  	[tilespmem:s6], [sflag:$0x4] =	stream.indirect.gather [hbm4b:s14+s4], $0x80, s9, s4, $0xb8;
	[tilespmem:$0x1FA80] =	vst v63  }
0x7e: {  	_ = 	snop  }
0x7f: {  	[tilespmem:s12], [sflag:$0x2] =	stream.indirect.gather [hbm4b:s13+s4], $0x80, s7, s4, $0xb8;
	[tilespmem:$0x1FA80] =	vst v63  }
0x80: {  	_ =	swait.ge [sflag:s17], $0x2000  }
0x81: {  	[sflag:s17] =	ssyncset.done $0x0  }
0x82: {  	[sflag:s17] =	ssyncadd.s32 $0xFFFFE000  }
0x83: {  	_ =	swait.ge [sflag:s18], $0x2000  }
0x84: {  	[sflag:s18] =	ssyncset.done $0x0  }
0x85: {  	[sflag:s18] =	ssyncadd.s32 $0xFFFFE000  }
0x86: {  	_ =	swait.ge [sflag:s30], $0x2000  }
0x87: {  	[sflag:s30] =	ssyncset.done $0x0  }
0x88: {  	s25 =	simm.s32 $0x0;
	[sflag:s30] =	ssyncadd.s32 $0xFFFFE000  }
0x89: {  	v13 =	vld [tilespmem:s25+$0x8200]  }
0x8a: {  	v14 =	vld [tilespmem:s25+$0x8210]  }
0x8b: {  	v15 =	vld [tilespmem:s25+$0x8220]  }
0x8c: {  	v16 =	vld [tilespmem:s25+$0x8230]  }
0x8d: {  	v17 =	vld [tilespmem:s25+$0x8240]  }
0x8e: {  	v18 =	vld [tilespmem:s25+$0x8250]  }
0x8f: {  	v19 =	vld [tilespmem:s25+$0x8260]  }
0x90: {  	v20 =	vld [tilespmem:s25+$0x8270]  }
0x91: {  	v6 =	vld [tilespmem:s25+$0x8280]  }
0x92: {  	v5 =	vld [tilespmem:s25+$0x8290]  }
0x93: {  	v4 =	vld [tilespmem:s25+$0x82A0]  }
0x94: {  	v3 =	vld [tilespmem:s25+$0x82B0]  }
0x95: {  	v2 =	vld [tilespmem:s25+$0x82C0]  }
0x96: {  	v1 =	vld [tilespmem:s25+$0x82D0]  }
0x97: {  	v21 =	vld [tilespmem:s25+$0x4200]  }
0x98: {  	v22 =	vld [tilespmem:s25+$0x4210]  }
0x99: {  	v23 =	vld [tilespmem:s25+$0x4220]  }
0x9a: {  	v24 =	vld [tilespmem:s25+$0x4230]  }
0x9b: {  	v25 =	vld [tilespmem:s25+$0x4240]  }
0x9c: {  	v26 =	vld [tilespmem:s25+$0x4250]  }
0x9d: {  	v27 =	vld [tilespmem:s25+$0x4260]  }
0x9e: {  	v28 =	vld [tilespmem:s25+$0x4270]  }
0x9f: {  	v29 =	vld [tilespmem:s25+$0x4280]  }
0xa0: {  	v30 =	vld [tilespmem:s25+$0x4290]  }
0xa1: {  	v12 =	vld [tilespmem:s25+$0x42A0]  }
0xa2: {  	v11 =	vld [tilespmem:s25+$0x42B0]  }
0xa3: {  	v10 =	vld [tilespmem:s25+$0x42C0]  }
0xa4: {  	v9 =	vld [tilespmem:s25+$0x42D0]  }
0xa5: {  	v8 =	vld [tilespmem:s25+$0x42E0]  }
0xa6: {  	v7 =	vld [tilespmem:s25+$0x42F0]  }
0xa7: {  	v31 =	vld [tilespmem:s25+$0x200]  }
0xa8: {  	v32 =	vld [tilespmem:s25+$0x210]  }
0xa9: {  	v33 =	vld [tilespmem:s25+$0x220]  }
0xaa: {  	v34 =	vld [tilespmem:s25+$0x230]  }
0xab: {  	v35 =	vld [tilespmem:s25+$0x240]  }
0xac: {  	v60 =	vld [tilespmem:s25+$0x250];
	v21 =	vadd.f32 v21, v31  }
0xad: {  	v36 =	vld [tilespmem:s25+$0x260];
	v22 =	vadd.f32 v22, v32  }
0xae: {  	v23 =	vadd.f32 v23, v33;
	v13 =	vadd.f32 v13, v21;
	v21 =	vld [tilespmem:s25+$0x270]  }
0xaf: {  	v61 =	vld [tilespmem:s25+$0x280];
	v14 =	vadd.f32 v14, v22;
	v22 =	vadd.f32 v24, v34  }
0xb0: {  	v62 =	vld [tilespmem:s25+$0x290];
	v15 =	vadd.f32 v15, v23;
	v23 =	vadd.f32 v25, v35;
	v13 =	vmax.f32 v13, $0.0e+00  }
0xb1: {  	v14 =	vmax.f32 v14, $0.0e+00;
	v16 =	vadd.f32 v16, v22;
	v22 =	vadd.f32 v26, v60;
	[tilespmem:s25+$0x200] =	vst v13;
	v13 =	vld [tilespmem:s25+$0x2A0]  }
0xb2: {  	v15 =	vmax.f32 v15, $0.0e+00;
	v17 =	vadd.f32 v17, v23;
	v23 =	vadd.f32 v27, v36;
	[tilespmem:s25+$0x210] =	vst v14;
	v14 =	vld [tilespmem:s25+$0x2B0]  }
0xb3: {  	[tilespmem:s25+$0x220] =	vst v15;
	v15 =	vld [tilespmem:s25+$0x2C0];
	v16 =	vmax.f32 v16, $0.0e+00;
	v22 =	vadd.f32 v18, v22;
	v63 =	vadd.f32 v28, v21  }
0xb4: {  	v17 =	vmax.f32 v17, $0.0e+00;
	v18 =	vadd.f32 v29, v61;
	[tilespmem:s25+$0x230] =	vst v16;
	v16 =	vld [tilespmem:s25+$0x2D0];
	v21 =	vadd.f32 v19, v23  }
0xb5: {  	s26 =	simm.s32 $0x400;
	[tilespmem:s25+$0x240] =	vst v17;
	v19 =	vadd.f32 v30, v62;
	v17 =	vld [tilespmem:s25+$0x2E0];
	v22 =	vmax.f32 v22, $0.0e+00;
	v20 =	vadd.f32 v20, v63  }
.LBB2_5:
0xb6: {  	p1 =	sne.s32 s26, $0x7C00;
	[tilespmem:s25+$0x250] =	vst v22;
	v21 =	vmax.f32 v21, $0.0e+00;
	v6 =	vadd.f32 v6, v18;
	v12 =	vadd.f32 v12, v13;
	v13 =	vld [tilespmem:s25+$0x2F0]  }
0xb7: {  	[tilespmem:s25+$0x260] =	vst v21;
	v18 =	vmax.f32 v20, $0.0e+00;
	v5 =	vadd.f32 v5, v19;
	v11 =	vadd.f32 v11, v14;
	v14 =	vld [tilespmem:s25+$0x82E0]  }
0xb8: {  	s28 =	sshra.s32 s26, $0x2;
	[tilespmem:s25+$0x270] =	vst v18;
	v6 =	vmax.f32 v6, $0.0e+00;
	v4 =	vadd.f32 v4, v12;
	v10 =	vadd.f32 v10, v15;
	v12 =	vld [tilespmem:s25+$0x82F0]  }
0xb9: {  	v15 =	vld [tilespmem:s28+$0x8200];
	[tilespmem:s25+$0x280] =	vst v6;
	v5 =	vmax.f32 v5, $0.0e+00;
	v3 =	vadd.f32 v3, v11;
	v6 =	vadd.f32 v9, v16  }
0xba: {  	v16 =	vld [tilespmem:s28+$0x8210];
	[tilespmem:s25+$0x290] =	vst v5;
	v4 =	vmax.f32 v4, $0.0e+00;
	v2 =	vadd.f32 v2, v10;
	v5 =	vadd.f32 v8, v17  }
0xbb: {  	v17 =	vld [tilespmem:s28+$0x8220];
	[tilespmem:s25+$0x2A0] =	vst v4;
	v3 =	vmax.f32 v3, $0.0e+00;
	v1 =	vadd.f32 v1, v6;
	v4 =	vadd.f32 v7, v13  }
0xbc: {  	v13 =	vld [tilespmem:s28+$0x8230];
	[tilespmem:s25+$0x2B0] =	vst v3;
	v2 =	vmax.f32 v2, $0.0e+00;
	v3 =	vadd.f32 v14, v5  }
0xbd: {  	v14 =	vld [tilespmem:s28+$0x8240];
	[tilespmem:s25+$0x2C0] =	vst v2;
	v1 =	vmax.f32 v1, $0.0e+00;
	v2 =	vadd.f32 v12, v4  }
0xbe: {  	v18 =	vld [tilespmem:s28+$0x8250];
	[tilespmem:s25+$0x2D0] =	vst v1;
	v1 =	vmax.f32 v3, $0.0e+00  }
0xbf: {  	v19 =	vld [tilespmem:s28+$0x8260];
	[tilespmem:s25+$0x2E0] =	vst v1;
	v1 =	vmax.f32 v2, $0.0e+00  }
0xc0: {  	v20 =	vld [tilespmem:s28+$0x8270];
	[tilespmem:s25+$0x2F0] =	vst v1;
	s25 =	smov.u32 s28  }
0xc1: {  	v6 =	vld [tilespmem:s25+$0x8280]  }
0xc2: {  	v5 =	vld [tilespmem:s25+$0x8290]  }
0xc3: {  	v4 =	vld [tilespmem:s25+$0x82A0]  }
0xc4: {  	v3 =	vld [tilespmem:s25+$0x82B0]  }
0xc5: {  	v2 =	vld [tilespmem:s25+$0x82C0]  }
0xc6: {  	v1 =	vld [tilespmem:s25+$0x82D0]  }
0xc7: {  	v21 =	vld [tilespmem:s25+$0x4200]  }
0xc8: {  	v22 =	vld [tilespmem:s25+$0x4210]  }
0xc9: {  	v23 =	vld [tilespmem:s25+$0x4220]  }
0xca: {  	v24 =	vld [tilespmem:s25+$0x4230]  }
0xcb: {  	v25 =	vld [tilespmem:s25+$0x4240]  }
0xcc: {  	v26 =	vld [tilespmem:s25+$0x4250]  }
0xcd: {  	v27 =	vld [tilespmem:s25+$0x4260]  }
0xce: {  	v28 =	vld [tilespmem:s25+$0x4270]  }
0xcf: {  	v29 =	vld [tilespmem:s25+$0x4280]  }
0xd0: {  	v30 =	vld [tilespmem:s25+$0x4290]  }
0xd1: {  	v12 =	vld [tilespmem:s25+$0x42A0]  }
0xd2: {  	v11 =	vld [tilespmem:s25+$0x42B0]  }
0xd3: {  	v10 =	vld [tilespmem:s25+$0x42C0]  }
0xd4: {  	v9 =	vld [tilespmem:s25+$0x42D0]  }
0xd5: {  	v8 =	vld [tilespmem:s25+$0x42E0]  }
0xd6: {  	v7 =	vld [tilespmem:s25+$0x42F0]  }
0xd7: {  	v31 =	vld [tilespmem:s25+$0x200]  }
0xd8: {  	v32 =	vld [tilespmem:s25+$0x210]  }
0xd9: {  	v33 =	vld [tilespmem:s25+$0x220]  }
0xda: {  	v34 =	vld [tilespmem:s25+$0x230]  }
0xdb: {  	v35 =	vld [tilespmem:s25+$0x240]  }
0xdc: {  	v21 =	vadd.f32 v21, v31;
	v31 =	vld [tilespmem:s25+$0x250]  }
0xdd: {  	v22 =	vadd.f32 v22, v32;
	v32 =	vld [tilespmem:s25+$0x260]  }
0xde: {  	v15 =	vadd.f32 v15, v21;
	v21 =	vadd.f32 v23, v33;
	v23 =	vld [tilespmem:s25+$0x270]  }
0xdf: {  	v16 =	vadd.f32 v16, v22;
	v22 =	vadd.f32 v24, v34;
	v24 =	vld [tilespmem:s25+$0x280]  }
0xe0: {  	v15 =	vmax.f32 v15, $0.0e+00;
	v17 =	vadd.f32 v17, v21;
	v21 =	vadd.f32 v25, v35;
	v25 =	vld [tilespmem:s25+$0x290]  }
.Ltmp1:
0xe1: {  	[tilespmem:s25+$0x200] =	vst v15;
	v15 =	vmax.f32 v16, $0.0e+00;
	v16 =	vadd.f32 v13, v22;
	v22 =	vadd.f32 v26, v31;
	v13 =	vld [tilespmem:s25+$0x2A0];
	(pc) =	sbr.rel @p1 .LBB2_5-.Ltmp1, $4  }
0xe2: {  	[tilespmem:s25+$0x210] =	vst v15;
	v15 =	vmax.f32 v17, $0.0e+00;
	v17 =	vadd.f32 v14, v21;
	v21 =	vadd.f32 v27, v32;
	v14 =	vld [tilespmem:s25+$0x2B0]  }
0xe3: {  	[tilespmem:s25+$0x220] =	vst v15;
	v16 =	vmax.f32 v16, $0.0e+00;
	v22 =	vadd.f32 v18, v22;
	v23 =	vadd.f32 v28, v23;
	v15 =	vld [tilespmem:s25+$0x2C0]  }
0xe4: {  	[tilespmem:s25+$0x230] =	vst v16;
	v17 =	vmax.f32 v17, $0.0e+00;
	v21 =	vadd.f32 v19, v21;
	v18 =	vadd.f32 v29, v24;
	v16 =	vld [tilespmem:s25+$0x2D0]  }
0xe5: {  	s26 =	sadd.s32 $0x400, s26;
	[tilespmem:s25+$0x240] =	vst v17;
	v22 =	vmax.f32 v22, $0.0e+00;
	v20 =	vadd.f32 v20, v23;
	v19 =	vadd.f32 v30, v25;
	v17 =	vld [tilespmem:s25+$0x2E0]  }
0xe6: {  	[tilespmem:s25+$0x250] =	vst v22;
	v21 =	vmax.f32 v21, $0.0e+00;
	v22 =	vld [tilespmem:s25+$0x2F0];
	v6 =	vadd.f32 v6, v18;
	v12 =	vadd.f32 v12, v13  }
0xe7: {  	v18 =	vld [tilespmem:s25+$0x82E0];
	[tilespmem:s25+$0x260] =	vst v21;
	v13 =	vmax.f32 v20, $0.0e+00;
	v5 =	vadd.f32 v5, v19;
	v11 =	vadd.f32 v11, v14  }
0xe8: {  	[tilespmem:s25+$0x270] =	vst v13;
	v6 =	vmax.f32 v6, $0.0e+00;
	v4 =	vadd.f32 v4, v12;
	v10 =	vadd.f32 v10, v15;
	v12 =	vld [tilespmem:s25+$0x82F0]  }
0xe9: {  	[tilespmem:s25+$0x280] =	vst v6;
	v5 =	vmax.f32 v5, $0.0e+00;
	v3 =	vadd.f32 v3, v11;
	v6 =	vadd.f32 v9, v16  }
0xea: {  	[tilespmem:s25+$0x290] =	vst v5;
	v4 =	vmax.f32 v4, $0.0e+00;
	v2 =	vadd.f32 v2, v10;
	v5 =	vadd.f32 v8, v17  }
0xeb: {  	[tilespmem:s25+$0x2A0] =	vst v4;
	v3 =	vmax.f32 v3, $0.0e+00;
	v1 =	vadd.f32 v1, v6;
	v4 =	vadd.f32 v7, v22  }
0xec: {  	[tilespmem:s25+$0x2B0] =	vst v3;
	v2 =	vmax.f32 v2, $0.0e+00;
	v3 =	vadd.f32 v18, v5  }
0xed: {  	[tilespmem:s25+$0x2C0] =	vst v2;
	v1 =	vmax.f32 v1, $0.0e+00;
	v2 =	vadd.f32 v12, v4  }
0xee: {  	[tilespmem:s25+$0x2D0] =	vst v1;
	v1 =	vmax.f32 v3, $0.0e+00  }
0xef: {  	[tilespmem:s25+$0x2E0] =	vst v1;
	v1 =	vmax.f32 v2, $0.0e+00  }
0xf0: {  	p1 =	seq.s32 s23, $0x4E;
	[tilespmem:s25+$0x2F0] =	vst v1  }
0xf1: {  	[spmem:s11] =	stream.indirect.scatter.add.f32 [tilespmem:s5], [sflag:$0x7], $0x80, s0, s4, $0xb8;
	[tilespmem:$0x1FA80] =	vst v63  }
0xf2: {  	s24 =	sadd.s32 @!p1 s10, s24;
	_ =	swait.ge [sflag:s3], $0x2000  }
0xf3: {  	s25 =	sshll.u32 @!p1 s24, $0x5;
	[sflag:s3] =	ssyncset.done $0x0  }
0xf4: {  	s26 =	simm.s32 @!p1 $0x0;
	s25 =	sadd.s32 @!p1 s16, s25;
	[sflag:s3] =	ssyncadd.s32 $0xFFFFE000  }
0xf5: {  	[tilespmem:s26], [sflag:$0x7] =	stream.linear.gather @!p1 [hbm4b:s25+s26], $0x100, $0x38;
	[tilespmem:$0x1FA80] =	vst v63  }
0xf6: {  	s25 =	simm.s32 @!p1 $0x7  }
0xf7: {  	_ =	swait.ge @!p1 [sflag:s25], $0x100  }
0xf8: {  	s24 =	sshll.u32 @!p1 s24, $0xA;
	[sflag:s25] =	ssyncset.done @!p1 $0x0  }
0xf9: {  	s24 =	sadd.s32 @!p1 s15, s24;
	[sflag:s25] =	ssyncadd.s32 @!p1 $0xFFFFFF00;
	s25 =	simm.s32 @!p1 $0x8200  }
0xfa: {  	[tilespmem:s25], [sflag:$0x5] =	stream.linear.gather @!p1 [hbm4b:s24+s26], $0x2000, $0x38;
	[tilespmem:$0x1FA80] =	vst v63  }
0xfb: {  	s28 =	simm.s32 @!p1 $0x4200;
	s24 =	simm.s32 @!p1 $0x40;
	s25 =	simm.s32 @!p1 $0x80  }
0xfc: {  	[tilespmem:s28], [sflag:$0x3] =	stream.indirect.gather @!p1 [hbm4b:s14+s24], $0x80, s25, s24, $0xb8;
	[tilespmem:$0x1FA80] =	vst v63  }
0xfd: {  	s25 =	simm.s32 @!p1 $0x200  }
0xfe: {  	[tilespmem:s25], [sflag:$0x1] =	stream.indirect.gather @!p1 [hbm4b:s13+s24], $0x80, s26, s24, $0xb8;
	[tilespmem:$0x1FA80] =	vst v63  }
0xff: {  	_ =	swait.ge [sflag:s31], $0x2000  }
0x100: {  	[sflag:s31] =	ssyncset.done $0x0  }
0x101: {  	[sflag:s31] =	ssyncadd.s32 $0xFFFFE000  }
0x102: {  	_ =	swait.ge [sflag:s19], $0x2000  }
0x103: {  	[sflag:s19] =	ssyncset.done $0x0  }
0x104: {  	[sflag:s19] =	ssyncadd.s32 $0xFFFFE000  }
0x105: {  	_ =	swait.ge [sflag:s20], $0x2000  }
0x106: {  	[sflag:s20] =	ssyncset.done $0x0  }
0x107: {  	s24 =	simm.s32 $0x0;
	[sflag:s20] =	ssyncadd.s32 $0xFFFFE000  }
0x108: {  	v13 =	vld [tilespmem:s24+$0xA200]  }
0x109: {  	v14 =	vld [tilespmem:s24+$0xA210]  }
0x10a: {  	v15 =	vld [tilespmem:s24+$0xA220]  }
0x10b: {  	v16 =	vld [tilespmem:s24+$0xA230]  }
0x10c: {  	v17 =	vld [tilespmem:s24+$0xA240]  }
0x10d: {  	v18 =	vld [tilespmem:s24+$0xA250]  }
0x10e: {  	v19 =	vld [tilespmem:s24+$0xA260]  }
0x10f: {  	v20 =	vld [tilespmem:s24+$0xA270]  }
0x110: {  	v6 =	vld [tilespmem:s24+$0xA280]  }
0x111: {  	v5 =	vld [tilespmem:s24+$0xA290]  }
0x112: {  	v4 =	vld [tilespmem:s24+$0xA2A0]  }
0x113: {  	v3 =	vld [tilespmem:s24+$0xA2B0]  }
0x114: {  	v2 =	vld [tilespmem:s24+$0xA2C0]  }
0x115: {  	v1 =	vld [tilespmem:s24+$0xA2D0]  }
0x116: {  	v21 =	vld [tilespmem:s24+$0x6200]  }
0x117: {  	v22 =	vld [tilespmem:s24+$0x6210]  }
0x118: {  	v23 =	vld [tilespmem:s24+$0x6220]  }
0x119: {  	v24 =	vld [tilespmem:s24+$0x6230]  }
0x11a: {  	v25 =	vld [tilespmem:s24+$0x6240]  }
0x11b: {  	v26 =	vld [tilespmem:s24+$0x6250]  }
0x11c: {  	v27 =	vld [tilespmem:s24+$0x6260]  }
0x11d: {  	v28 =	vld [tilespmem:s24+$0x6270]  }
0x11e: {  	v29 =	vld [tilespmem:s24+$0x6280]  }
0x11f: {  	v30 =	vld [tilespmem:s24+$0x6290]  }
0x120: {  	v12 =	vld [tilespmem:s24+$0x62A0]  }
0x121: {  	v11 =	vld [tilespmem:s24+$0x62B0]  }
0x122: {  	v10 =	vld [tilespmem:s24+$0x62C0]  }
0x123: {  	v9 =	vld [tilespmem:s24+$0x62D0]  }
0x124: {  	v8 =	vld [tilespmem:s24+$0x62E0]  }
0x125: {  	v7 =	vld [tilespmem:s24+$0x62F0]  }
0x126: {  	v31 =	vld [tilespmem:s24+$0x2200]  }
0x127: {  	v32 =	vld [tilespmem:s24+$0x2210]  }
0x128: {  	v33 =	vld [tilespmem:s24+$0x2220]  }
0x129: {  	v34 =	vld [tilespmem:s24+$0x2230]  }
0x12a: {  	v35 =	vld [tilespmem:s24+$0x2240]  }
0x12b: {  	v60 =	vld [tilespmem:s24+$0x2250];
	v21 =	vadd.f32 v21, v31  }
0x12c: {  	v36 =	vld [tilespmem:s24+$0x2260];
	v22 =	vadd.f32 v22, v32  }
0x12d: {  	v23 =	vadd.f32 v23, v33;
	v13 =	vadd.f32 v13, v21;
	v21 =	vld [tilespmem:s24+$0x2270]  }
0x12e: {  	v61 =	vld [tilespmem:s24+$0x2280];
	v14 =	vadd.f32 v14, v22;
	v22 =	vadd.f32 v24, v34  }
0x12f: {  	v62 =	vld [tilespmem:s24+$0x2290];
	v15 =	vadd.f32 v15, v23;
	v23 =	vadd.f32 v25, v35;
	v13 =	vmax.f32 v13, $0.0e+00  }
0x130: {  	v14 =	vmax.f32 v14, $0.0e+00;
	v16 =	vadd.f32 v16, v22;
	v22 =	vadd.f32 v26, v60;
	[tilespmem:s24+$0x2200] =	vst v13;
	v13 =	vld [tilespmem:s24+$0x22A0]  }
0x131: {  	v15 =	vmax.f32 v15, $0.0e+00;
	v17 =	vadd.f32 v17, v23;
	v23 =	vadd.f32 v27, v36;
	[tilespmem:s24+$0x2210] =	vst v14;
	v14 =	vld [tilespmem:s24+$0x22B0]  }
0x132: {  	[tilespmem:s24+$0x2220] =	vst v15;
	v15 =	vld [tilespmem:s24+$0x22C0];
	v16 =	vmax.f32 v16, $0.0e+00;
	v22 =	vadd.f32 v18, v22;
	v63 =	vadd.f32 v28, v21  }
0x133: {  	v17 =	vmax.f32 v17, $0.0e+00;
	v18 =	vadd.f32 v29, v61;
	[tilespmem:s24+$0x2230] =	vst v16;
	v16 =	vld [tilespmem:s24+$0x22D0];
	v21 =	vadd.f32 v19, v23  }
0x134: {  	s25 =	simm.s32 $0x400;
	[tilespmem:s24+$0x2240] =	vst v17;
	v19 =	vadd.f32 v30, v62;
	v17 =	vld [tilespmem:s24+$0x22E0];
	v22 =	vmax.f32 v22, $0.0e+00;
	v20 =	vadd.f32 v20, v63  }
.LBB2_7:
0x135: {  	p1 =	sne.s32 s25, $0x7C00;
	[tilespmem:s24+$0x2250] =	vst v22;
	v21 =	vmax.f32 v21, $0.0e+00;
	v6 =	vadd.f32 v6, v18;
	v12 =	vadd.f32 v12, v13;
	v13 =	vld [tilespmem:s24+$0x22F0]  }
0x136: {  	[tilespmem:s24+$0x2260] =	vst v21;
	v18 =	vmax.f32 v20, $0.0e+00;
	v5 =	vadd.f32 v5, v19;
	v11 =	vadd.f32 v11, v14;
	v14 =	vld [tilespmem:s24+$0xA2E0]  }
0x137: {  	s26 =	sshra.s32 s25, $0x2;
	[tilespmem:s24+$0x2270] =	vst v18;
	v6 =	vmax.f32 v6, $0.0e+00;
	v4 =	vadd.f32 v4, v12;
	v10 =	vadd.f32 v10, v15;
	v12 =	vld [tilespmem:s24+$0xA2F0]  }
0x138: {  	v15 =	vld [tilespmem:s26+$0xA200];
	[tilespmem:s24+$0x2280] =	vst v6;
	v5 =	vmax.f32 v5, $0.0e+00;
	v3 =	vadd.f32 v3, v11;
	v6 =	vadd.f32 v9, v16  }
0x139: {  	v16 =	vld [tilespmem:s26+$0xA210];
	[tilespmem:s24+$0x2290] =	vst v5;
	v4 =	vmax.f32 v4, $0.0e+00;
	v2 =	vadd.f32 v2, v10;
	v5 =	vadd.f32 v8, v17  }
0x13a: {  	v17 =	vld [tilespmem:s26+$0xA220];
	[tilespmem:s24+$0x22A0] =	vst v4;
	v3 =	vmax.f32 v3, $0.0e+00;
	v1 =	vadd.f32 v1, v6;
	v4 =	vadd.f32 v7, v13  }
0x13b: {  	v13 =	vld [tilespmem:s26+$0xA230];
	[tilespmem:s24+$0x22B0] =	vst v3;
	v2 =	vmax.f32 v2, $0.0e+00;
	v3 =	vadd.f32 v14, v5  }
0x13c: {  	v14 =	vld [tilespmem:s26+$0xA240];
	[tilespmem:s24+$0x22C0] =	vst v2;
	v1 =	vmax.f32 v1, $0.0e+00;
	v2 =	vadd.f32 v12, v4  }
0x13d: {  	v18 =	vld [tilespmem:s26+$0xA250];
	[tilespmem:s24+$0x22D0] =	vst v1;
	v1 =	vmax.f32 v3, $0.0e+00  }
0x13e: {  	v19 =	vld [tilespmem:s26+$0xA260];
	[tilespmem:s24+$0x22E0] =	vst v1;
	v1 =	vmax.f32 v2, $0.0e+00  }
0x13f: {  	v20 =	vld [tilespmem:s26+$0xA270];
	[tilespmem:s24+$0x22F0] =	vst v1;
	s24 =	smov.u32 s26  }
0x140: {  	v6 =	vld [tilespmem:s24+$0xA280]  }
0x141: {  	v5 =	vld [tilespmem:s24+$0xA290]  }
0x142: {  	v4 =	vld [tilespmem:s24+$0xA2A0]  }
0x143: {  	v3 =	vld [tilespmem:s24+$0xA2B0]  }
0x144: {  	v2 =	vld [tilespmem:s24+$0xA2C0]  }
0x145: {  	v1 =	vld [tilespmem:s24+$0xA2D0]  }
0x146: {  	v21 =	vld [tilespmem:s24+$0x6200]  }
0x147: {  	v22 =	vld [tilespmem:s24+$0x6210]  }
0x148: {  	v23 =	vld [tilespmem:s24+$0x6220]  }
0x149: {  	v24 =	vld [tilespmem:s24+$0x6230]  }
0x14a: {  	v25 =	vld [tilespmem:s24+$0x6240]  }
0x14b: {  	v26 =	vld [tilespmem:s24+$0x6250]  }
0x14c: {  	v27 =	vld [tilespmem:s24+$0x6260]  }
0x14d: {  	v28 =	vld [tilespmem:s24+$0x6270]  }
0x14e: {  	v29 =	vld [tilespmem:s24+$0x6280]  }
0x14f: {  	v30 =	vld [tilespmem:s24+$0x6290]  }
0x150: {  	v12 =	vld [tilespmem:s24+$0x62A0]  }
0x151: {  	v11 =	vld [tilespmem:s24+$0x62B0]  }
0x152: {  	v10 =	vld [tilespmem:s24+$0x62C0]  }
0x153: {  	v9 =	vld [tilespmem:s24+$0x62D0]  }
0x154: {  	v8 =	vld [tilespmem:s24+$0x62E0]  }
0x155: {  	v7 =	vld [tilespmem:s24+$0x62F0]  }
0x156: {  	v31 =	vld [tilespmem:s24+$0x2200]  }
0x157: {  	v32 =	vld [tilespmem:s24+$0x2210]  }
0x158: {  	v33 =	vld [tilespmem:s24+$0x2220]  }
0x159: {  	v34 =	vld [tilespmem:s24+$0x2230]  }
0x15a: {  	v35 =	vld [tilespmem:s24+$0x2240]  }
0x15b: {  	v21 =	vadd.f32 v21, v31;
	v31 =	vld [tilespmem:s24+$0x2250]  }
0x15c: {  	v22 =	vadd.f32 v22, v32;
	v32 =	vld [tilespmem:s24+$0x2260]  }
0x15d: {  	v15 =	vadd.f32 v15, v21;
	v21 =	vadd.f32 v23, v33;
	v23 =	vld [tilespmem:s24+$0x2270]  }
0x15e: {  	v16 =	vadd.f32 v16, v22;
	v22 =	vadd.f32 v24, v34;
	v24 =	vld [tilespmem:s24+$0x2280]  }
0x15f: {  	v15 =	vmax.f32 v15, $0.0e+00;
	v17 =	vadd.f32 v17, v21;
	v21 =	vadd.f32 v25, v35;
	v25 =	vld [tilespmem:s24+$0x2290]  }
.Ltmp2:
0x160: {  	[tilespmem:s24+$0x2200] =	vst v15;
	v15 =	vmax.f32 v16, $0.0e+00;
	v16 =	vadd.f32 v13, v22;
	v22 =	vadd.f32 v26, v31;
	v13 =	vld [tilespmem:s24+$0x22A0];
	(pc) =	sbr.rel @p1 .LBB2_7-.Ltmp2, $4  }
0x161: {  	[tilespmem:s24+$0x2210] =	vst v15;
	v15 =	vmax.f32 v17, $0.0e+00;
	v17 =	vadd.f32 v14, v21;
	v21 =	vadd.f32 v27, v32;
	v14 =	vld [tilespmem:s24+$0x22B0]  }
0x162: {  	[tilespmem:s24+$0x2220] =	vst v15;
	v16 =	vmax.f32 v16, $0.0e+00;
	v22 =	vadd.f32 v18, v22;
	v23 =	vadd.f32 v28, v23;
	v15 =	vld [tilespmem:s24+$0x22C0]  }
0x163: {  	[tilespmem:s24+$0x2230] =	vst v16;
	v17 =	vmax.f32 v17, $0.0e+00;
	v21 =	vadd.f32 v19, v21;
	v18 =	vadd.f32 v29, v24;
	v16 =	vld [tilespmem:s24+$0x22D0]  }
0x164: {  	s25 =	sadd.s32 $0x400, s25;
	[tilespmem:s24+$0x2240] =	vst v17;
	v22 =	vmax.f32 v22, $0.0e+00;
	v20 =	vadd.f32 v20, v23;
	v19 =	vadd.f32 v30, v25;
	v17 =	vld [tilespmem:s24+$0x22E0]  }
0x165: {  	[tilespmem:s24+$0x2250] =	vst v22;
	v21 =	vmax.f32 v21, $0.0e+00;
	v57 =	vld [tilespmem:s24+$0x22F0];
	v6 =	vadd.f32 v6, v18;
	v12 =	vadd.f32 v12, v13  }
0x166: {  	v59 =	vld [tilespmem:s24+$0xA2E0];
	[tilespmem:s24+$0x2260] =	vst v21;
	v58 =	vmax.f32 v20, $0.0e+00;
	v5 =	vadd.f32 v5, v19;
	v11 =	vadd.f32 v11, v14  }
0x167: {  	v60 =	vld [tilespmem:s24+$0xA2F0];
	[tilespmem:s24+$0x2270] =	vst v58;
	v6 =	vmax.f32 v6, $0.0e+00;
	v4 =	vadd.f32 v4, v12;
	v10 =	vadd.f32 v10, v15  }
0x168: {  	[tilespmem:s24+$0x2280] =	vst v6;
	v5 =	vmax.f32 v5, $0.0e+00;
	v3 =	vadd.f32 v3, v11;
	v61 =	vadd.f32 v9, v16  }
0x169: {  	[tilespmem:s24+$0x2290] =	vst v5;
	v4 =	vmax.f32 v4, $0.0e+00;
	v2 =	vadd.f32 v2, v10;
	v62 =	vadd.f32 v8, v17  }
0x16a: {  	[tilespmem:s24+$0x22A0] =	vst v4;
	v3 =	vmax.f32 v3, $0.0e+00;
	v1 =	vadd.f32 v1, v61;
	v63 =	vadd.f32 v7, v57  }
0x16b: {  	[tilespmem:s24+$0x22B0] =	vst v3;
	v2 =	vmax.f32 v2, $0.0e+00;
	v3 =	vadd.f32 v59, v62  }
0x16c: {  	[tilespmem:s24+$0x22C0] =	vst v2;
	v1 =	vmax.f32 v1, $0.0e+00;
	v2 =	vadd.f32 v60, v63  }
0x16d: {  	s23 =	sadd.s32 $0x1, s23;
	[tilespmem:s24+$0x22D0] =	vst v1;
	v1 =	vmax.f32 v3, $0.0e+00  }
0x16e: {  	p1 =	sne.s32 s23, $0x4F;
	[tilespmem:s24+$0x22E0] =	vst v1;
	v1 =	vmax.f32 v2, $0.0e+00  }
.Ltmp3:
0x16f: {  	[tilespmem:s24+$0x22F0] =	vst v1;
	(pc) =	sbr.rel @p1 .LBB2_4-.Ltmp3, $4  }
0x170: {  	[spmem:s11] =	stream.indirect.scatter.add.f32 [tilespmem:s12], [sflag:$0x7], $0x80, s7, s4, $0xb8;
	[tilespmem:$0x1FA80] =	vst v63  }
0x171: {  	_ =	swait.ge [sflag:s3], $0x2000  }
0x172: {  	[sflag:s3] =	ssyncset.done $0x0  }
0x173: {  	[sflag:s3] =	ssyncadd.s32 $0xFFFFE000  }
0x174: {  	[bflag:$0x0] =	sbarrier.arrive $0xFFFF  }
0x175: {  	[tilespmem:s6], [sflag:$0x7] =	stream.linear.gather [spmem:s29], $0x2000, $0x38;
	[tilespmem:$0x1FA80] =	vst v63  }
0x176: {  	_ =	swait.ge [sflag:s3], $0x2000  }
0x177: {  	[sflag:s3] =	ssyncset.done $0x0  }
0x178: {  	s22 =	rddreg [dreg:$0x3];
	[sflag:s3] =	ssyncadd.s32 $0xFFFFE000  }
0x179: {  	[hbm4b:s22+s0] =	stream.linear.scatter [tilespmem:s6], [sflag:$0x7], $0x2000, $0x38;
	[tilespmem:$0x1FA80] =	vst v63  }
0x17a: {  	_ =	swait.ge [sflag:s3], $0x2000  }
0x17b: {  	[sflag:s3] =	ssyncset.done $0x0  }
0x17c: {  	[sflag:s3] =	ssyncadd.s32 $0xFFFFE000  }
0x17d: {  	[tilespmem:s6], [sflag:$0x7] =	stream.linear.gather [spmem:s2], $0x2000, $0x38;
	[tilespmem:$0x1FA80] =	vst v63  }
0x17e: {  	_ =	swait.ge [sflag:s3], $0x2000  }
0x17f: {  	[sflag:s3] =	ssyncset.done $0x0  }
0x180: {  	s25 =	smov.u32 s29;
	s29 =	rddreg [dreg:$0x4];
	[sflag:s3] =	ssyncadd.s32 $0xFFFFE000  }
0x181: {  	[hbm4b:s29+s0] =	stream.linear.scatter [tilespmem:s6], [sflag:$0x7], $0x2000, $0x38;
	[tilespmem:$0x1FA80] =	vst v63  }
0x182: {  	_ =	swait.ge [sflag:s3], $0x2000  }
0x183: {  	[sflag:s3] =	ssyncset.done $0x0  }
0x184: {  	s28 =	rddreg [dreg:$0xf];
	[sflag:s3] =	ssyncadd.s32 $0xFFFFE000  }
0x185: {  	[tilespmem:s6], [sflag:$0x7] =	stream.linear.gather [spmem:s28], $0x2000, $0x38;
	[tilespmem:$0x1FA80] =	vst v63  }
0x186: {  	_ =	swait.ge [sflag:s3], $0x2000  }
0x187: {  	[sflag:s3] =	ssyncset.done $0x0  }
0x188: {  	s26 =	smov.u32 s2;
	s2 =	rddreg [dreg:$0x5];
	[sflag:s3] =	ssyncadd.s32 $0xFFFFE000  }
0x189: {  	[hbm4b:s2+s0] =	stream.linear.scatter [tilespmem:s6], [sflag:$0x7], $0x2000, $0x38;
	[tilespmem:$0x1FA80] =	vst v63  }
0x18a: {  	_ =	swait.ge [sflag:s3], $0x2000  }
0x18b: {  	[sflag:s3] =	ssyncset.done $0x0  }
0x18c: {  	s23 =	rddreg [dreg:$0x10];
	[sflag:s3] =	ssyncadd.s32 $0xFFFFE000  }
0x18d: {  	[tilespmem:s6], [sflag:$0x7] =	stream.linear.gather [spmem:s23], $0x2000, $0x38;
	[tilespmem:$0x1FA80] =	vst v63  }
0x18e: {  	_ =	swait.ge [sflag:s3], $0x2000  }
0x18f: {  	[sflag:s3] =	ssyncset.done $0x0  }
0x190: {  	s24 =	rddreg [dreg:$0x6];
	[sflag:s3] =	ssyncadd.s32 $0xFFFFE000  }
0x191: {  	[hbm4b:s24+s0] =	stream.linear.scatter [tilespmem:s6], [sflag:$0x7], $0x2000, $0x38;
	[tilespmem:$0x1FA80] =	vst v63  }
0x192: {  	_ =	swait.ge [sflag:s3], $0x2000  }
0x193: {  	[sflag:s3] =	ssyncset.done $0x0  }
0x194: {  	s29 =	rddreg [dreg:$0x11];
	[sflag:s3] =	ssyncadd.s32 $0xFFFFE000  }
0x195: {  	[tilespmem:s6], [sflag:$0x7] =	stream.linear.gather [spmem:s29], $0x2000, $0x38;
	[tilespmem:$0x1FA80] =	vst v63  }
0x196: {  	_ =	swait.ge [sflag:s3], $0x2000  }
0x197: {  	[sflag:s3] =	ssyncset.done $0x0  }
0x198: {  	s2 =	rddreg [dreg:$0x7];
	[sflag:s3] =	ssyncadd.s32 $0xFFFFE000  }
0x199: {  	[hbm4b:s2+s0] =	stream.linear.scatter [tilespmem:s6], [sflag:$0x7], $0x2000, $0x38;
	[tilespmem:$0x1FA80] =	vst v63  }
0x19a: {  	_ =	swait.ge [sflag:s3], $0x2000  }
0x19b: {  	[sflag:s3] =	ssyncset.done $0x0  }
0x19c: {  	s23 =	rddreg [dreg:$0x12];
	[sflag:s3] =	ssyncadd.s32 $0xFFFFE000  }
0x19d: {  	[tilespmem:s6], [sflag:$0x7] =	stream.linear.gather [spmem:s23], $0x2000, $0x38;
	[tilespmem:$0x1FA80] =	vst v63  }
0x19e: {  	_ =	swait.ge [sflag:s3], $0x2000  }
0x19f: {  	[sflag:s3] =	ssyncset.done $0x0  }
0x1a0: {  	s24 =	rddreg [dreg:$0x8];
	[sflag:s3] =	ssyncadd.s32 $0xFFFFE000  }
0x1a1: {  	[hbm4b:s24+s0] =	stream.linear.scatter [tilespmem:s6], [sflag:$0x7], $0x2000, $0x38;
	[tilespmem:$0x1FA80] =	vst v63  }
0x1a2: {  	_ =	swait.ge [sflag:s3], $0x2000  }
0x1a3: {  	[sflag:s3] =	ssyncset.done $0x0  }
0x1a4: {  	s29 =	rddreg [dreg:$0x13];
	[sflag:s3] =	ssyncadd.s32 $0xFFFFE000  }
0x1a5: {  	[tilespmem:s6], [sflag:$0x7] =	stream.linear.gather [spmem:s29], $0x2000, $0x38;
	[tilespmem:$0x1FA80] =	vst v63  }
0x1a6: {  	_ =	swait.ge [sflag:s3], $0x2000  }
0x1a7: {  	[sflag:s3] =	ssyncset.done $0x0  }
0x1a8: {  	s2 =	rddreg [dreg:$0x9];
	[sflag:s3] =	ssyncadd.s32 $0xFFFFE000  }
0x1a9: {  	[hbm4b:s2+s0] =	stream.linear.scatter [tilespmem:s6], [sflag:$0x7], $0x2000, $0x38;
	[tilespmem:$0x1FA80] =	vst v63  }
0x1aa: {  	_ =	swait.ge [sflag:s3], $0x2000  }
0x1ab: {  	[sflag:s3] =	ssyncset.done $0x0  }
0x1ac: {  	s23 =	rddreg [dreg:$0x14];
	[sflag:s3] =	ssyncadd.s32 $0xFFFFE000  }
0x1ad: {  	[tilespmem:s6], [sflag:$0x7] =	stream.linear.gather [spmem:s23], $0x2000, $0x38;
	[tilespmem:$0x1FA80] =	vst v63  }
0x1ae: {  	_ =	swait.ge [sflag:s3], $0x2000  }
0x1af: {  	[sflag:s3] =	ssyncset.done $0x0  }
0x1b0: {  	s24 =	rddreg [dreg:$0xa];
	[sflag:s3] =	ssyncadd.s32 $0xFFFFE000  }
0x1b1: {  	[hbm4b:s24+s0] =	stream.linear.scatter [tilespmem:s6], [sflag:$0x7], $0x2000, $0x38;
	[tilespmem:$0x1FA80] =	vst v63  }
0x1b2: {  	_ =	swait.ge [sflag:s3], $0x2000  }
0x1b3: {  	[sflag:s3] =	ssyncset.done $0x0  }
0x1b4: {  	s29 =	rddreg [dreg:$0x15];
	[sflag:s3] =	ssyncadd.s32 $0xFFFFE000  }
0x1b5: {  	[tilespmem:s6], [sflag:$0x7] =	stream.linear.gather [spmem:s29], $0x2000, $0x38;
	[tilespmem:$0x1FA80] =	vst v63  }
0x1b6: {  	_ =	swait.ge [sflag:s3], $0x2000  }
0x1b7: {  	[sflag:s3] =	ssyncset.done $0x0  }
0x1b8: {  	s2 =	rddreg [dreg:$0xb];
	[sflag:s3] =	ssyncadd.s32 $0xFFFFE000  }
0x1b9: {  	[hbm4b:s2+s0] =	stream.linear.scatter [tilespmem:s6], [sflag:$0x7], $0x2000, $0x38;
	[tilespmem:$0x1FA80] =	vst v63  }
0x1ba: {  	_ =	swait.ge [sflag:s3], $0x2000  }
0x1bb: {  	[sflag:s3] =	ssyncset.done $0x0  }
0x1bc: {  	s23 =	rddreg [dreg:$0x16];
	[sflag:s3] =	ssyncadd.s32 $0xFFFFE000  }
0x1bd: {  	[tilespmem:s6], [sflag:$0x7] =	stream.linear.gather [spmem:s23], $0x1800, $0x38;
	[tilespmem:$0x1FA80] =	vst v63  }
0x1be: {  	_ =	swait.ge [sflag:s3], $0x1800  }
0x1bf: {  	[sflag:s3] =	ssyncset.done $0x0  }
0x1c0: {  	s24 =	rddreg [dreg:$0xc];
	[sflag:s3] =	ssyncadd.s32 $0xFFFFE800  }
0x1c1: {  	[hbm4b:s24+s0] =	stream.linear.scatter [tilespmem:s6], [sflag:$0x7], $0x1800, $0x38;
	[tilespmem:$0x1FA80] =	vst v63  }
0x1c2: {  	_ =	swait.ge [sflag:s3], $0x1800  }
0x1c3: {  	s22 =	simm.s32 @!p0 $0x6200;
	[sflag:s3] =	ssyncset.done $0x0  }
0x1c4: {  	s23 =	simm.s32 @!p0 $0x7;
	s2 =	rddreg [dreg:$0x19];
	[sflag:s3] =	ssyncadd.s32 $0xFFFFE800  }
0x1c5: {  	[tilespmem:s22], [sflag:$0x7] =	stream.linear.gather @!p0 [spmem:s2], $0x800, $0x38;
	[tilespmem:$0x1FA80] =	vst v63  }
0x1c6: {  	_ =	swait.ge @!p0 [sflag:s23], $0x800  }
0x1c7: {  	[sflag:s23] =	ssyncset.done @!p0 $0x0  }
0x1c8: {  	s24 =	simm.s32 @!p0 $0x0;
	s2 =	rddreg [dreg:$0x17];
	[sflag:s23] =	ssyncadd.s32 @!p0 $0xFFFFF800  }
0x1c9: {  	[hbm4b:s2+s24] =	stream.linear.scatter @!p0 [tilespmem:s22], [sflag:$0x7], $0x800, $0x38;
	[tilespmem:$0x1FA80] =	vst v63  }
0x1ca: {  	_ =	swait.ge @!p0 [sflag:s23], $0x800  }
0x1cb: {  	s21 =	sadd.s32 $0x1, s21;
	s29 =	rddreg [dreg:$0x18]  }
0x1cc: {  	p1 =	sne.s32 s21, s29  }
.Ltmp4:
0x1cd: {  	_ = 	snop;
	(pc) =	sbr.rel @p1 .LBB2_1-.Ltmp4, $3  }
0x1ce: {  	_ =	sdelay $0x1  }
0x1cf: {  	[sflag:s23] =	ssyncset.done @!p0 $0x0  }
0x1d0: {  	[sflag:s23] =	ssyncadd.s32 @!p0 $0xFFFFF800  }
0x1d1: {  	_ =	sfence.sel $0x180000  }
0x1d2: {  	[bflag:$0x0] =	sbarrier.arrive $0xFFFF  }
0x1d3: {  	_ =	strace $0x90000047  }
0x1d4: {  	[bflag:$0x2] =	sbarrier.arrive $0xFFFF  }
0x1d5: {  	s0 =	rddreg [dreg:$0x2]  }
0x1d6: {  	s0 =	sadd.s32 @!p0 $0x100000, s0  }
0x1d7: {  	[sflag:s0] =	ssyncadd.tile.s32 @!p0 $0x1;
	_ =	shalt  }
.Lfunc_end2:
_tile_overlayer_lowered:
.L_overlay_start_2:
0x1d8: {  	(tag) =	ssettag $0x2  }
0x1d9: {  	s0 =	rddreg [dreg:$0x0];
	s2 =	stileid.u32  }
0x1da: {  	s1 =	rddreg [dreg:$0x1];
	p0 =	sne.s32 s2, $0x0  }
0x1db: {  	s3 =	rddreg [dreg:$0x2];
	[bflag:$0x3] =	sbarrier.arrive $0xFFFF;
	s2 =	simm.s32 @!p0 $0x1C07  }
0x1dc: {  	[timem:s3], [sflag:s2] =	dma.local @!p0 [hbm:s0], s1  }
0x1dd: {  	s0 =	simm.s32 @!p0 $0x7  }
0x1de: {  	_ =	swait.ge @!p0 [sflag:s0], s1  }
0x1df: {  	s1 =	ssub.s32 @!p0 $0x0, s1;
	[sflag:s0] =	ssyncset.done @!p0 $0x0  }
0x1e0: {  	[sflag:s0] =	ssyncadd.s32 @!p0 s1  }
0x1e1: {  	[bflag:$0x3] =	sbarrier.arrive $0xFFFF  }
0x1e2: {  	_ =	shalt  }

</sc_bundles>
